<compile_context>
chip_gen: v7x
topology: tpu7x:2x2x1
jax: 0.10.2.dev20260603
libtpu: 0.0.44.dev20260713+nightly
codegen_flags: <defaults>
</compile_context>

<pallas_src>
import functools
import math

import jax
import jax.numpy as jnp
from jax import lax
from jax.experimental import pallas as pl
from jax.experimental.pallas import tpu as pltpu
from jax.experimental.pallas import tpu_sc as plsc

EMB = 64
SCALE = math.sqrt(EMB)

B = 4096 * 200
NW = 32
UNIT = 128
NU_ALL = B // UNIT
NU = NU_ALL // NW
NBUF = 5
NROUND = NU // NBUF
PITCH = 132

_mesh = plsc.VectorSubcoreMesh(core_axis_name="c", subcore_axis_name="s")


@functools.partial(
    pl.kernel,
    mesh=_mesh,
    out_type=jax.ShapeDtypeStruct((200, 8, 32, 8, 128), jnp.float32),
    scratch_types=[
        pltpu.VMEM((NU, UNIT), jnp.int32),
        [pltpu.VMEM((UNIT, EMB), jnp.float32) for _ in range(NBUF)],
        [pltpu.VMEM((8, 8, PITCH), jnp.float32) for _ in range(NBUF)],
        [pltpu.SemaphoreType.DMA for _ in range(NBUF)],
        [pltpu.SemaphoreType.DMA for _ in range(NBUF)],
    ],
    compiler_params=pltpu.CompilerParams(
        use_tc_tiling_on_sc=False, needs_layout_passes=False),
)
def _emb_lookup(tokens_hbm, table_hbm, out_hbm, idx_v, gbufs, tbufs,
                gsems, ssems):
    wid = lax.axis_index("s") * 2 + lax.axis_index("c")
    u0 = wid * NU

    pltpu.sync_copy(tokens_hbm.at[pl.ds(u0, NU)], idx_v)

    def issue_gather(lu, b):
        pltpu.async_copy(table_hbm.at[idx_v.at[lu]], gbufs[b], gsems[b])

    def wait_gather(lu, b):
        pltpu.make_async_copy(
            table_hbm.at[idx_v.at[lu]], gbufs[b], gsems[b]).wait()

    def out_tile(lu, b):
        u = u0 + lu
        i1 = u // 32
        i0g = lax.rem(u, 32)
        return (tbufs[b].at[:, :, pl.ds(0, 128)], out_hbm.at[i1, :, i0g])

    def issue_store(lu, b):
        src, dst = out_tile(lu, b)
        pltpu.async_copy(src, dst, ssems[b])

    def wait_store(lu, b):
        src, dst = out_tile(lu, b)
        pltpu.make_async_copy(src, dst, ssems[b]).wait()

    dims16 = [lax.iota(jnp.int32, 16) + 16 * j for j in range(EMB // 16)]
    jg16 = [d // 8 for d in dims16]
    jl16 = [lax.rem(d, 8) for d in dims16]

    for b in range(NBUF):
        issue_gather(b, b)

    def round_body(r, c):
        for db in range(NBUF):
            lu = r * NBUF + db
            bp = (db - 1) % NBUF
            wait_gather(lu, db)

            @plsc.parallel_loop(0, UNIT, step=1, unroll=4)
            def _tr(t):
                col = jnp.full((16,), t, jnp.int32)
                for j in range(EMB // 16):
                    v = gbufs[db][t, pl.ds(16 * j, 16)]
                    plsc.store_scatter(tbufs[db], [jg16[j], jl16[j], col],
                                       v * SCALE)

            @pl.when(lu >= 1)
            def _():
                wait_store(lu - 1, bp)

            @pl.when((lu >= 1) & (lu - 1 + NBUF < NU))
            def _():
                issue_gather(lu - 1 + NBUF, bp)

            issue_store(lu, db)
        return c

    lax.fori_loop(0, NROUND, round_body, 0)
    wait_store(NU - 1, NBUF - 1)


def kernel(tokens, table):
    tokens_u = tokens.T.astype(jnp.int32).reshape(NU_ALL, UNIT)
    o5 = _emb_lookup(tokens_u, table)
    return o5.transpose(2, 4, 0, 1, 3).reshape(4096, 200, EMB)

# --- scband reference (transcript-rebuilt; emitter-appended) ---
"""Pipeline reference for scband-token-embedding-37349035606196 (READ-ONLY COPY).

The authoritative reference and input builder live on the scoring server;
editing this copy changes nothing except your own understanding.
"""

import jax, jax.numpy as jnp
import numpy as np
import math

VOCAB = 1000000
EMB = 64
PAD_IDX = 0

def setup_inputs(seed: int = 0) -> dict:
    key = jax.random.key(seed)
    k1, k2 = jax.random.split(key)
    tokens = jax.random.randint(k1, (4096, 200), 0, VOCAB)
    table = jax.random.normal(k2, (VOCAB, EMB), dtype=jnp.float32)
    # nn.Embedding with padding_idx=PAD_IDX zeros that row
    table = table.at[PAD_IDX].set(0.0)
    return {"tokens": tokens, "table": table}

def reference(tokens, table):
    emb = jnp.take(table, tokens, axis=0)
    return emb * math.sqrt(EMB)

if __name__ == "__main__":
    import jax
    _d = setup_inputs()
    print(jax.jit(kernel)(*tuple(_d.values())))

</pallas_src>

<mosaic_0001>
#map = affine_map<(d0, d1) -> (0, 0)>
#map1 = affine_map<(d0, d1) -> (0, 0, 0, 0, 0)>
module attributes {stable_mosaic.version = 14 : i64} {
  func.func @_emb_lookup(%arg0: i32, %arg1: i32, %arg2: memref<6400x128xi32, #tpu.memory_space<hbm>>, %arg3: memref<1000000x64xf32, #tpu.memory_space<hbm>>, %arg4: memref<200x8x32x8x128xf32, #tpu.memory_space<hbm>>, %arg5: memref<200x128xi32, #tpu.memory_space<vmem>>, %arg6: memref<128x64xf32, #tpu.memory_space<vmem>>, %arg7: memref<128x64xf32, #tpu.memory_space<vmem>>, %arg8: memref<128x64xf32, #tpu.memory_space<vmem>>, %arg9: memref<128x64xf32, #tpu.memory_space<vmem>>, %arg10: memref<128x64xf32, #tpu.memory_space<vmem>>, %arg11: memref<8x8x132xf32, #tpu.memory_space<vmem>>, %arg12: memref<8x8x132xf32, #tpu.memory_space<vmem>>, %arg13: memref<8x8x132xf32, #tpu.memory_space<vmem>>, %arg14: memref<8x8x132xf32, #tpu.memory_space<vmem>>, %arg15: memref<8x8x132xf32, #tpu.memory_space<vmem>>, %arg16: memref<!tpu.dma_semaphore, #tpu.memory_space<semaphore_mem>>, %arg17: memref<!tpu.dma_semaphore, #tpu.memory_space<semaphore_mem>>, %arg18: memref<!tpu.dma_semaphore, #tpu.memory_space<semaphore_mem>>, %arg19: memref<!tpu.dma_semaphore, #tpu.memory_space<semaphore_mem>>, %arg20: memref<!tpu.dma_semaphore, #tpu.memory_space<semaphore_mem>>, %arg21: memref<!tpu.dma_semaphore, #tpu.memory_space<semaphore_mem>>, %arg22: memref<!tpu.dma_semaphore, #tpu.memory_space<semaphore_mem>>, %arg23: memref<!tpu.dma_semaphore, #tpu.memory_space<semaphore_mem>>, %arg24: memref<!tpu.dma_semaphore, #tpu.memory_space<semaphore_mem>>, %arg25: memref<!tpu.dma_semaphore, #tpu.memory_space<semaphore_mem>>) attributes {dimension_semantics = [#tpu.dimension_semantics<core_parallel>, #tpu.dimension_semantics<subcore_parallel>], iteration_bounds = array<i64: 2, 16>, scalar_prefetch = 0 : i64, scratch_operands = 21 : i64, tpu.core_type = #tpu.core_type<sc_vector_subcore>, window_params = [{transform_indices = #map}, {transform_indices = #map}, {transform_indices = #map1}]} {
    %mul3A = arith.constant 2 : i32
    %mul3A_0 = arith.muli %arg1, %mul3A : i32
    %add3A = arith.addi %mul3A_0, %arg0 : i32
    %mul3A_1 = arith.constant 200 : i32
    %mul3A_2 = arith.muli %add3A, %mul3A_1 : i32
    "tpu.region"() ({
      %run_scoped3A = tpu.sem_alloc : memref<!tpu.dma_semaphore, #tpu.memory_space<semaphore_mem>>
      %dma_start3A_230 = arith.constant 0 : i32
      %dma_start3A_231 = tpu.memref_slice %arg2[%mul3A_2, %dma_start3A_230] : memref<6400x128xi32, #tpu.memory_space<hbm>> -> memref<200x128xi32, #tpu.memory_space<hbm>>
      %dma_start3A_232 = arith.constant 0 : i32
      %dma_start3A_233 = tpu.memref_slice %arg2[%mul3A_2, %dma_start3A_232] : memref<6400x128xi32, #tpu.memory_space<hbm>> -> memref<200x128xi32, #tpu.memory_space<hbm>>
      tpu.enqueue_dma source(%dma_start3A_233 : memref<200x128xi32, #tpu.memory_space<hbm>>) target(%arg5 : memref<200x128xi32, #tpu.memory_space<vmem>>) target_semaphore(%run_scoped3A : memref<!tpu.dma_semaphore, #tpu.memory_space<semaphore_mem>>)
      %dma_wait3A_234 = arith.constant 0 : i32
      %dma_wait3A_235 = tpu.memref_slice %arg2[%mul3A_2, %dma_wait3A_234] : memref<6400x128xi32, #tpu.memory_space<hbm>> -> memref<200x128xi32, #tpu.memory_space<hbm>>
      %dma_wait3A_236 = arith.constant 0 : i32
      %dma_wait3A_237 = tpu.memref_slice %arg2[%mul3A_2, %dma_wait3A_236] : memref<6400x128xi32, #tpu.memory_space<hbm>> -> memref<200x128xi32, #tpu.memory_space<hbm>>
      tpu.wait_dma2 semaphore(%run_scoped3A : memref<!tpu.dma_semaphore, #tpu.memory_space<semaphore_mem>>) src(%dma_wait3A_237 : memref<200x128xi32, #tpu.memory_space<hbm>>) dst(%arg5 : memref<200x128xi32, #tpu.memory_space<vmem>>)
      tpu.yield
    }) : () -> ()
    %iota3A = tpu.iota {dimensions = array<i32: 0>} : vector<16xi32>
    %add3A_3 = arith.constant 0 : i32
    %add3A_4 = vector.broadcast %add3A_3 : i32 to vector<16xi32>
    %add3A_5 = arith.addi %iota3A, %add3A_4 : vector<16xi32>
    %iota3A_6 = tpu.iota {dimensions = array<i32: 0>} : vector<16xi32>
    %add3A_7 = arith.constant 16 : i32
    %add3A_8 = vector.broadcast %add3A_7 : i32 to vector<16xi32>
    %add3A_9 = arith.addi %iota3A_6, %add3A_8 : vector<16xi32>
    %iota3A_10 = tpu.iota {dimensions = array<i32: 0>} : vector<16xi32>
    %add3A_11 = arith.constant 32 : i32
    %add3A_12 = vector.broadcast %add3A_11 : i32 to vector<16xi32>
    %add3A_13 = arith.addi %iota3A_10, %add3A_12 : vector<16xi32>
    %iota3A_14 = tpu.iota {dimensions = array<i32: 0>} : vector<16xi32>
    %add3A_15 = arith.constant 48 : i32
    %add3A_16 = vector.broadcast %add3A_15 : i32 to vector<16xi32>
    %add3A_17 = arith.addi %iota3A_14, %add3A_16 : vector<16xi32>
    %jit3A = arith.constant 8 : i32
    %div3A = vector.broadcast %jit3A : i32 to vector<16xi32>
    %div3A_18 = arith.divsi %add3A_5, %div3A : vector<16xi32>
    %sign3A = arith.constant 0 : i32
    %sign3A_19 = vector.broadcast %sign3A : i32 to vector<16xi32>
    %sign3A_20 = arith.cmpi sgt, %add3A_5, %sign3A_19 : vector<16xi32>
    %sign3A_21 = arith.extui %sign3A_20 : vector<16xi1> to vector<16xi32>
    %sign3A_22 = arith.constant 0 : i32
    %sign3A_23 = vector.broadcast %sign3A_22 : i32 to vector<16xi32>
    %sign3A_24 = arith.cmpi slt, %add3A_5, %sign3A_23 : vector<16xi32>
    %sign3A_25 = arith.extui %sign3A_24 : vector<16xi1> to vector<16xi32>
    %sign3A_26 = arith.subi %sign3A_21, %sign3A_25 : vector<16xi32>
    %sign3A_27 = arith.constant 0 : i32
    %sign3A_28 = arith.cmpi sgt, %jit3A, %sign3A_27 : i32
    %sign3A_29 = arith.extui %sign3A_28 : i1 to i32
    %sign3A_30 = arith.constant 0 : i32
    %sign3A_31 = arith.cmpi slt, %jit3A, %sign3A_30 : i32
    %sign3A_32 = arith.extui %sign3A_31 : i1 to i32
    %sign3A_33 = arith.subi %sign3A_29, %sign3A_32 : i32
    %ne3A = vector.broadcast %sign3A_33 : i32 to vector<16xi32>
    %ne3A_34 = arith.cmpi ne, %sign3A_26, %ne3A : vector<16xi32>
    %rem3A = vector.broadcast %jit3A : i32 to vector<16xi32>
    %rem3A_35 = arith.remsi %add3A_5, %rem3A : vector<16xi32>
    %ne3A_36 = arith.constant 0 : i32
    %ne3A_37 = vector.broadcast %ne3A_36 : i32 to vector<16xi32>
    %ne3A_38 = arith.cmpi ne, %rem3A_35, %ne3A_37 : vector<16xi32>
    %and3A = arith.andi %ne3A_34, %ne3A_38 : vector<16xi1>
    %sub3A = arith.constant 1 : i32
    %sub3A_39 = vector.broadcast %sub3A : i32 to vector<16xi32>
    %sub3A_40 = arith.subi %div3A_18, %sub3A_39 : vector<16xi32>
    %select_n3A = arith.select %and3A, %sub3A_40, %div3A_18 : vector<16xi1>, vector<16xi32>
    %jit3A_41 = arith.constant 8 : i32
    %div3A_42 = vector.broadcast %jit3A_41 : i32 to vector<16xi32>
    %div3A_43 = arith.divsi %add3A_9, %div3A_42 : vector<16xi32>
    %sign3A_44 = arith.constant 0 : i32
    %sign3A_45 = vector.broadcast %sign3A_44 : i32 to vector<16xi32>
    %sign3A_46 = arith.cmpi sgt, %add3A_9, %sign3A_45 : vector<16xi32>
    %sign3A_47 = arith.extui %sign3A_46 : vector<16xi1> to vector<16xi32>
    %sign3A_48 = arith.constant 0 : i32
    %sign3A_49 = vector.broadcast %sign3A_48 : i32 to vector<16xi32>
    %sign3A_50 = arith.cmpi slt, %add3A_9, %sign3A_49 : vector<16xi32>
    %sign3A_51 = arith.extui %sign3A_50 : vector<16xi1> to vector<16xi32>
    %sign3A_52 = arith.subi %sign3A_47, %sign3A_51 : vector<16xi32>
    %sign3A_53 = arith.constant 0 : i32
    %sign3A_54 = arith.cmpi sgt, %jit3A_41, %sign3A_53 : i32
    %sign3A_55 = arith.extui %sign3A_54 : i1 to i32
    %sign3A_56 = arith.constant 0 : i32
    %sign3A_57 = arith.cmpi slt, %jit3A_41, %sign3A_56 : i32
    %sign3A_58 = arith.extui %sign3A_57 : i1 to i32
    %sign3A_59 = arith.subi %sign3A_55, %sign3A_58 : i32
    %ne3A_60 = vector.broadcast %sign3A_59 : i32 to vector<16xi32>
    %ne3A_61 = arith.cmpi ne, %sign3A_52, %ne3A_60 : vector<16xi32>
    %rem3A_62 = vector.broadcast %jit3A_41 : i32 to vector<16xi32>
    %rem3A_63 = arith.remsi %add3A_9, %rem3A_62 : vector<16xi32>
    %ne3A_64 = arith.constant 0 : i32
    %ne3A_65 = vector.broadcast %ne3A_64 : i32 to vector<16xi32>
    %ne3A_66 = arith.cmpi ne, %rem3A_63, %ne3A_65 : vector<16xi32>
    %and3A_67 = arith.andi %ne3A_61, %ne3A_66 : vector<16xi1>
    %sub3A_68 = arith.constant 1 : i32
    %sub3A_69 = vector.broadcast %sub3A_68 : i32 to vector<16xi32>
    %sub3A_70 = arith.subi %div3A_43, %sub3A_69 : vector<16xi32>
    %select_n3A_71 = arith.select %and3A_67, %sub3A_70, %div3A_43 : vector<16xi1>, vector<16xi32>
    %jit3A_72 = arith.constant 8 : i32
    %div3A_73 = vector.broadcast %jit3A_72 : i32 to vector<16xi32>
    %div3A_74 = arith.divsi %add3A_13, %div3A_73 : vector<16xi32>
    %sign3A_75 = arith.constant 0 : i32
    %sign3A_76 = vector.broadcast %sign3A_75 : i32 to vector<16xi32>
    %sign3A_77 = arith.cmpi sgt, %add3A_13, %sign3A_76 : vector<16xi32>
    %sign3A_78 = arith.extui %sign3A_77 : vector<16xi1> to vector<16xi32>
    %sign3A_79 = arith.constant 0 : i32
    %sign3A_80 = vector.broadcast %sign3A_79 : i32 to vector<16xi32>
    %sign3A_81 = arith.cmpi slt, %add3A_13, %sign3A_80 : vector<16xi32>
    %sign3A_82 = arith.extui %sign3A_81 : vector<16xi1> to vector<16xi32>
    %sign3A_83 = arith.subi %sign3A_78, %sign3A_82 : vector<16xi32>
    %sign3A_84 = arith.constant 0 : i32
    %sign3A_85 = arith.cmpi sgt, %jit3A_72, %sign3A_84 : i32
    %sign3A_86 = arith.extui %sign3A_85 : i1 to i32
    %sign3A_87 = arith.constant 0 : i32
    %sign3A_88 = arith.cmpi slt, %jit3A_72, %sign3A_87 : i32
    %sign3A_89 = arith.extui %sign3A_88 : i1 to i32
    %sign3A_90 = arith.subi %sign3A_86, %sign3A_89 : i32
    %ne3A_91 = vector.broadcast %sign3A_90 : i32 to vector<16xi32>
    %ne3A_92 = arith.cmpi ne, %sign3A_83, %ne3A_91 : vector<16xi32>
    %rem3A_93 = vector.broadcast %jit3A_72 : i32 to vector<16xi32>
    %rem3A_94 = arith.remsi %add3A_13, %rem3A_93 : vector<16xi32>
    %ne3A_95 = arith.constant 0 : i32
    %ne3A_96 = vector.broadcast %ne3A_95 : i32 to vector<16xi32>
    %ne3A_97 = arith.cmpi ne, %rem3A_94, %ne3A_96 : vector<16xi32>
    %and3A_98 = arith.andi %ne3A_92, %ne3A_97 : vector<16xi1>
    %sub3A_99 = arith.constant 1 : i32
    %sub3A_100 = vector.broadcast %sub3A_99 : i32 to vector<16xi32>
    %sub3A_101 = arith.subi %div3A_74, %sub3A_100 : vector<16xi32>
    %select_n3A_102 = arith.select %and3A_98, %sub3A_101, %div3A_74 : vector<16xi1>, vector<16xi32>
    %jit3A_103 = arith.constant 8 : i32
    %div3A_104 = vector.broadcast %jit3A_103 : i32 to vector<16xi32>
    %div3A_105 = arith.divsi %add3A_17, %div3A_104 : vector<16xi32>
    %sign3A_106 = arith.constant 0 : i32
    %sign3A_107 = vector.broadcast %sign3A_106 : i32 to vector<16xi32>
    %sign3A_108 = arith.cmpi sgt, %add3A_17, %sign3A_107 : vector<16xi32>
    %sign3A_109 = arith.extui %sign3A_108 : vector<16xi1> to vector<16xi32>
    %sign3A_110 = arith.constant 0 : i32
    %sign3A_111 = vector.broadcast %sign3A_110 : i32 to vector<16xi32>
    %sign3A_112 = arith.cmpi slt, %add3A_17, %sign3A_111 : vector<16xi32>
    %sign3A_113 = arith.extui %sign3A_112 : vector<16xi1> to vector<16xi32>
    %sign3A_114 = arith.subi %sign3A_109, %sign3A_113 : vector<16xi32>
    %sign3A_115 = arith.constant 0 : i32
    %sign3A_116 = arith.cmpi sgt, %jit3A_103, %sign3A_115 : i32
    %sign3A_117 = arith.extui %sign3A_116 : i1 to i32
    %sign3A_118 = arith.constant 0 : i32
    %sign3A_119 = arith.cmpi slt, %jit3A_103, %sign3A_118 : i32
    %sign3A_120 = arith.extui %sign3A_119 : i1 to i32
    %sign3A_121 = arith.subi %sign3A_117, %sign3A_120 : i32
    %ne3A_122 = vector.broadcast %sign3A_121 : i32 to vector<16xi32>
    %ne3A_123 = arith.cmpi ne, %sign3A_114, %ne3A_122 : vector<16xi32>
    %rem3A_124 = vector.broadcast %jit3A_103 : i32 to vector<16xi32>
    %rem3A_125 = arith.remsi %add3A_17, %rem3A_124 : vector<16xi32>
    %ne3A_126 = arith.constant 0 : i32
    %ne3A_127 = vector.broadcast %ne3A_126 : i32 to vector<16xi32>
    %ne3A_128 = arith.cmpi ne, %rem3A_125, %ne3A_127 : vector<16xi32>
    %and3A_129 = arith.andi %ne3A_123, %ne3A_128 : vector<16xi1>
    %sub3A_130 = arith.constant 1 : i32
    %sub3A_131 = vector.broadcast %sub3A_130 : i32 to vector<16xi32>
    %sub3A_132 = arith.subi %div3A_105, %sub3A_131 : vector<16xi32>
    %select_n3A_133 = arith.select %and3A_129, %sub3A_132, %div3A_105 : vector<16xi1>, vector<16xi32>
    %rem3A_134 = arith.constant 8 : i32
    %rem3A_135 = vector.broadcast %rem3A_134 : i32 to vector<16xi32>
    %rem3A_136 = arith.remsi %add3A_5, %rem3A_135 : vector<16xi32>
    %rem3A_137 = arith.constant 8 : i32
    %rem3A_138 = vector.broadcast %rem3A_137 : i32 to vector<16xi32>
    %rem3A_139 = arith.remsi %add3A_9, %rem3A_138 : vector<16xi32>
    %rem3A_140 = arith.constant 8 : i32
    %rem3A_141 = vector.broadcast %rem3A_140 : i32 to vector<16xi32>
    %rem3A_142 = arith.remsi %add3A_13, %rem3A_141 : vector<16xi32>
    %rem3A_143 = arith.constant 8 : i32
    %rem3A_144 = vector.broadcast %rem3A_143 : i32 to vector<16xi32>
    %rem3A_145 = arith.remsi %add3A_17, %rem3A_144 : vector<16xi32>
    %dma_start3A = arith.constant 0 : i32
    %dma_start3A_146 = arith.constant 0 : i32
    %dma_start3A_147 = tpu.memref_slice %arg5[%dma_start3A, %dma_start3A_146] : memref<200x128xi32, #tpu.memory_space<vmem>> -> memref<1x128xi32, #tpu.memory_space<vmem>>
    %dma_start3A_148 = tpu.memref_squeeze %dma_start3A_147 : memref<1x128xi32, #tpu.memory_space<vmem>> -> memref<128xi32, #tpu.memory_space<vmem>>
    %dma_start3A_149 = arith.constant 0 : i32
    %dma_start3A_150 = arith.constant 0 : i32
    %dma_start3A_151 = tpu.memref_slice %arg3[%dma_start3A_149, %dma_start3A_150] : memref<1000000x64xf32, #tpu.memory_space<hbm>> -> memref<1000000x64xf32, #tpu.memory_space<hbm>>
    tpu.enqueue_indirect_dma source(%dma_start3A_151 : memref<1000000x64xf32, #tpu.memory_space<hbm>>) target(%arg6 : memref<128x64xf32, #tpu.memory_space<vmem>>) offsets(%dma_start3A_148 : memref<128xi32, #tpu.memory_space<vmem>>) semaphore(%arg16 : memref<!tpu.dma_semaphore, #tpu.memory_space<semaphore_mem>>)
    %dma_start3A_152 = arith.constant 1 : i32
    %dma_start3A_153 = arith.constant 0 : i32
    %dma_start3A_154 = tpu.memref_slice %arg5[%dma_start3A_152, %dma_start3A_153] : memref<200x128xi32, #tpu.memory_space<vmem>> -> memref<1x128xi32, #tpu.memory_space<vmem>>
    %dma_start3A_155 = tpu.memref_squeeze %dma_start3A_154 : memref<1x128xi32, #tpu.memory_space<vmem>> -> memref<128xi32, #tpu.memory_space<vmem>>
    %dma_start3A_156 = arith.constant 0 : i32
    %dma_start3A_157 = arith.constant 0 : i32
    %dma_start3A_158 = tpu.memref_slice %arg3[%dma_start3A_156, %dma_start3A_157] : memref<1000000x64xf32, #tpu.memory_space<hbm>> -> memref<1000000x64xf32, #tpu.memory_space<hbm>>
    tpu.enqueue_indirect_dma source(%dma_start3A_158 : memref<1000000x64xf32, #tpu.memory_space<hbm>>) target(%arg7 : memref<128x64xf32, #tpu.memory_space<vmem>>) offsets(%dma_start3A_155 : memref<128xi32, #tpu.memory_space<vmem>>) semaphore(%arg17 : memref<!tpu.dma_semaphore, #tpu.memory_space<semaphore_mem>>)
    %dma_start3A_159 = arith.constant 2 : i32
    %dma_start3A_160 = arith.constant 0 : i32
    %dma_start3A_161 = tpu.memref_slice %arg5[%dma_start3A_159, %dma_start3A_160] : memref<200x128xi32, #tpu.memory_space<vmem>> -> memref<1x128xi32, #tpu.memory_space<vmem>>
    %dma_start3A_162 = tpu.memref_squeeze %dma_start3A_161 : memref<1x128xi32, #tpu.memory_space<vmem>> -> memref<128xi32, #tpu.memory_space<vmem>>
    %dma_start3A_163 = arith.constant 0 : i32
    %dma_start3A_164 = arith.constant 0 : i32
    %dma_start3A_165 = tpu.memref_slice %arg3[%dma_start3A_163, %dma_start3A_164] : memref<1000000x64xf32, #tpu.memory_space<hbm>> -> memref<1000000x64xf32, #tpu.memory_space<hbm>>
    tpu.enqueue_indirect_dma source(%dma_start3A_165 : memref<1000000x64xf32, #tpu.memory_space<hbm>>) target(%arg8 : memref<128x64xf32, #tpu.memory_space<vmem>>) offsets(%dma_start3A_162 : memref<128xi32, #tpu.memory_space<vmem>>) semaphore(%arg18 : memref<!tpu.dma_semaphore, #tpu.memory_space<semaphore_mem>>)
    %dma_start3A_166 = arith.constant 3 : i32
    %dma_start3A_167 = arith.constant 0 : i32
    %dma_start3A_168 = tpu.memref_slice %arg5[%dma_start3A_166, %dma_start3A_167] : memref<200x128xi32, #tpu.memory_space<vmem>> -> memref<1x128xi32, #tpu.memory_space<vmem>>
    %dma_start3A_169 = tpu.memref_squeeze %dma_start3A_168 : memref<1x128xi32, #tpu.memory_space<vmem>> -> memref<128xi32, #tpu.memory_space<vmem>>
    %dma_start3A_170 = arith.constant 0 : i32
    %dma_start3A_171 = arith.constant 0 : i32
    %dma_start3A_172 = tpu.memref_slice %arg3[%dma_start3A_170, %dma_start3A_171] : memref<1000000x64xf32, #tpu.memory_space<hbm>> -> memref<1000000x64xf32, #tpu.memory_space<hbm>>
    tpu.enqueue_indirect_dma source(%dma_start3A_172 : memref<1000000x64xf32, #tpu.memory_space<hbm>>) target(%arg9 : memref<128x64xf32, #tpu.memory_space<vmem>>) offsets(%dma_start3A_169 : memref<128xi32, #tpu.memory_space<vmem>>) semaphore(%arg19 : memref<!tpu.dma_semaphore, #tpu.memory_space<semaphore_mem>>)
    %dma_start3A_173 = arith.constant 4 : i32
    %dma_start3A_174 = arith.constant 0 : i32
    %dma_start3A_175 = tpu.memref_slice %arg5[%dma_start3A_173, %dma_start3A_174] : memref<200x128xi32, #tpu.memory_space<vmem>> -> memref<1x128xi32, #tpu.memory_space<vmem>>
    %dma_start3A_176 = tpu.memref_squeeze %dma_start3A_175 : memref<1x128xi32, #tpu.memory_space<vmem>> -> memref<128xi32, #tpu.memory_space<vmem>>
    %dma_start3A_177 = arith.constant 0 : i32
    %dma_start3A_178 = arith.constant 0 : i32
    %dma_start3A_179 = tpu.memref_slice %arg3[%dma_start3A_177, %dma_start3A_178] : memref<1000000x64xf32, #tpu.memory_space<hbm>> -> memref<1000000x64xf32, #tpu.memory_space<hbm>>
    tpu.enqueue_indirect_dma source(%dma_start3A_179 : memref<1000000x64xf32, #tpu.memory_space<hbm>>) target(%arg10 : memref<128x64xf32, #tpu.memory_space<vmem>>) offsets(%dma_start3A_176 : memref<128xi32, #tpu.memory_space<vmem>>) semaphore(%arg20 : memref<!tpu.dma_semaphore, #tpu.memory_space<semaphore_mem>>)
    %scan3A = arith.constant 0 : i32
    %scan3A_180 = arith.constant 0 : i32
    %scan3A_181 = arith.constant 40 : i32
    %scan3A_182 = arith.addi %scan3A_180, %scan3A_181 : i32
    %scan3A_183 = arith.constant 1 : i32
    scf.for %scan3A_230 = %scan3A_180 to %scan3A_182 step %scan3A_183  : i32 {
      %mul3A_231 = arith.constant 5 : i32
      %mul3A_232 = arith.muli %scan3A_230, %mul3A_231 : i32
      %add3A_233 = arith.constant 0 : i32
      %add3A_234 = arith.addi %mul3A_232, %add3A_233 : i32
      %dma_wait3A_235 = arith.constant 0 : i32
      %dma_wait3A_236 = tpu.memref_slice %arg5[%add3A_234, %dma_wait3A_235] : memref<200x128xi32, #tpu.memory_space<vmem>> -> memref<1x128xi32, #tpu.memory_space<vmem>>
      %dma_wait3A_237 = tpu.memref_squeeze %dma_wait3A_236 : memref<1x128xi32, #tpu.memory_space<vmem>> -> memref<128xi32, #tpu.memory_space<vmem>>
      %dma_wait3A_238 = arith.constant 0 : i32
      %dma_wait3A_239 = arith.constant 0 : i32
      %dma_wait3A_240 = tpu.memref_slice %arg3[%dma_wait3A_238, %dma_wait3A_239] : memref<1000000x64xf32, #tpu.memory_space<hbm>> -> memref<1000000x64xf32, #tpu.memory_space<hbm>>
      tpu.wait_indirect_dma semaphore(%arg16 : memref<!tpu.dma_semaphore, #tpu.memory_space<semaphore_mem>>) src(%dma_wait3A_240 : memref<1000000x64xf32, #tpu.memory_space<hbm>>) dst(%arg6 : memref<128x64xf32, #tpu.memory_space<vmem>>)
      %parallel_loop3A = arith.constant 0 : i32
      %parallel_loop3A_241 = arith.constant 128 : i32
      %parallel_loop3A_242 = arith.constant 1 : i32
      scf.for %parallel_loop3A_601 = %parallel_loop3A to %parallel_loop3A_241 step %parallel_loop3A_242  : i32 {
        %parallel_loop3A_602 = vector.broadcast %parallel_loop3A_601 : i32 to vector<16xi32>
        %parallel_loop3A_603 = arith.index_cast %parallel_loop3A_601 : i32 to index
        %parallel_loop3A_604 = arith.constant 0 : index
        %parallel_loop3A_605 = tpu.vector_load %arg6[%parallel_loop3A_603, %parallel_loop3A_604] {strides = array<i32>} : memref<128x64xf32, #tpu.memory_space<vmem>>, vector<16xf32>,
        %parallel_loop3A_606 = arith.constant 8.000000e+00 : f32
        %parallel_loop3A_607 = vector.broadcast %parallel_loop3A_606 : f32 to vector<16xf32>
        %parallel_loop3A_608 = arith.mulf %parallel_loop3A_605, %parallel_loop3A_607 : vector<16xf32>
        tpu.vector_store_idx %arg11[%select_n3A, %rem3A_136, %parallel_loop3A_602], %parallel_loop3A_608 : memref<8x8x132xf32, #tpu.memory_space<vmem>>[vector<16xi32>, vector<16xi32>, vector<16xi32>], vector<16xf32>,
        %parallel_loop3A_609 = arith.index_cast %parallel_loop3A_601 : i32 to index
        %parallel_loop3A_610 = arith.constant 16 : index
        %parallel_loop3A_611 = tpu.vector_load %arg6[%parallel_loop3A_609, %parallel_loop3A_610] {strides = array<i32>} : memref<128x64xf32, #tpu.memory_space<vmem>>, vector<16xf32>,
        %parallel_loop3A_612 = arith.constant 8.000000e+00 : f32
        %parallel_loop3A_613 = vector.broadcast %parallel_loop3A_612 : f32 to vector<16xf32>
        %parallel_loop3A_614 = arith.mulf %parallel_loop3A_611, %parallel_loop3A_613 : vector<16xf32>
        tpu.vector_store_idx %arg11[%select_n3A_71, %rem3A_139, %parallel_loop3A_602], %parallel_loop3A_614 : memref<8x8x132xf32, #tpu.memory_space<vmem>>[vector<16xi32>, vector<16xi32>, vector<16xi32>], vector<16xf32>,
        %parallel_loop3A_615 = arith.index_cast %parallel_loop3A_601 : i32 to index
        %parallel_loop3A_616 = arith.constant 32 : index
        %parallel_loop3A_617 = tpu.vector_load %arg6[%parallel_loop3A_615, %parallel_loop3A_616] {strides = array<i32>} : memref<128x64xf32, #tpu.memory_space<vmem>>, vector<16xf32>,
        %parallel_loop3A_618 = arith.constant 8.000000e+00 : f32
        %parallel_loop3A_619 = vector.broadcast %parallel_loop3A_618 : f32 to vector<16xf32>
        %parallel_loop3A_620 = arith.mulf %parallel_loop3A_617, %parallel_loop3A_619 : vector<16xf32>
        tpu.vector_store_idx %arg11[%select_n3A_102, %rem3A_142, %parallel_loop3A_602], %parallel_loop3A_620 : memref<8x8x132xf32, #tpu.memory_space<vmem>>[vector<16xi32>, vector<16xi32>, vector<16xi32>], vector<16xf32>,
        %parallel_loop3A_621 = arith.index_cast %parallel_loop3A_601 : i32 to index
        %parallel_loop3A_622 = arith.constant 48 : index
        %parallel_loop3A_623 = tpu.vector_load %arg6[%parallel_loop3A_621, %parallel_loop3A_622] {strides = array<i32>} : memref<128x64xf32, #tpu.memory_space<vmem>>, vector<16xf32>,
        %parallel_loop3A_624 = arith.constant 8.000000e+00 : f32
        %parallel_loop3A_625 = vector.broadcast %parallel_loop3A_624 : f32 to vector<16xf32>
        %parallel_loop3A_626 = arith.mulf %parallel_loop3A_623, %parallel_loop3A_625 : vector<16xf32>
        tpu.vector_store_idx %arg11[%select_n3A_133, %rem3A_145, %parallel_loop3A_602], %parallel_loop3A_626 : memref<8x8x132xf32, #tpu.memory_space<vmem>>[vector<16xi32>, vector<16xi32>, vector<16xi32>], vector<16xf32>,
      } {sc.loop_unroll_factor = 4 : i64, sc.parallel_access}
      %ge3A = arith.constant 1 : i32
      %ge3A_243 = arith.cmpi sge, %add3A_234, %ge3A : i32
      %convert_element_type3A = arith.extui %ge3A_243 : i1 to i32
      %cond3A = arith.constant 0 : i32
      %cond3A_244 = arith.cmpi ne, %convert_element_type3A, %cond3A : i32
      scf.if %cond3A_244 {
        %sub3A_601 = arith.constant 1 : i32
        %sub3A_602 = arith.subi %add3A_234, %sub3A_601 : i32
        %add3A_603 = arith.addi %mul3A_2, %sub3A_602 : i32
        %jit3A_604 = arith.constant 32 : i32
        %div3A_605 = arith.divsi %add3A_603, %jit3A_604 : i32
        %sign3A_606 = arith.constant 0 : i32
        %sign3A_607 = arith.cmpi sgt, %add3A_603, %sign3A_606 : i32
        %sign3A_608 = arith.extui %sign3A_607 : i1 to i32
        %sign3A_609 = arith.constant 0 : i32
        %sign3A_610 = arith.cmpi slt, %add3A_603, %sign3A_609 : i32
        %sign3A_611 = arith.extui %sign3A_610 : i1 to i32
        %sign3A_612 = arith.subi %sign3A_608, %sign3A_611 : i32
        %sign3A_613 = arith.constant 0 : i32
        %sign3A_614 = arith.cmpi sgt, %jit3A_604, %sign3A_613 : i32
        %sign3A_615 = arith.extui %sign3A_614 : i1 to i32
        %sign3A_616 = arith.constant 0 : i32
        %sign3A_617 = arith.cmpi slt, %jit3A_604, %sign3A_616 : i32
        %sign3A_618 = arith.extui %sign3A_617 : i1 to i32
        %sign3A_619 = arith.subi %sign3A_615, %sign3A_618 : i32
        %ne3A_620 = arith.cmpi ne, %sign3A_612, %sign3A_619 : i32
        %rem3A_621 = arith.remsi %add3A_603, %jit3A_604 : i32
        %ne3A_622 = arith.constant 0 : i32
        %ne3A_623 = arith.cmpi ne, %rem3A_621, %ne3A_622 : i32
        %and3A_624 = arith.andi %ne3A_620, %ne3A_623 : i1
        %sub3A_625 = arith.constant 1 : i32
        %sub3A_626 = arith.subi %div3A_605, %sub3A_625 : i32
        %select_n3A_627 = arith.select %and3A_624, %sub3A_626, %div3A_605 : i32
        %rem3A_628 = arith.constant 32 : i32
        %rem3A_629 = arith.remsi %add3A_603, %rem3A_628 : i32
        %dma_wait3A_630 = arith.constant 0 : i32
        %dma_wait3A_631 = arith.constant 0 : i32
        %dma_wait3A_632 = arith.constant 0 : i32
        %dma_wait3A_633 = tpu.memref_slice %arg15[%dma_wait3A_630, %dma_wait3A_631, %dma_wait3A_632] : memref<8x8x132xf32, #tpu.memory_space<vmem>> -> memref<8x8x128xf32, #tpu.memory_space<vmem>>
        %dma_wait3A_634 = arith.constant 0 : i32
        %dma_wait3A_635 = arith.constant 0 : i32
        %dma_wait3A_636 = arith.constant 0 : i32
        %dma_wait3A_637 = tpu.memref_slice %arg4[%select_n3A_627, %dma_wait3A_634, %rem3A_629, %dma_wait3A_635, %dma_wait3A_636] : memref<200x8x32x8x128xf32, #tpu.memory_space<hbm>> -> memref<1x8x1x8x128xf32, #tpu.memory_space<hbm>>
        %dma_wait3A_638 = tpu.memref_squeeze %dma_wait3A_637 : memref<1x8x1x8x128xf32, #tpu.memory_space<hbm>> -> memref<8x8x128xf32, #tpu.memory_space<hbm>>
        %dma_wait3A_639 = arith.constant 0 : i32
        %dma_wait3A_640 = arith.constant 0 : i32
        %dma_wait3A_641 = arith.constant 0 : i32
        %dma_wait3A_642 = tpu.memref_slice %arg4[%select_n3A_627, %dma_wait3A_639, %rem3A_629, %dma_wait3A_640, %dma_wait3A_641] : memref<200x8x32x8x128xf32, #tpu.memory_space<hbm>> -> memref<1x8x1x8x128xf32, #tpu.memory_space<hbm>>
        %dma_wait3A_643 = tpu.memref_squeeze %dma_wait3A_642 : memref<1x8x1x8x128xf32, #tpu.memory_space<hbm>> -> memref<8x8x128xf32, #tpu.memory_space<hbm>>
        %dma_wait3A_644 = arith.constant 0 : i32
        %dma_wait3A_645 = arith.constant 0 : i32
        %dma_wait3A_646 = arith.constant 0 : i32
        %dma_wait3A_647 = tpu.memref_slice %arg15[%dma_wait3A_644, %dma_wait3A_645, %dma_wait3A_646] : memref<8x8x132xf32, #tpu.memory_space<vmem>> -> memref<8x8x128xf32, #tpu.memory_space<vmem>>
        tpu.wait_dma2 semaphore(%arg25 : memref<!tpu.dma_semaphore, #tpu.memory_space<semaphore_mem>>) src(%dma_wait3A_647 : memref<8x8x128xf32, #tpu.memory_space<vmem>>) dst(%dma_wait3A_643 : memref<8x8x128xf32, #tpu.memory_space<hbm>>)
      } else {
      }
      %ge3A_245 = arith.constant 1 : i32
      %ge3A_246 = arith.cmpi sge, %add3A_234, %ge3A_245 : i32
      %sub3A_247 = arith.constant 1 : i32
      %sub3A_248 = arith.subi %add3A_234, %sub3A_247 : i32
      %add3A_249 = arith.constant 5 : i32
      %add3A_250 = arith.addi %sub3A_248, %add3A_249 : i32
      %lt3A = arith.constant 200 : i32
      %lt3A_251 = arith.cmpi slt, %add3A_250, %lt3A : i32
      %and3A_252 = arith.andi %ge3A_246, %lt3A_251 : i1
      %convert_element_type3A_253 = arith.extui %and3A_252 : i1 to i32
      %cond3A_254 = arith.constant 0 : i32
      %cond3A_255 = arith.cmpi ne, %convert_element_type3A_253, %cond3A_254 : i32
      scf.if %cond3A_255 {
        %sub3A_601 = arith.constant 1 : i32
        %sub3A_602 = arith.subi %add3A_234, %sub3A_601 : i32
        %add3A_603 = arith.constant 5 : i32
        %add3A_604 = arith.addi %sub3A_602, %add3A_603 : i32
        %dma_start3A_605 = arith.constant 0 : i32
        %dma_start3A_606 = tpu.memref_slice %arg5[%add3A_604, %dma_start3A_605] : memref<200x128xi32, #tpu.memory_space<vmem>> -> memref<1x128xi32, #tpu.memory_space<vmem>>
        %dma_start3A_607 = tpu.memref_squeeze %dma_start3A_606 : memref<1x128xi32, #tpu.memory_space<vmem>> -> memref<128xi32, #tpu.memory_space<vmem>>
        %dma_start3A_608 = arith.constant 0 : i32
        %dma_start3A_609 = arith.constant 0 : i32
        %dma_start3A_610 = tpu.memref_slice %arg3[%dma_start3A_608, %dma_start3A_609] : memref<1000000x64xf32, #tpu.memory_space<hbm>> -> memref<1000000x64xf32, #tpu.memory_space<hbm>>
        tpu.enqueue_indirect_dma source(%dma_start3A_610 : memref<1000000x64xf32, #tpu.memory_space<hbm>>) target(%arg10 : memref<128x64xf32, #tpu.memory_space<vmem>>) offsets(%dma_start3A_607 : memref<128xi32, #tpu.memory_space<vmem>>) semaphore(%arg20 : memref<!tpu.dma_semaphore, #tpu.memory_space<semaphore_mem>>)
      } else {
      }
      %add3A_256 = arith.addi %mul3A_2, %add3A_234 : i32
      %jit3A_257 = arith.constant 32 : i32
      %div3A_258 = arith.divsi %add3A_256, %jit3A_257 : i32
      %sign3A_259 = arith.constant 0 : i32
      %sign3A_260 = arith.cmpi sgt, %add3A_256, %sign3A_259 : i32
      %sign3A_261 = arith.extui %sign3A_260 : i1 to i32
      %sign3A_262 = arith.constant 0 : i32
      %sign3A_263 = arith.cmpi slt, %add3A_256, %sign3A_262 : i32
      %sign3A_264 = arith.extui %sign3A_263 : i1 to i32
      %sign3A_265 = arith.subi %sign3A_261, %sign3A_264 : i32
      %sign3A_266 = arith.constant 0 : i32
      %sign3A_267 = arith.cmpi sgt, %jit3A_257, %sign3A_266 : i32
      %sign3A_268 = arith.extui %sign3A_267 : i1 to i32
      %sign3A_269 = arith.constant 0 : i32
      %sign3A_270 = arith.cmpi slt, %jit3A_257, %sign3A_269 : i32
      %sign3A_271 = arith.extui %sign3A_270 : i1 to i32
      %sign3A_272 = arith.subi %sign3A_268, %sign3A_271 : i32
      %ne3A_273 = arith.cmpi ne, %sign3A_265, %sign3A_272 : i32
      %rem3A_274 = arith.remsi %add3A_256, %jit3A_257 : i32
      %ne3A_275 = arith.constant 0 : i32
      %ne3A_276 = arith.cmpi ne, %rem3A_274, %ne3A_275 : i32
      %and3A_277 = arith.andi %ne3A_273, %ne3A_276 : i1
      %sub3A_278 = arith.constant 1 : i32
      %sub3A_279 = arith.subi %div3A_258, %sub3A_278 : i32
      %select_n3A_280 = arith.select %and3A_277, %sub3A_279, %div3A_258 : i32
      %rem3A_281 = arith.constant 32 : i32
      %rem3A_282 = arith.remsi %add3A_256, %rem3A_281 : i32
      %dma_start3A_283 = arith.constant 0 : i32
      %dma_start3A_284 = arith.constant 0 : i32
      %dma_start3A_285 = arith.constant 0 : i32
      %dma_start3A_286 = tpu.memref_slice %arg11[%dma_start3A_283, %dma_start3A_284, %dma_start3A_285] : memref<8x8x132xf32, #tpu.memory_space<vmem>> -> memref<8x8x128xf32, #tpu.memory_space<vmem>>
      %dma_start3A_287 = arith.constant 0 : i32
      %dma_start3A_288 = arith.constant 0 : i32
      %dma_start3A_289 = arith.constant 0 : i32
      %dma_start3A_290 = tpu.memref_slice %arg4[%select_n3A_280, %dma_start3A_287, %rem3A_282, %dma_start3A_288, %dma_start3A_289] : memref<200x8x32x8x128xf32, #tpu.memory_space<hbm>> -> memref<1x8x1x8x128xf32, #tpu.memory_space<hbm>>
      %dma_start3A_291 = tpu.memref_squeeze %dma_start3A_290 : memref<1x8x1x8x128xf32, #tpu.memory_space<hbm>> -> memref<8x8x128xf32, #tpu.memory_space<hbm>>
      %dma_start3A_292 = arith.constant 0 : i32
      %dma_start3A_293 = arith.constant 0 : i32
      %dma_start3A_294 = arith.constant 0 : i32
      %dma_start3A_295 = tpu.memref_slice %arg4[%select_n3A_280, %dma_start3A_292, %rem3A_282, %dma_start3A_293, %dma_start3A_294] : memref<200x8x32x8x128xf32, #tpu.memory_space<hbm>> -> memref<1x8x1x8x128xf32, #tpu.memory_space<hbm>>
      %dma_start3A_296 = tpu.memref_squeeze %dma_start3A_295 : memref<1x8x1x8x128xf32, #tpu.memory_space<hbm>> -> memref<8x8x128xf32, #tpu.memory_space<hbm>>
      %dma_start3A_297 = arith.constant 0 : i32
      %dma_start3A_298 = arith.constant 0 : i32
      %dma_start3A_299 = arith.constant 0 : i32
      %dma_start3A_300 = tpu.memref_slice %arg11[%dma_start3A_297, %dma_start3A_298, %dma_start3A_299] : memref<8x8x132xf32, #tpu.memory_space<vmem>> -> memref<8x8x128xf32, #tpu.memory_space<vmem>>
      tpu.enqueue_dma source(%dma_start3A_300 : memref<8x8x128xf32, #tpu.memory_space<vmem>>) target(%dma_start3A_296 : memref<8x8x128xf32, #tpu.memory_space<hbm>>) target_semaphore(%arg21 : memref<!tpu.dma_semaphore, #tpu.memory_space<semaphore_mem>>)
      %mul3A_301 = arith.constant 5 : i32
      %mul3A_302 = arith.muli %scan3A_230, %mul3A_301 : i32
      %add3A_303 = arith.constant 1 : i32
      %add3A_304 = arith.addi %mul3A_302, %add3A_303 : i32
      %dma_wait3A_305 = arith.constant 0 : i32
      %dma_wait3A_306 = tpu.memref_slice %arg5[%add3A_304, %dma_wait3A_305] : memref<200x128xi32, #tpu.memory_space<vmem>> -> memref<1x128xi32, #tpu.memory_space<vmem>>
      %dma_wait3A_307 = tpu.memref_squeeze %dma_wait3A_306 : memref<1x128xi32, #tpu.memory_space<vmem>> -> memref<128xi32, #tpu.memory_space<vmem>>
      %dma_wait3A_308 = arith.constant 0 : i32
      %dma_wait3A_309 = arith.constant 0 : i32
      %dma_wait3A_310 = tpu.memref_slice %arg3[%dma_wait3A_308, %dma_wait3A_309] : memref<1000000x64xf32, #tpu.memory_space<hbm>> -> memref<1000000x64xf32, #tpu.memory_space<hbm>>
      tpu.wait_indirect_dma semaphore(%arg17 : memref<!tpu.dma_semaphore, #tpu.memory_space<semaphore_mem>>) src(%dma_wait3A_310 : memref<1000000x64xf32, #tpu.memory_space<hbm>>) dst(%arg7 : memref<128x64xf32, #tpu.memory_space<vmem>>)
      %parallel_loop3A_311 = arith.constant 0 : i32
      %parallel_loop3A_312 = arith.constant 128 : i32
      %parallel_loop3A_313 = arith.constant 1 : i32
      scf.for %parallel_loop3A_601 = %parallel_loop3A_311 to %parallel_loop3A_312 step %parallel_loop3A_313  : i32 {
        %parallel_loop3A_602 = vector.broadcast %parallel_loop3A_601 : i32 to vector<16xi32>
        %parallel_loop3A_603 = arith.index_cast %parallel_loop3A_601 : i32 to index
        %parallel_loop3A_604 = arith.constant 0 : index
        %parallel_loop3A_605 = tpu.vector_load %arg7[%parallel_loop3A_603, %parallel_loop3A_604] {strides = array<i32>} : memref<128x64xf32, #tpu.memory_space<vmem>>, vector<16xf32>,
        %parallel_loop3A_606 = arith.constant 8.000000e+00 : f32
        %parallel_loop3A_607 = vector.broadcast %parallel_loop3A_606 : f32 to vector<16xf32>
        %parallel_loop3A_608 = arith.mulf %parallel_loop3A_605, %parallel_loop3A_607 : vector<16xf32>
        tpu.vector_store_idx %arg12[%select_n3A, %rem3A_136, %parallel_loop3A_602], %parallel_loop3A_608 : memref<8x8x132xf32, #tpu.memory_space<vmem>>[vector<16xi32>, vector<16xi32>, vector<16xi32>], vector<16xf32>,
        %parallel_loop3A_609 = arith.index_cast %parallel_loop3A_601 : i32 to index
        %parallel_loop3A_610 = arith.constant 16 : index
        %parallel_loop3A_611 = tpu.vector_load %arg7[%parallel_loop3A_609, %parallel_loop3A_610] {strides = array<i32>} : memref<128x64xf32, #tpu.memory_space<vmem>>, vector<16xf32>,
        %parallel_loop3A_612 = arith.constant 8.000000e+00 : f32
        %parallel_loop3A_613 = vector.broadcast %parallel_loop3A_612 : f32 to vector<16xf32>
        %parallel_loop3A_614 = arith.mulf %parallel_loop3A_611, %parallel_loop3A_613 : vector<16xf32>
        tpu.vector_store_idx %arg12[%select_n3A_71, %rem3A_139, %parallel_loop3A_602], %parallel_loop3A_614 : memref<8x8x132xf32, #tpu.memory_space<vmem>>[vector<16xi32>, vector<16xi32>, vector<16xi32>], vector<16xf32>,
        %parallel_loop3A_615 = arith.index_cast %parallel_loop3A_601 : i32 to index
        %parallel_loop3A_616 = arith.constant 32 : index
        %parallel_loop3A_617 = tpu.vector_load %arg7[%parallel_loop3A_615, %parallel_loop3A_616] {strides = array<i32>} : memref<128x64xf32, #tpu.memory_space<vmem>>, vector<16xf32>,
        %parallel_loop3A_618 = arith.constant 8.000000e+00 : f32
        %parallel_loop3A_619 = vector.broadcast %parallel_loop3A_618 : f32 to vector<16xf32>
        %parallel_loop3A_620 = arith.mulf %parallel_loop3A_617, %parallel_loop3A_619 : vector<16xf32>
        tpu.vector_store_idx %arg12[%select_n3A_102, %rem3A_142, %parallel_loop3A_602], %parallel_loop3A_620 : memref<8x8x132xf32, #tpu.memory_space<vmem>>[vector<16xi32>, vector<16xi32>, vector<16xi32>], vector<16xf32>,
        %parallel_loop3A_621 = arith.index_cast %parallel_loop3A_601 : i32 to index
        %parallel_loop3A_622 = arith.constant 48 : index
        %parallel_loop3A_623 = tpu.vector_load %arg7[%parallel_loop3A_621, %parallel_loop3A_622] {strides = array<i32>} : memref<128x64xf32, #tpu.memory_space<vmem>>, vector<16xf32>,
        %parallel_loop3A_624 = arith.constant 8.000000e+00 : f32
        %parallel_loop3A_625 = vector.broadcast %parallel_loop3A_624 : f32 to vector<16xf32>
        %parallel_loop3A_626 = arith.mulf %parallel_loop3A_623, %parallel_loop3A_625 : vector<16xf32>
        tpu.vector_store_idx %arg12[%select_n3A_133, %rem3A_145, %parallel_loop3A_602], %parallel_loop3A_626 : memref<8x8x132xf32, #tpu.memory_space<vmem>>[vector<16xi32>, vector<16xi32>, vector<16xi32>], vector<16xf32>,
      } {sc.loop_unroll_factor = 4 : i64, sc.parallel_access}
      %ge3A_314 = arith.constant 1 : i32
      %ge3A_315 = arith.cmpi sge, %add3A_304, %ge3A_314 : i32
      %convert_element_type3A_316 = arith.extui %ge3A_315 : i1 to i32
      %cond3A_317 = arith.constant 0 : i32
      %cond3A_318 = arith.cmpi ne, %convert_element_type3A_316, %cond3A_317 : i32
      scf.if %cond3A_318 {
        %sub3A_601 = arith.constant 1 : i32
        %sub3A_602 = arith.subi %add3A_304, %sub3A_601 : i32
        %add3A_603 = arith.addi %mul3A_2, %sub3A_602 : i32
        %jit3A_604 = arith.constant 32 : i32
        %div3A_605 = arith.divsi %add3A_603, %jit3A_604 : i32
        %sign3A_606 = arith.constant 0 : i32
        %sign3A_607 = arith.cmpi sgt, %add3A_603, %sign3A_606 : i32
        %sign3A_608 = arith.extui %sign3A_607 : i1 to i32
        %sign3A_609 = arith.constant 0 : i32
        %sign3A_610 = arith.cmpi slt, %add3A_603, %sign3A_609 : i32
        %sign3A_611 = arith.extui %sign3A_610 : i1 to i32
        %sign3A_612 = arith.subi %sign3A_608, %sign3A_611 : i32
        %sign3A_613 = arith.constant 0 : i32
        %sign3A_614 = arith.cmpi sgt, %jit3A_604, %sign3A_613 : i32
        %sign3A_615 = arith.extui %sign3A_614 : i1 to i32
        %sign3A_616 = arith.constant 0 : i32
        %sign3A_617 = arith.cmpi slt, %jit3A_604, %sign3A_616 : i32
        %sign3A_618 = arith.extui %sign3A_617 : i1 to i32
        %sign3A_619 = arith.subi %sign3A_615, %sign3A_618 : i32
        %ne3A_620 = arith.cmpi ne, %sign3A_612, %sign3A_619 : i32
        %rem3A_621 = arith.remsi %add3A_603, %jit3A_604 : i32
        %ne3A_622 = arith.constant 0 : i32
        %ne3A_623 = arith.cmpi ne, %rem3A_621, %ne3A_622 : i32
        %and3A_624 = arith.andi %ne3A_620, %ne3A_623 : i1
        %sub3A_625 = arith.constant 1 : i32
        %sub3A_626 = arith.subi %div3A_605, %sub3A_625 : i32
        %select_n3A_627 = arith.select %and3A_624, %sub3A_626, %div3A_605 : i32
        %rem3A_628 = arith.constant 32 : i32
        %rem3A_629 = arith.remsi %add3A_603, %rem3A_628 : i32
        %dma_wait3A_630 = arith.constant 0 : i32
        %dma_wait3A_631 = arith.constant 0 : i32
        %dma_wait3A_632 = arith.constant 0 : i32
        %dma_wait3A_633 = tpu.memref_slice %arg11[%dma_wait3A_630, %dma_wait3A_631, %dma_wait3A_632] : memref<8x8x132xf32, #tpu.memory_space<vmem>> -> memref<8x8x128xf32, #tpu.memory_space<vmem>>
        %dma_wait3A_634 = arith.constant 0 : i32
        %dma_wait3A_635 = arith.constant 0 : i32
        %dma_wait3A_636 = arith.constant 0 : i32
        %dma_wait3A_637 = tpu.memref_slice %arg4[%select_n3A_627, %dma_wait3A_634, %rem3A_629, %dma_wait3A_635, %dma_wait3A_636] : memref<200x8x32x8x128xf32, #tpu.memory_space<hbm>> -> memref<1x8x1x8x128xf32, #tpu.memory_space<hbm>>
        %dma_wait3A_638 = tpu.memref_squeeze %dma_wait3A_637 : memref<1x8x1x8x128xf32, #tpu.memory_space<hbm>> -> memref<8x8x128xf32, #tpu.memory_space<hbm>>
        %dma_wait3A_639 = arith.constant 0 : i32
        %dma_wait3A_640 = arith.constant 0 : i32
        %dma_wait3A_641 = arith.constant 0 : i32
        %dma_wait3A_642 = tpu.memref_slice %arg4[%select_n3A_627, %dma_wait3A_639, %rem3A_629, %dma_wait3A_640, %dma_wait3A_641] : memref<200x8x32x8x128xf32, #tpu.memory_space<hbm>> -> memref<1x8x1x8x128xf32, #tpu.memory_space<hbm>>
        %dma_wait3A_643 = tpu.memref_squeeze %dma_wait3A_642 : memref<1x8x1x8x128xf32, #tpu.memory_space<hbm>> -> memref<8x8x128xf32, #tpu.memory_space<hbm>>
        %dma_wait3A_644 = arith.constant 0 : i32
        %dma_wait3A_645 = arith.constant 0 : i32
        %dma_wait3A_646 = arith.constant 0 : i32
        %dma_wait3A_647 = tpu.memref_slice %arg11[%dma_wait3A_644, %dma_wait3A_645, %dma_wait3A_646] : memref<8x8x132xf32, #tpu.memory_space<vmem>> -> memref<8x8x128xf32, #tpu.memory_space<vmem>>
        tpu.wait_dma2 semaphore(%arg21 : memref<!tpu.dma_semaphore, #tpu.memory_space<semaphore_mem>>) src(%dma_wait3A_647 : memref<8x8x128xf32, #tpu.memory_space<vmem>>) dst(%dma_wait3A_643 : memref<8x8x128xf32, #tpu.memory_space<hbm>>)
      } else {
      }
      %ge3A_319 = arith.constant 1 : i32
      %ge3A_320 = arith.cmpi sge, %add3A_304, %ge3A_319 : i32
      %sub3A_321 = arith.constant 1 : i32
      %sub3A_322 = arith.subi %add3A_304, %sub3A_321 : i32
      %add3A_323 = arith.constant 5 : i32
      %add3A_324 = arith.addi %sub3A_322, %add3A_323 : i32
      %lt3A_325 = arith.constant 200 : i32
      %lt3A_326 = arith.cmpi slt, %add3A_324, %lt3A_325 : i32
      %and3A_327 = arith.andi %ge3A_320, %lt3A_326 : i1
      %convert_element_type3A_328 = arith.extui %and3A_327 : i1 to i32
      %cond3A_329 = arith.constant 0 : i32
      %cond3A_330 = arith.cmpi ne, %convert_element_type3A_328, %cond3A_329 : i32
      scf.if %cond3A_330 {
        %sub3A_601 = arith.constant 1 : i32
        %sub3A_602 = arith.subi %add3A_304, %sub3A_601 : i32
        %add3A_603 = arith.constant 5 : i32
        %add3A_604 = arith.addi %sub3A_602, %add3A_603 : i32
        %dma_start3A_605 = arith.constant 0 : i32
        %dma_start3A_606 = tpu.memref_slice %arg5[%add3A_604, %dma_start3A_605] : memref<200x128xi32, #tpu.memory_space<vmem>> -> memref<1x128xi32, #tpu.memory_space<vmem>>
        %dma_start3A_607 = tpu.memref_squeeze %dma_start3A_606 : memref<1x128xi32, #tpu.memory_space<vmem>> -> memref<128xi32, #tpu.memory_space<vmem>>
        %dma_start3A_608 = arith.constant 0 : i32
        %dma_start3A_609 = arith.constant 0 : i32
        %dma_start3A_610 = tpu.memref_slice %arg3[%dma_start3A_608, %dma_start3A_609] : memref<1000000x64xf32, #tpu.memory_space<hbm>> -> memref<1000000x64xf32, #tpu.memory_space<hbm>>
        tpu.enqueue_indirect_dma source(%dma_start3A_610 : memref<1000000x64xf32, #tpu.memory_space<hbm>>) target(%arg6 : memref<128x64xf32, #tpu.memory_space<vmem>>) offsets(%dma_start3A_607 : memref<128xi32, #tpu.memory_space<vmem>>) semaphore(%arg16 : memref<!tpu.dma_semaphore, #tpu.memory_space<semaphore_mem>>)
      } else {
      }
      %add3A_331 = arith.addi %mul3A_2, %add3A_304 : i32
      %jit3A_332 = arith.constant 32 : i32
      %div3A_333 = arith.divsi %add3A_331, %jit3A_332 : i32
      %sign3A_334 = arith.constant 0 : i32
      %sign3A_335 = arith.cmpi sgt, %add3A_331, %sign3A_334 : i32
      %sign3A_336 = arith.extui %sign3A_335 : i1 to i32
      %sign3A_337 = arith.constant 0 : i32
      %sign3A_338 = arith.cmpi slt, %add3A_331, %sign3A_337 : i32
      %sign3A_339 = arith.extui %sign3A_338 : i1 to i32
      %sign3A_340 = arith.subi %sign3A_336, %sign3A_339 : i32
      %sign3A_341 = arith.constant 0 : i32
      %sign3A_342 = arith.cmpi sgt, %jit3A_332, %sign3A_341 : i32
      %sign3A_343 = arith.extui %sign3A_342 : i1 to i32
      %sign3A_344 = arith.constant 0 : i32
      %sign3A_345 = arith.cmpi slt, %jit3A_332, %sign3A_344 : i32
      %sign3A_346 = arith.extui %sign3A_345 : i1 to i32
      %sign3A_347 = arith.subi %sign3A_343, %sign3A_346 : i32
      %ne3A_348 = arith.cmpi ne, %sign3A_340, %sign3A_347 : i32
      %rem3A_349 = arith.remsi %add3A_331, %jit3A_332 : i32
      %ne3A_350 = arith.constant 0 : i32
      %ne3A_351 = arith.cmpi ne, %rem3A_349, %ne3A_350 : i32
      %and3A_352 = arith.andi %ne3A_348, %ne3A_351 : i1
      %sub3A_353 = arith.constant 1 : i32
      %sub3A_354 = arith.subi %div3A_333, %sub3A_353 : i32
      %select_n3A_355 = arith.select %and3A_352, %sub3A_354, %div3A_333 : i32
      %rem3A_356 = arith.constant 32 : i32
      %rem3A_357 = arith.remsi %add3A_331, %rem3A_356 : i32
      %dma_start3A_358 = arith.constant 0 : i32
      %dma_start3A_359 = arith.constant 0 : i32
      %dma_start3A_360 = arith.constant 0 : i32
      %dma_start3A_361 = tpu.memref_slice %arg12[%dma_start3A_358, %dma_start3A_359, %dma_start3A_360] : memref<8x8x132xf32, #tpu.memory_space<vmem>> -> memref<8x8x128xf32, #tpu.memory_space<vmem>>
      %dma_start3A_362 = arith.constant 0 : i32
      %dma_start3A_363 = arith.constant 0 : i32
      %dma_start3A_364 = arith.constant 0 : i32
      %dma_start3A_365 = tpu.memref_slice %arg4[%select_n3A_355, %dma_start3A_362, %rem3A_357, %dma_start3A_363, %dma_start3A_364] : memref<200x8x32x8x128xf32, #tpu.memory_space<hbm>> -> memref<1x8x1x8x128xf32, #tpu.memory_space<hbm>>
      %dma_start3A_366 = tpu.memref_squeeze %dma_start3A_365 : memref<1x8x1x8x128xf32, #tpu.memory_space<hbm>> -> memref<8x8x128xf32, #tpu.memory_space<hbm>>
      %dma_start3A_367 = arith.constant 0 : i32
      %dma_start3A_368 = arith.constant 0 : i32
      %dma_start3A_369 = arith.constant 0 : i32
      %dma_start3A_370 = tpu.memref_slice %arg4[%select_n3A_355, %dma_start3A_367, %rem3A_357, %dma_start3A_368, %dma_start3A_369] : memref<200x8x32x8x128xf32, #tpu.memory_space<hbm>> -> memref<1x8x1x8x128xf32, #tpu.memory_space<hbm>>
      %dma_start3A_371 = tpu.memref_squeeze %dma_start3A_370 : memref<1x8x1x8x128xf32, #tpu.memory_space<hbm>> -> memref<8x8x128xf32, #tpu.memory_space<hbm>>
      %dma_start3A_372 = arith.constant 0 : i32
      %dma_start3A_373 = arith.constant 0 : i32
      %dma_start3A_374 = arith.constant 0 : i32
      %dma_start3A_375 = tpu.memref_slice %arg12[%dma_start3A_372, %dma_start3A_373, %dma_start3A_374] : memref<8x8x132xf32, #tpu.memory_space<vmem>> -> memref<8x8x128xf32, #tpu.memory_space<vmem>>
      tpu.enqueue_dma source(%dma_start3A_375 : memref<8x8x128xf32, #tpu.memory_space<vmem>>) target(%dma_start3A_371 : memref<8x8x128xf32, #tpu.memory_space<hbm>>) target_semaphore(%arg22 : memref<!tpu.dma_semaphore, #tpu.memory_space<semaphore_mem>>)
      %mul3A_376 = arith.constant 5 : i32
      %mul3A_377 = arith.muli %scan3A_230, %mul3A_376 : i32
      %add3A_378 = arith.constant 2 : i32
      %add3A_379 = arith.addi %mul3A_377, %add3A_378 : i32
      %dma_wait3A_380 = arith.constant 0 : i32
      %dma_wait3A_381 = tpu.memref_slice %arg5[%add3A_379, %dma_wait3A_380] : memref<200x128xi32, #tpu.memory_space<vmem>> -> memref<1x128xi32, #tpu.memory_space<vmem>>
      %dma_wait3A_382 = tpu.memref_squeeze %dma_wait3A_381 : memref<1x128xi32, #tpu.memory_space<vmem>> -> memref<128xi32, #tpu.memory_space<vmem>>
      %dma_wait3A_383 = arith.constant 0 : i32
      %dma_wait3A_384 = arith.constant 0 : i32
      %dma_wait3A_385 = tpu.memref_slice %arg3[%dma_wait3A_383, %dma_wait3A_384] : memref<1000000x64xf32, #tpu.memory_space<hbm>> -> memref<1000000x64xf32, #tpu.memory_space<hbm>>
      tpu.wait_indirect_dma semaphore(%arg18 : memref<!tpu.dma_semaphore, #tpu.memory_space<semaphore_mem>>) src(%dma_wait3A_385 : memref<1000000x64xf32, #tpu.memory_space<hbm>>) dst(%arg8 : memref<128x64xf32, #tpu.memory_space<vmem>>)
      %parallel_loop3A_386 = arith.constant 0 : i32
      %parallel_loop3A_387 = arith.constant 128 : i32
      %parallel_loop3A_388 = arith.constant 1 : i32
      scf.for %parallel_loop3A_601 = %parallel_loop3A_386 to %parallel_loop3A_387 step %parallel_loop3A_388  : i32 {
        %parallel_loop3A_602 = vector.broadcast %parallel_loop3A_601 : i32 to vector<16xi32>
        %parallel_loop3A_603 = arith.index_cast %parallel_loop3A_601 : i32 to index
        %parallel_loop3A_604 = arith.constant 0 : index
        %parallel_loop3A_605 = tpu.vector_load %arg8[%parallel_loop3A_603, %parallel_loop3A_604] {strides = array<i32>} : memref<128x64xf32, #tpu.memory_space<vmem>>, vector<16xf32>,
        %parallel_loop3A_606 = arith.constant 8.000000e+00 : f32
        %parallel_loop3A_607 = vector.broadcast %parallel_loop3A_606 : f32 to vector<16xf32>
        %parallel_loop3A_608 = arith.mulf %parallel_loop3A_605, %parallel_loop3A_607 : vector<16xf32>
        tpu.vector_store_idx %arg13[%select_n3A, %rem3A_136, %parallel_loop3A_602], %parallel_loop3A_608 : memref<8x8x132xf32, #tpu.memory_space<vmem>>[vector<16xi32>, vector<16xi32>, vector<16xi32>], vector<16xf32>,
        %parallel_loop3A_609 = arith.index_cast %parallel_loop3A_601 : i32 to index
        %parallel_loop3A_610 = arith.constant 16 : index
        %parallel_loop3A_611 = tpu.vector_load %arg8[%parallel_loop3A_609, %parallel_loop3A_610] {strides = array<i32>} : memref<128x64xf32, #tpu.memory_space<vmem>>, vector<16xf32>,
        %parallel_loop3A_612 = arith.constant 8.000000e+00 : f32
        %parallel_loop3A_613 = vector.broadcast %parallel_loop3A_612 : f32 to vector<16xf32>
        %parallel_loop3A_614 = arith.mulf %parallel_loop3A_611, %parallel_loop3A_613 : vector<16xf32>
        tpu.vector_store_idx %arg13[%select_n3A_71, %rem3A_139, %parallel_loop3A_602], %parallel_loop3A_614 : memref<8x8x132xf32, #tpu.memory_space<vmem>>[vector<16xi32>, vector<16xi32>, vector<16xi32>], vector<16xf32>,
        %parallel_loop3A_615 = arith.index_cast %parallel_loop3A_601 : i32 to index
        %parallel_loop3A_616 = arith.constant 32 : index
        %parallel_loop3A_617 = tpu.vector_load %arg8[%parallel_loop3A_615, %parallel_loop3A_616] {strides = array<i32>} : memref<128x64xf32, #tpu.memory_space<vmem>>, vector<16xf32>,
        %parallel_loop3A_618 = arith.constant 8.000000e+00 : f32
        %parallel_loop3A_619 = vector.broadcast %parallel_loop3A_618 : f32 to vector<16xf32>
        %parallel_loop3A_620 = arith.mulf %parallel_loop3A_617, %parallel_loop3A_619 : vector<16xf32>
        tpu.vector_store_idx %arg13[%select_n3A_102, %rem3A_142, %parallel_loop3A_602], %parallel_loop3A_620 : memref<8x8x132xf32, #tpu.memory_space<vmem>>[vector<16xi32>, vector<16xi32>, vector<16xi32>], vector<16xf32>,
        %parallel_loop3A_621 = arith.index_cast %parallel_loop3A_601 : i32 to index
        %parallel_loop3A_622 = arith.constant 48 : index
        %parallel_loop3A_623 = tpu.vector_load %arg8[%parallel_loop3A_621, %parallel_loop3A_622] {strides = array<i32>} : memref<128x64xf32, #tpu.memory_space<vmem>>, vector<16xf32>,
        %parallel_loop3A_624 = arith.constant 8.000000e+00 : f32
        %parallel_loop3A_625 = vector.broadcast %parallel_loop3A_624 : f32 to vector<16xf32>
        %parallel_loop3A_626 = arith.mulf %parallel_loop3A_623, %parallel_loop3A_625 : vector<16xf32>
        tpu.vector_store_idx %arg13[%select_n3A_133, %rem3A_145, %parallel_loop3A_602], %parallel_loop3A_626 : memref<8x8x132xf32, #tpu.memory_space<vmem>>[vector<16xi32>, vector<16xi32>, vector<16xi32>], vector<16xf32>,
      } {sc.loop_unroll_factor = 4 : i64, sc.parallel_access}
      %ge3A_389 = arith.constant 1 : i32
      %ge3A_390 = arith.cmpi sge, %add3A_379, %ge3A_389 : i32
      %convert_element_type3A_391 = arith.extui %ge3A_390 : i1 to i32
      %cond3A_392 = arith.constant 0 : i32
      %cond3A_393 = arith.cmpi ne, %convert_element_type3A_391, %cond3A_392 : i32
      scf.if %cond3A_393 {
        %sub3A_601 = arith.constant 1 : i32
        %sub3A_602 = arith.subi %add3A_379, %sub3A_601 : i32
        %add3A_603 = arith.addi %mul3A_2, %sub3A_602 : i32
        %jit3A_604 = arith.constant 32 : i32
        %div3A_605 = arith.divsi %add3A_603, %jit3A_604 : i32
        %sign3A_606 = arith.constant 0 : i32
        %sign3A_607 = arith.cmpi sgt, %add3A_603, %sign3A_606 : i32
        %sign3A_608 = arith.extui %sign3A_607 : i1 to i32
        %sign3A_609 = arith.constant 0 : i32
        %sign3A_610 = arith.cmpi slt, %add3A_603, %sign3A_609 : i32
        %sign3A_611 = arith.extui %sign3A_610 : i1 to i32
        %sign3A_612 = arith.subi %sign3A_608, %sign3A_611 : i32
        %sign3A_613 = arith.constant 0 : i32
        %sign3A_614 = arith.cmpi sgt, %jit3A_604, %sign3A_613 : i32
        %sign3A_615 = arith.extui %sign3A_614 : i1 to i32
        %sign3A_616 = arith.constant 0 : i32
        %sign3A_617 = arith.cmpi slt, %jit3A_604, %sign3A_616 : i32
        %sign3A_618 = arith.extui %sign3A_617 : i1 to i32
        %sign3A_619 = arith.subi %sign3A_615, %sign3A_618 : i32
        %ne3A_620 = arith.cmpi ne, %sign3A_612, %sign3A_619 : i32
        %rem3A_621 = arith.remsi %add3A_603, %jit3A_604 : i32
        %ne3A_622 = arith.constant 0 : i32
        %ne3A_623 = arith.cmpi ne, %rem3A_621, %ne3A_622 : i32
        %and3A_624 = arith.andi %ne3A_620, %ne3A_623 : i1
        %sub3A_625 = arith.constant 1 : i32
        %sub3A_626 = arith.subi %div3A_605, %sub3A_625 : i32
        %select_n3A_627 = arith.select %and3A_624, %sub3A_626, %div3A_605 : i32
        %rem3A_628 = arith.constant 32 : i32
        %rem3A_629 = arith.remsi %add3A_603, %rem3A_628 : i32
        %dma_wait3A_630 = arith.constant 0 : i32
        %dma_wait3A_631 = arith.constant 0 : i32
        %dma_wait3A_632 = arith.constant 0 : i32
        %dma_wait3A_633 = tpu.memref_slice %arg12[%dma_wait3A_630, %dma_wait3A_631, %dma_wait3A_632] : memref<8x8x132xf32, #tpu.memory_space<vmem>> -> memref<8x8x128xf32, #tpu.memory_space<vmem>>
        %dma_wait3A_634 = arith.constant 0 : i32
        %dma_wait3A_635 = arith.constant 0 : i32
        %dma_wait3A_636 = arith.constant 0 : i32
        %dma_wait3A_637 = tpu.memref_slice %arg4[%select_n3A_627, %dma_wait3A_634, %rem3A_629, %dma_wait3A_635, %dma_wait3A_636] : memref<200x8x32x8x128xf32, #tpu.memory_space<hbm>> -> memref<1x8x1x8x128xf32, #tpu.memory_space<hbm>>
        %dma_wait3A_638 = tpu.memref_squeeze %dma_wait3A_637 : memref<1x8x1x8x128xf32, #tpu.memory_space<hbm>> -> memref<8x8x128xf32, #tpu.memory_space<hbm>>
        %dma_wait3A_639 = arith.constant 0 : i32
        %dma_wait3A_640 = arith.constant 0 : i32
        %dma_wait3A_641 = arith.constant 0 : i32
        %dma_wait3A_642 = tpu.memref_slice %arg4[%select_n3A_627, %dma_wait3A_639, %rem3A_629, %dma_wait3A_640, %dma_wait3A_641] : memref<200x8x32x8x128xf32, #tpu.memory_space<hbm>> -> memref<1x8x1x8x128xf32, #tpu.memory_space<hbm>>
        %dma_wait3A_643 = tpu.memref_squeeze %dma_wait3A_642 : memref<1x8x1x8x128xf32, #tpu.memory_space<hbm>> -> memref<8x8x128xf32, #tpu.memory_space<hbm>>
        %dma_wait3A_644 = arith.constant 0 : i32
        %dma_wait3A_645 = arith.constant 0 : i32
        %dma_wait3A_646 = arith.constant 0 : i32
        %dma_wait3A_647 = tpu.memref_slice %arg12[%dma_wait3A_644, %dma_wait3A_645, %dma_wait3A_646] : memref<8x8x132xf32, #tpu.memory_space<vmem>> -> memref<8x8x128xf32, #tpu.memory_space<vmem>>
        tpu.wait_dma2 semaphore(%arg22 : memref<!tpu.dma_semaphore, #tpu.memory_space<semaphore_mem>>) src(%dma_wait3A_647 : memref<8x8x128xf32, #tpu.memory_space<vmem>>) dst(%dma_wait3A_643 : memref<8x8x128xf32, #tpu.memory_space<hbm>>)
      } else {
      }
      %ge3A_394 = arith.constant 1 : i32
      %ge3A_395 = arith.cmpi sge, %add3A_379, %ge3A_394 : i32
      %sub3A_396 = arith.constant 1 : i32
      %sub3A_397 = arith.subi %add3A_379, %sub3A_396 : i32
      %add3A_398 = arith.constant 5 : i32
      %add3A_399 = arith.addi %sub3A_397, %add3A_398 : i32
      %lt3A_400 = arith.constant 200 : i32
      %lt3A_401 = arith.cmpi slt, %add3A_399, %lt3A_400 : i32
      %and3A_402 = arith.andi %ge3A_395, %lt3A_401 : i1
      %convert_element_type3A_403 = arith.extui %and3A_402 : i1 to i32
      %cond3A_404 = arith.constant 0 : i32
      %cond3A_405 = arith.cmpi ne, %convert_element_type3A_403, %cond3A_404 : i32
      scf.if %cond3A_405 {
        %sub3A_601 = arith.constant 1 : i32
        %sub3A_602 = arith.subi %add3A_379, %sub3A_601 : i32
        %add3A_603 = arith.constant 5 : i32
        %add3A_604 = arith.addi %sub3A_602, %add3A_603 : i32
        %dma_start3A_605 = arith.constant 0 : i32
        %dma_start3A_606 = tpu.memref_slice %arg5[%add3A_604, %dma_start3A_605] : memref<200x128xi32, #tpu.memory_space<vmem>> -> memref<1x128xi32, #tpu.memory_space<vmem>>
        %dma_start3A_607 = tpu.memref_squeeze %dma_start3A_606 : memref<1x128xi32, #tpu.memory_space<vmem>> -> memref<128xi32, #tpu.memory_space<vmem>>
        %dma_start3A_608 = arith.constant 0 : i32
        %dma_start3A_609 = arith.constant 0 : i32
        %dma_start3A_610 = tpu.memref_slice %arg3[%dma_start3A_608, %dma_start3A_609] : memref<1000000x64xf32, #tpu.memory_space<hbm>> -> memref<1000000x64xf32, #tpu.memory_space<hbm>>
        tpu.enqueue_indirect_dma source(%dma_start3A_610 : memref<1000000x64xf32, #tpu.memory_space<hbm>>) target(%arg7 : memref<128x64xf32, #tpu.memory_space<vmem>>) offsets(%dma_start3A_607 : memref<128xi32, #tpu.memory_space<vmem>>) semaphore(%arg17 : memref<!tpu.dma_semaphore, #tpu.memory_space<semaphore_mem>>)
      } else {
      }
      %add3A_406 = arith.addi %mul3A_2, %add3A_379 : i32
      %jit3A_407 = arith.constant 32 : i32
      %div3A_408 = arith.divsi %add3A_406, %jit3A_407 : i32
      %sign3A_409 = arith.constant 0 : i32
      %sign3A_410 = arith.cmpi sgt, %add3A_406, %sign3A_409 : i32
      %sign3A_411 = arith.extui %sign3A_410 : i1 to i32
      %sign3A_412 = arith.constant 0 : i32
      %sign3A_413 = arith.cmpi slt, %add3A_406, %sign3A_412 : i32
      %sign3A_414 = arith.extui %sign3A_413 : i1 to i32
      %sign3A_415 = arith.subi %sign3A_411, %sign3A_414 : i32
      %sign3A_416 = arith.constant 0 : i32
      %sign3A_417 = arith.cmpi sgt, %jit3A_407, %sign3A_416 : i32
      %sign3A_418 = arith.extui %sign3A_417 : i1 to i32
      %sign3A_419 = arith.constant 0 : i32
      %sign3A_420 = arith.cmpi slt, %jit3A_407, %sign3A_419 : i32
      %sign3A_421 = arith.extui %sign3A_420 : i1 to i32
      %sign3A_422 = arith.subi %sign3A_418, %sign3A_421 : i32
      %ne3A_423 = arith.cmpi ne, %sign3A_415, %sign3A_422 : i32
      %rem3A_424 = arith.remsi %add3A_406, %jit3A_407 : i32
      %ne3A_425 = arith.constant 0 : i32
      %ne3A_426 = arith.cmpi ne, %rem3A_424, %ne3A_425 : i32
      %and3A_427 = arith.andi %ne3A_423, %ne3A_426 : i1
      %sub3A_428 = arith.constant 1 : i32
      %sub3A_429 = arith.subi %div3A_408, %sub3A_428 : i32
      %select_n3A_430 = arith.select %and3A_427, %sub3A_429, %div3A_408 : i32
      %rem3A_431 = arith.constant 32 : i32
      %rem3A_432 = arith.remsi %add3A_406, %rem3A_431 : i32
      %dma_start3A_433 = arith.constant 0 : i32
      %dma_start3A_434 = arith.constant 0 : i32
      %dma_start3A_435 = arith.constant 0 : i32
      %dma_start3A_436 = tpu.memref_slice %arg13[%dma_start3A_433, %dma_start3A_434, %dma_start3A_435] : memref<8x8x132xf32, #tpu.memory_space<vmem>> -> memref<8x8x128xf32, #tpu.memory_space<vmem>>
      %dma_start3A_437 = arith.constant 0 : i32
      %dma_start3A_438 = arith.constant 0 : i32
      %dma_start3A_439 = arith.constant 0 : i32
      %dma_start3A_440 = tpu.memref_slice %arg4[%select_n3A_430, %dma_start3A_437, %rem3A_432, %dma_start3A_438, %dma_start3A_439] : memref<200x8x32x8x128xf32, #tpu.memory_space<hbm>> -> memref<1x8x1x8x128xf32, #tpu.memory_space<hbm>>
      %dma_start3A_441 = tpu.memref_squeeze %dma_start3A_440 : memref<1x8x1x8x128xf32, #tpu.memory_space<hbm>> -> memref<8x8x128xf32, #tpu.memory_space<hbm>>
      %dma_start3A_442 = arith.constant 0 : i32
      %dma_start3A_443 = arith.constant 0 : i32
      %dma_start3A_444 = arith.constant 0 : i32
      %dma_start3A_445 = tpu.memref_slice %arg4[%select_n3A_430, %dma_start3A_442, %rem3A_432, %dma_start3A_443, %dma_start3A_444] : memref<200x8x32x8x128xf32, #tpu.memory_space<hbm>> -> memref<1x8x1x8x128xf32, #tpu.memory_space<hbm>>
      %dma_start3A_446 = tpu.memref_squeeze %dma_start3A_445 : memref<1x8x1x8x128xf32, #tpu.memory_space<hbm>> -> memref<8x8x128xf32, #tpu.memory_space<hbm>>
      %dma_start3A_447 = arith.constant 0 : i32
      %dma_start3A_448 = arith.constant 0 : i32
      %dma_start3A_449 = arith.constant 0 : i32
      %dma_start3A_450 = tpu.memref_slice %arg13[%dma_start3A_447, %dma_start3A_448, %dma_start3A_449] : memref<8x8x132xf32, #tpu.memory_space<vmem>> -> memref<8x8x128xf32, #tpu.memory_space<vmem>>
      tpu.enqueue_dma source(%dma_start3A_450 : memref<8x8x128xf32, #tpu.memory_space<vmem>>) target(%dma_start3A_446 : memref<8x8x128xf32, #tpu.memory_space<hbm>>) target_semaphore(%arg23 : memref<!tpu.dma_semaphore, #tpu.memory_space<semaphore_mem>>)
      %mul3A_451 = arith.constant 5 : i32
      %mul3A_452 = arith.muli %scan3A_230, %mul3A_451 : i32
      %add3A_453 = arith.constant 3 : i32
      %add3A_454 = arith.addi %mul3A_452, %add3A_453 : i32
      %dma_wait3A_455 = arith.constant 0 : i32
      %dma_wait3A_456 = tpu.memref_slice %arg5[%add3A_454, %dma_wait3A_455] : memref<200x128xi32, #tpu.memory_space<vmem>> -> memref<1x128xi32, #tpu.memory_space<vmem>>
      %dma_wait3A_457 = tpu.memref_squeeze %dma_wait3A_456 : memref<1x128xi32, #tpu.memory_space<vmem>> -> memref<128xi32, #tpu.memory_space<vmem>>
      %dma_wait3A_458 = arith.constant 0 : i32
      %dma_wait3A_459 = arith.constant 0 : i32
      %dma_wait3A_460 = tpu.memref_slice %arg3[%dma_wait3A_458, %dma_wait3A_459] : memref<1000000x64xf32, #tpu.memory_space<hbm>> -> memref<1000000x64xf32, #tpu.memory_space<hbm>>
      tpu.wait_indirect_dma semaphore(%arg19 : memref<!tpu.dma_semaphore, #tpu.memory_space<semaphore_mem>>) src(%dma_wait3A_460 : memref<1000000x64xf32, #tpu.memory_space<hbm>>) dst(%arg9 : memref<128x64xf32, #tpu.memory_space<vmem>>)
      %parallel_loop3A_461 = arith.constant 0 : i32
      %parallel_loop3A_462 = arith.constant 128 : i32
      %parallel_loop3A_463 = arith.constant 1 : i32
      scf.for %parallel_loop3A_601 = %parallel_loop3A_461 to %parallel_loop3A_462 step %parallel_loop3A_463  : i32 {
        %parallel_loop3A_602 = vector.broadcast %parallel_loop3A_601 : i32 to vector<16xi32>
        %parallel_loop3A_603 = arith.index_cast %parallel_loop3A_601 : i32 to index
        %parallel_loop3A_604 = arith.constant 0 : index
        %parallel_loop3A_605 = tpu.vector_load %arg9[%parallel_loop3A_603, %parallel_loop3A_604] {strides = array<i32>} : memref<128x64xf32, #tpu.memory_space<vmem>>, vector<16xf32>,
        %parallel_loop3A_606 = arith.constant 8.000000e+00 : f32
        %parallel_loop3A_607 = vector.broadcast %parallel_loop3A_606 : f32 to vector<16xf32>
        %parallel_loop3A_608 = arith.mulf %parallel_loop3A_605, %parallel_loop3A_607 : vector<16xf32>
        tpu.vector_store_idx %arg14[%select_n3A, %rem3A_136, %parallel_loop3A_602], %parallel_loop3A_608 : memref<8x8x132xf32, #tpu.memory_space<vmem>>[vector<16xi32>, vector<16xi32>, vector<16xi32>], vector<16xf32>,
        %parallel_loop3A_609 = arith.index_cast %parallel_loop3A_601 : i32 to index
        %parallel_loop3A_610 = arith.constant 16 : index
        %parallel_loop3A_611 = tpu.vector_load %arg9[%parallel_loop3A_609, %parallel_loop3A_610] {strides = array<i32>} : memref<128x64xf32, #tpu.memory_space<vmem>>, vector<16xf32>,
        %parallel_loop3A_612 = arith.constant 8.000000e+00 : f32
        %parallel_loop3A_613 = vector.broadcast %parallel_loop3A_612 : f32 to vector<16xf32>
        %parallel_loop3A_614 = arith.mulf %parallel_loop3A_611, %parallel_loop3A_613 : vector<16xf32>
        tpu.vector_store_idx %arg14[%select_n3A_71, %rem3A_139, %parallel_loop3A_602], %parallel_loop3A_614 : memref<8x8x132xf32, #tpu.memory_space<vmem>>[vector<16xi32>, vector<16xi32>, vector<16xi32>], vector<16xf32>,
        %parallel_loop3A_615 = arith.index_cast %parallel_loop3A_601 : i32 to index
        %parallel_loop3A_616 = arith.constant 32 : index
        %parallel_loop3A_617 = tpu.vector_load %arg9[%parallel_loop3A_615, %parallel_loop3A_616] {strides = array<i32>} : memref<128x64xf32, #tpu.memory_space<vmem>>, vector<16xf32>,
        %parallel_loop3A_618 = arith.constant 8.000000e+00 : f32
        %parallel_loop3A_619 = vector.broadcast %parallel_loop3A_618 : f32 to vector<16xf32>
        %parallel_loop3A_620 = arith.mulf %parallel_loop3A_617, %parallel_loop3A_619 : vector<16xf32>
        tpu.vector_store_idx %arg14[%select_n3A_102, %rem3A_142, %parallel_loop3A_602], %parallel_loop3A_620 : memref<8x8x132xf32, #tpu.memory_space<vmem>>[vector<16xi32>, vector<16xi32>, vector<16xi32>], vector<16xf32>,
        %parallel_loop3A_621 = arith.index_cast %parallel_loop3A_601 : i32 to index
        %parallel_loop3A_622 = arith.constant 48 : index
        %parallel_loop3A_623 = tpu.vector_load %arg9[%parallel_loop3A_621, %parallel_loop3A_622] {strides = array<i32>} : memref<128x64xf32, #tpu.memory_space<vmem>>, vector<16xf32>,
        %parallel_loop3A_624 = arith.constant 8.000000e+00 : f32
        %parallel_loop3A_625 = vector.broadcast %parallel_loop3A_624 : f32 to vector<16xf32>
        %parallel_loop3A_626 = arith.mulf %parallel_loop3A_623, %parallel_loop3A_625 : vector<16xf32>
        tpu.vector_store_idx %arg14[%select_n3A_133, %rem3A_145, %parallel_loop3A_602], %parallel_loop3A_626 : memref<8x8x132xf32, #tpu.memory_space<vmem>>[vector<16xi32>, vector<16xi32>, vector<16xi32>], vector<16xf32>,
      } {sc.loop_unroll_factor = 4 : i64, sc.parallel_access}
      %ge3A_464 = arith.constant 1 : i32
      %ge3A_465 = arith.cmpi sge, %add3A_454, %ge3A_464 : i32
      %convert_element_type3A_466 = arith.extui %ge3A_465 : i1 to i32
      %cond3A_467 = arith.constant 0 : i32
      %cond3A_468 = arith.cmpi ne, %convert_element_type3A_466, %cond3A_467 : i32
      scf.if %cond3A_468 {
        %sub3A_601 = arith.constant 1 : i32
        %sub3A_602 = arith.subi %add3A_454, %sub3A_601 : i32
        %add3A_603 = arith.addi %mul3A_2, %sub3A_602 : i32
        %jit3A_604 = arith.constant 32 : i32
        %div3A_605 = arith.divsi %add3A_603, %jit3A_604 : i32
        %sign3A_606 = arith.constant 0 : i32
        %sign3A_607 = arith.cmpi sgt, %add3A_603, %sign3A_606 : i32
        %sign3A_608 = arith.extui %sign3A_607 : i1 to i32
        %sign3A_609 = arith.constant 0 : i32
        %sign3A_610 = arith.cmpi slt, %add3A_603, %sign3A_609 : i32
        %sign3A_611 = arith.extui %sign3A_610 : i1 to i32
        %sign3A_612 = arith.subi %sign3A_608, %sign3A_611 : i32
        %sign3A_613 = arith.constant 0 : i32
        %sign3A_614 = arith.cmpi sgt, %jit3A_604, %sign3A_613 : i32
        %sign3A_615 = arith.extui %sign3A_614 : i1 to i32
        %sign3A_616 = arith.constant 0 : i32
        %sign3A_617 = arith.cmpi slt, %jit3A_604, %sign3A_616 : i32
        %sign3A_618 = arith.extui %sign3A_617 : i1 to i32
        %sign3A_619 = arith.subi %sign3A_615, %sign3A_618 : i32
        %ne3A_620 = arith.cmpi ne, %sign3A_612, %sign3A_619 : i32
        %rem3A_621 = arith.remsi %add3A_603, %jit3A_604 : i32
        %ne3A_622 = arith.constant 0 : i32
        %ne3A_623 = arith.cmpi ne, %rem3A_621, %ne3A_622 : i32
        %and3A_624 = arith.andi %ne3A_620, %ne3A_623 : i1
        %sub3A_625 = arith.constant 1 : i32
        %sub3A_626 = arith.subi %div3A_605, %sub3A_625 : i32
        %select_n3A_627 = arith.select %and3A_624, %sub3A_626, %div3A_605 : i32
        %rem3A_628 = arith.constant 32 : i32
        %rem3A_629 = arith.remsi %add3A_603, %rem3A_628 : i32
        %dma_wait3A_630 = arith.constant 0 : i32
        %dma_wait3A_631 = arith.constant 0 : i32
        %dma_wait3A_632 = arith.constant 0 : i32
        %dma_wait3A_633 = tpu.memref_slice %arg13[%dma_wait3A_630, %dma_wait3A_631, %dma_wait3A_632] : memref<8x8x132xf32, #tpu.memory_space<vmem>> -> memref<8x8x128xf32, #tpu.memory_space<vmem>>
        %dma_wait3A_634 = arith.constant 0 : i32
        %dma_wait3A_635 = arith.constant 0 : i32
        %dma_wait3A_636 = arith.constant 0 : i32
        %dma_wait3A_637 = tpu.memref_slice %arg4[%select_n3A_627, %dma_wait3A_634, %rem3A_629, %dma_wait3A_635, %dma_wait3A_636] : memref<200x8x32x8x128xf32, #tpu.memory_space<hbm>> -> memref<1x8x1x8x128xf32, #tpu.memory_space<hbm>>
        %dma_wait3A_638 = tpu.memref_squeeze %dma_wait3A_637 : memref<1x8x1x8x128xf32, #tpu.memory_space<hbm>> -> memref<8x8x128xf32, #tpu.memory_space<hbm>>
        %dma_wait3A_639 = arith.constant 0 : i32
        %dma_wait3A_640 = arith.constant 0 : i32
        %dma_wait3A_641 = arith.constant 0 : i32
        %dma_wait3A_642 = tpu.memref_slice %arg4[%select_n3A_627, %dma_wait3A_639, %rem3A_629, %dma_wait3A_640, %dma_wait3A_641] : memref<200x8x32x8x128xf32, #tpu.memory_space<hbm>> -> memref<1x8x1x8x128xf32, #tpu.memory_space<hbm>>
        %dma_wait3A_643 = tpu.memref_squeeze %dma_wait3A_642 : memref<1x8x1x8x128xf32, #tpu.memory_space<hbm>> -> memref<8x8x128xf32, #tpu.memory_space<hbm>>
        %dma_wait3A_644 = arith.constant 0 : i32
        %dma_wait3A_645 = arith.constant 0 : i32
        %dma_wait3A_646 = arith.constant 0 : i32
        %dma_wait3A_647 = tpu.memref_slice %arg13[%dma_wait3A_644, %dma_wait3A_645, %dma_wait3A_646] : memref<8x8x132xf32, #tpu.memory_space<vmem>> -> memref<8x8x128xf32, #tpu.memory_space<vmem>>
        tpu.wait_dma2 semaphore(%arg23 : memref<!tpu.dma_semaphore, #tpu.memory_space<semaphore_mem>>) src(%dma_wait3A_647 : memref<8x8x128xf32, #tpu.memory_space<vmem>>) dst(%dma_wait3A_643 : memref<8x8x128xf32, #tpu.memory_space<hbm>>)
      } else {
      }
      %ge3A_469 = arith.constant 1 : i32
      %ge3A_470 = arith.cmpi sge, %add3A_454, %ge3A_469 : i32
      %sub3A_471 = arith.constant 1 : i32
      %sub3A_472 = arith.subi %add3A_454, %sub3A_471 : i32
      %add3A_473 = arith.constant 5 : i32
      %add3A_474 = arith.addi %sub3A_472, %add3A_473 : i32
      %lt3A_475 = arith.constant 200 : i32
      %lt3A_476 = arith.cmpi slt, %add3A_474, %lt3A_475 : i32
      %and3A_477 = arith.andi %ge3A_470, %lt3A_476 : i1
      %convert_element_type3A_478 = arith.extui %and3A_477 : i1 to i32
      %cond3A_479 = arith.constant 0 : i32
      %cond3A_480 = arith.cmpi ne, %convert_element_type3A_478, %cond3A_479 : i32
      scf.if %cond3A_480 {
        %sub3A_601 = arith.constant 1 : i32
        %sub3A_602 = arith.subi %add3A_454, %sub3A_601 : i32
        %add3A_603 = arith.constant 5 : i32
        %add3A_604 = arith.addi %sub3A_602, %add3A_603 : i32
        %dma_start3A_605 = arith.constant 0 : i32
        %dma_start3A_606 = tpu.memref_slice %arg5[%add3A_604, %dma_start3A_605] : memref<200x128xi32, #tpu.memory_space<vmem>> -> memref<1x128xi32, #tpu.memory_space<vmem>>
        %dma_start3A_607 = tpu.memref_squeeze %dma_start3A_606 : memref<1x128xi32, #tpu.memory_space<vmem>> -> memref<128xi32, #tpu.memory_space<vmem>>
        %dma_start3A_608 = arith.constant 0 : i32
        %dma_start3A_609 = arith.constant 0 : i32
        %dma_start3A_610 = tpu.memref_slice %arg3[%dma_start3A_608, %dma_start3A_609] : memref<1000000x64xf32, #tpu.memory_space<hbm>> -> memref<1000000x64xf32, #tpu.memory_space<hbm>>
        tpu.enqueue_indirect_dma source(%dma_start3A_610 : memref<1000000x64xf32, #tpu.memory_space<hbm>>) target(%arg8 : memref<128x64xf32, #tpu.memory_space<vmem>>) offsets(%dma_start3A_607 : memref<128xi32, #tpu.memory_space<vmem>>) semaphore(%arg18 : memref<!tpu.dma_semaphore, #tpu.memory_space<semaphore_mem>>)
      } else {
      }
      %add3A_481 = arith.addi %mul3A_2, %add3A_454 : i32
      %jit3A_482 = arith.constant 32 : i32
      %div3A_483 = arith.divsi %add3A_481, %jit3A_482 : i32
      %sign3A_484 = arith.constant 0 : i32
      %sign3A_485 = arith.cmpi sgt, %add3A_481, %sign3A_484 : i32
      %sign3A_486 = arith.extui %sign3A_485 : i1 to i32
      %sign3A_487 = arith.constant 0 : i32
      %sign3A_488 = arith.cmpi slt, %add3A_481, %sign3A_487 : i32
      %sign3A_489 = arith.extui %sign3A_488 : i1 to i32
      %sign3A_490 = arith.subi %sign3A_486, %sign3A_489 : i32
      %sign3A_491 = arith.constant 0 : i32
      %sign3A_492 = arith.cmpi sgt, %jit3A_482, %sign3A_491 : i32
      %sign3A_493 = arith.extui %sign3A_492 : i1 to i32
      %sign3A_494 = arith.constant 0 : i32
      %sign3A_495 = arith.cmpi slt, %jit3A_482, %sign3A_494 : i32
      %sign3A_496 = arith.extui %sign3A_495 : i1 to i32
      %sign3A_497 = arith.subi %sign3A_493, %sign3A_496 : i32
      %ne3A_498 = arith.cmpi ne, %sign3A_490, %sign3A_497 : i32
      %rem3A_499 = arith.remsi %add3A_481, %jit3A_482 : i32
      %ne3A_500 = arith.constant 0 : i32
      %ne3A_501 = arith.cmpi ne, %rem3A_499, %ne3A_500 : i32
      %and3A_502 = arith.andi %ne3A_498, %ne3A_501 : i1
      %sub3A_503 = arith.constant 1 : i32
      %sub3A_504 = arith.subi %div3A_483, %sub3A_503 : i32
      %select_n3A_505 = arith.select %and3A_502, %sub3A_504, %div3A_483 : i32
      %rem3A_506 = arith.constant 32 : i32
      %rem3A_507 = arith.remsi %add3A_481, %rem3A_506 : i32
      %dma_start3A_508 = arith.constant 0 : i32
      %dma_start3A_509 = arith.constant 0 : i32
      %dma_start3A_510 = arith.constant 0 : i32
      %dma_start3A_511 = tpu.memref_slice %arg14[%dma_start3A_508, %dma_start3A_509, %dma_start3A_510] : memref<8x8x132xf32, #tpu.memory_space<vmem>> -> memref<8x8x128xf32, #tpu.memory_space<vmem>>
      %dma_start3A_512 = arith.constant 0 : i32
      %dma_start3A_513 = arith.constant 0 : i32
      %dma_start3A_514 = arith.constant 0 : i32
      %dma_start3A_515 = tpu.memref_slice %arg4[%select_n3A_505, %dma_start3A_512, %rem3A_507, %dma_start3A_513, %dma_start3A_514] : memref<200x8x32x8x128xf32, #tpu.memory_space<hbm>> -> memref<1x8x1x8x128xf32, #tpu.memory_space<hbm>>
      %dma_start3A_516 = tpu.memref_squeeze %dma_start3A_515 : memref<1x8x1x8x128xf32, #tpu.memory_space<hbm>> -> memref<8x8x128xf32, #tpu.memory_space<hbm>>
      %dma_start3A_517 = arith.constant 0 : i32
      %dma_start3A_518 = arith.constant 0 : i32
      %dma_start3A_519 = arith.constant 0 : i32
      %dma_start3A_520 = tpu.memref_slice %arg4[%select_n3A_505, %dma_start3A_517, %rem3A_507, %dma_start3A_518, %dma_start3A_519] : memref<200x8x32x8x128xf32, #tpu.memory_space<hbm>> -> memref<1x8x1x8x128xf32, #tpu.memory_space<hbm>>
      %dma_start3A_521 = tpu.memref_squeeze %dma_start3A_520 : memref<1x8x1x8x128xf32, #tpu.memory_space<hbm>> -> memref<8x8x128xf32, #tpu.memory_space<hbm>>
      %dma_start3A_522 = arith.constant 0 : i32
      %dma_start3A_523 = arith.constant 0 : i32
      %dma_start3A_524 = arith.constant 0 : i32
      %dma_start3A_525 = tpu.memref_slice %arg14[%dma_start3A_522, %dma_start3A_523, %dma_start3A_524] : memref<8x8x132xf32, #tpu.memory_space<vmem>> -> memref<8x8x128xf32, #tpu.memory_space<vmem>>
      tpu.enqueue_dma source(%dma_start3A_525 : memref<8x8x128xf32, #tpu.memory_space<vmem>>) target(%dma_start3A_521 : memref<8x8x128xf32, #tpu.memory_space<hbm>>) target_semaphore(%arg24 : memref<!tpu.dma_semaphore, #tpu.memory_space<semaphore_mem>>)
      %mul3A_526 = arith.constant 5 : i32
      %mul3A_527 = arith.muli %scan3A_230, %mul3A_526 : i32
      %add3A_528 = arith.constant 4 : i32
      %add3A_529 = arith.addi %mul3A_527, %add3A_528 : i32
      %dma_wait3A_530 = arith.constant 0 : i32
      %dma_wait3A_531 = tpu.memref_slice %arg5[%add3A_529, %dma_wait3A_530] : memref<200x128xi32, #tpu.memory_space<vmem>> -> memref<1x128xi32, #tpu.memory_space<vmem>>
      %dma_wait3A_532 = tpu.memref_squeeze %dma_wait3A_531 : memref<1x128xi32, #tpu.memory_space<vmem>> -> memref<128xi32, #tpu.memory_space<vmem>>
      %dma_wait3A_533 = arith.constant 0 : i32
      %dma_wait3A_534 = arith.constant 0 : i32
      %dma_wait3A_535 = tpu.memref_slice %arg3[%dma_wait3A_533, %dma_wait3A_534] : memref<1000000x64xf32, #tpu.memory_space<hbm>> -> memref<1000000x64xf32, #tpu.memory_space<hbm>>
      tpu.wait_indirect_dma semaphore(%arg20 : memref<!tpu.dma_semaphore, #tpu.memory_space<semaphore_mem>>) src(%dma_wait3A_535 : memref<1000000x64xf32, #tpu.memory_space<hbm>>) dst(%arg10 : memref<128x64xf32, #tpu.memory_space<vmem>>)
      %parallel_loop3A_536 = arith.constant 0 : i32
      %parallel_loop3A_537 = arith.constant 128 : i32
      %parallel_loop3A_538 = arith.constant 1 : i32
      scf.for %parallel_loop3A_601 = %parallel_loop3A_536 to %parallel_loop3A_537 step %parallel_loop3A_538  : i32 {
        %parallel_loop3A_602 = vector.broadcast %parallel_loop3A_601 : i32 to vector<16xi32>
        %parallel_loop3A_603 = arith.index_cast %parallel_loop3A_601 : i32 to index
        %parallel_loop3A_604 = arith.constant 0 : index
        %parallel_loop3A_605 = tpu.vector_load %arg10[%parallel_loop3A_603, %parallel_loop3A_604] {strides = array<i32>} : memref<128x64xf32, #tpu.memory_space<vmem>>, vector<16xf32>,
        %parallel_loop3A_606 = arith.constant 8.000000e+00 : f32
        %parallel_loop3A_607 = vector.broadcast %parallel_loop3A_606 : f32 to vector<16xf32>
        %parallel_loop3A_608 = arith.mulf %parallel_loop3A_605, %parallel_loop3A_607 : vector<16xf32>
        tpu.vector_store_idx %arg15[%select_n3A, %rem3A_136, %parallel_loop3A_602], %parallel_loop3A_608 : memref<8x8x132xf32, #tpu.memory_space<vmem>>[vector<16xi32>, vector<16xi32>, vector<16xi32>], vector<16xf32>,
        %parallel_loop3A_609 = arith.index_cast %parallel_loop3A_601 : i32 to index
        %parallel_loop3A_610 = arith.constant 16 : index
        %parallel_loop3A_611 = tpu.vector_load %arg10[%parallel_loop3A_609, %parallel_loop3A_610] {strides = array<i32>} : memref<128x64xf32, #tpu.memory_space<vmem>>, vector<16xf32>,
        %parallel_loop3A_612 = arith.constant 8.000000e+00 : f32
        %parallel_loop3A_613 = vector.broadcast %parallel_loop3A_612 : f32 to vector<16xf32>
        %parallel_loop3A_614 = arith.mulf %parallel_loop3A_611, %parallel_loop3A_613 : vector<16xf32>
        tpu.vector_store_idx %arg15[%select_n3A_71, %rem3A_139, %parallel_loop3A_602], %parallel_loop3A_614 : memref<8x8x132xf32, #tpu.memory_space<vmem>>[vector<16xi32>, vector<16xi32>, vector<16xi32>], vector<16xf32>,
        %parallel_loop3A_615 = arith.index_cast %parallel_loop3A_601 : i32 to index
        %parallel_loop3A_616 = arith.constant 32 : index
        %parallel_loop3A_617 = tpu.vector_load %arg10[%parallel_loop3A_615, %parallel_loop3A_616] {strides = array<i32>} : memref<128x64xf32, #tpu.memory_space<vmem>>, vector<16xf32>,
        %parallel_loop3A_618 = arith.constant 8.000000e+00 : f32
        %parallel_loop3A_619 = vector.broadcast %parallel_loop3A_618 : f32 to vector<16xf32>
        %parallel_loop3A_620 = arith.mulf %parallel_loop3A_617, %parallel_loop3A_619 : vector<16xf32>
        tpu.vector_store_idx %arg15[%select_n3A_102, %rem3A_142, %parallel_loop3A_602], %parallel_loop3A_620 : memref<8x8x132xf32, #tpu.memory_space<vmem>>[vector<16xi32>, vector<16xi32>, vector<16xi32>], vector<16xf32>,
        %parallel_loop3A_621 = arith.index_cast %parallel_loop3A_601 : i32 to index
        %parallel_loop3A_622 = arith.constant 48 : index
        %parallel_loop3A_623 = tpu.vector_load %arg10[%parallel_loop3A_621, %parallel_loop3A_622] {strides = array<i32>} : memref<128x64xf32, #tpu.memory_space<vmem>>, vector<16xf32>,
        %parallel_loop3A_624 = arith.constant 8.000000e+00 : f32
        %parallel_loop3A_625 = vector.broadcast %parallel_loop3A_624 : f32 to vector<16xf32>
        %parallel_loop3A_626 = arith.mulf %parallel_loop3A_623, %parallel_loop3A_625 : vector<16xf32>
        tpu.vector_store_idx %arg15[%select_n3A_133, %rem3A_145, %parallel_loop3A_602], %parallel_loop3A_626 : memref<8x8x132xf32, #tpu.memory_space<vmem>>[vector<16xi32>, vector<16xi32>, vector<16xi32>], vector<16xf32>,
      } {sc.loop_unroll_factor = 4 : i64, sc.parallel_access}
      %ge3A_539 = arith.constant 1 : i32
      %ge3A_540 = arith.cmpi sge, %add3A_529, %ge3A_539 : i32
      %convert_element_type3A_541 = arith.extui %ge3A_540 : i1 to i32
      %cond3A_542 = arith.constant 0 : i32
      %cond3A_543 = arith.cmpi ne, %convert_element_type3A_541, %cond3A_542 : i32
      scf.if %cond3A_543 {
        %sub3A_601 = arith.constant 1 : i32
        %sub3A_602 = arith.subi %add3A_529, %sub3A_601 : i32
        %add3A_603 = arith.addi %mul3A_2, %sub3A_602 : i32
        %jit3A_604 = arith.constant 32 : i32
        %div3A_605 = arith.divsi %add3A_603, %jit3A_604 : i32
        %sign3A_606 = arith.constant 0 : i32
        %sign3A_607 = arith.cmpi sgt, %add3A_603, %sign3A_606 : i32
        %sign3A_608 = arith.extui %sign3A_607 : i1 to i32
        %sign3A_609 = arith.constant 0 : i32
        %sign3A_610 = arith.cmpi slt, %add3A_603, %sign3A_609 : i32
        %sign3A_611 = arith.extui %sign3A_610 : i1 to i32
        %sign3A_612 = arith.subi %sign3A_608, %sign3A_611 : i32
        %sign3A_613 = arith.constant 0 : i32
        %sign3A_614 = arith.cmpi sgt, %jit3A_604, %sign3A_613 : i32
        %sign3A_615 = arith.extui %sign3A_614 : i1 to i32
        %sign3A_616 = arith.constant 0 : i32
        %sign3A_617 = arith.cmpi slt, %jit3A_604, %sign3A_616 : i32
        %sign3A_618 = arith.extui %sign3A_617 : i1 to i32
        %sign3A_619 = arith.subi %sign3A_615, %sign3A_618 : i32
        %ne3A_620 = arith.cmpi ne, %sign3A_612, %sign3A_619 : i32
        %rem3A_621 = arith.remsi %add3A_603, %jit3A_604 : i32
        %ne3A_622 = arith.constant 0 : i32
        %ne3A_623 = arith.cmpi ne, %rem3A_621, %ne3A_622 : i32
        %and3A_624 = arith.andi %ne3A_620, %ne3A_623 : i1
        %sub3A_625 = arith.constant 1 : i32
        %sub3A_626 = arith.subi %div3A_605, %sub3A_625 : i32
        %select_n3A_627 = arith.select %and3A_624, %sub3A_626, %div3A_605 : i32
        %rem3A_628 = arith.constant 32 : i32
        %rem3A_629 = arith.remsi %add3A_603, %rem3A_628 : i32
        %dma_wait3A_630 = arith.constant 0 : i32
        %dma_wait3A_631 = arith.constant 0 : i32
        %dma_wait3A_632 = arith.constant 0 : i32
        %dma_wait3A_633 = tpu.memref_slice %arg14[%dma_wait3A_630, %dma_wait3A_631, %dma_wait3A_632] : memref<8x8x132xf32, #tpu.memory_space<vmem>> -> memref<8x8x128xf32, #tpu.memory_space<vmem>>
        %dma_wait3A_634 = arith.constant 0 : i32
        %dma_wait3A_635 = arith.constant 0 : i32
        %dma_wait3A_636 = arith.constant 0 : i32
        %dma_wait3A_637 = tpu.memref_slice %arg4[%select_n3A_627, %dma_wait3A_634, %rem3A_629, %dma_wait3A_635, %dma_wait3A_636] : memref<200x8x32x8x128xf32, #tpu.memory_space<hbm>> -> memref<1x8x1x8x128xf32, #tpu.memory_space<hbm>>
        %dma_wait3A_638 = tpu.memref_squeeze %dma_wait3A_637 : memref<1x8x1x8x128xf32, #tpu.memory_space<hbm>> -> memref<8x8x128xf32, #tpu.memory_space<hbm>>
        %dma_wait3A_639 = arith.constant 0 : i32
        %dma_wait3A_640 = arith.constant 0 : i32
        %dma_wait3A_641 = arith.constant 0 : i32
        %dma_wait3A_642 = tpu.memref_slice %arg4[%select_n3A_627, %dma_wait3A_639, %rem3A_629, %dma_wait3A_640, %dma_wait3A_641] : memref<200x8x32x8x128xf32, #tpu.memory_space<hbm>> -> memref<1x8x1x8x128xf32, #tpu.memory_space<hbm>>
        %dma_wait3A_643 = tpu.memref_squeeze %dma_wait3A_642 : memref<1x8x1x8x128xf32, #tpu.memory_space<hbm>> -> memref<8x8x128xf32, #tpu.memory_space<hbm>>
        %dma_wait3A_644 = arith.constant 0 : i32
        %dma_wait3A_645 = arith.constant 0 : i32
        %dma_wait3A_646 = arith.constant 0 : i32
        %dma_wait3A_647 = tpu.memref_slice %arg14[%dma_wait3A_644, %dma_wait3A_645, %dma_wait3A_646] : memref<8x8x132xf32, #tpu.memory_space<vmem>> -> memref<8x8x128xf32, #tpu.memory_space<vmem>>
        tpu.wait_dma2 semaphore(%arg24 : memref<!tpu.dma_semaphore, #tpu.memory_space<semaphore_mem>>) src(%dma_wait3A_647 : memref<8x8x128xf32, #tpu.memory_space<vmem>>) dst(%dma_wait3A_643 : memref<8x8x128xf32, #tpu.memory_space<hbm>>)
      } else {
      }
      %ge3A_544 = arith.constant 1 : i32
      %ge3A_545 = arith.cmpi sge, %add3A_529, %ge3A_544 : i32
      %sub3A_546 = arith.constant 1 : i32
      %sub3A_547 = arith.subi %add3A_529, %sub3A_546 : i32
      %add3A_548 = arith.constant 5 : i32
      %add3A_549 = arith.addi %sub3A_547, %add3A_548 : i32
      %lt3A_550 = arith.constant 200 : i32
      %lt3A_551 = arith.cmpi slt, %add3A_549, %lt3A_550 : i32
      %and3A_552 = arith.andi %ge3A_545, %lt3A_551 : i1
      %convert_element_type3A_553 = arith.extui %and3A_552 : i1 to i32
      %cond3A_554 = arith.constant 0 : i32
      %cond3A_555 = arith.cmpi ne, %convert_element_type3A_553, %cond3A_554 : i32
      scf.if %cond3A_555 {
        %sub3A_601 = arith.constant 1 : i32
        %sub3A_602 = arith.subi %add3A_529, %sub3A_601 : i32
        %add3A_603 = arith.constant 5 : i32
        %add3A_604 = arith.addi %sub3A_602, %add3A_603 : i32
        %dma_start3A_605 = arith.constant 0 : i32
        %dma_start3A_606 = tpu.memref_slice %arg5[%add3A_604, %dma_start3A_605] : memref<200x128xi32, #tpu.memory_space<vmem>> -> memref<1x128xi32, #tpu.memory_space<vmem>>
        %dma_start3A_607 = tpu.memref_squeeze %dma_start3A_606 : memref<1x128xi32, #tpu.memory_space<vmem>> -> memref<128xi32, #tpu.memory_space<vmem>>
        %dma_start3A_608 = arith.constant 0 : i32
        %dma_start3A_609 = arith.constant 0 : i32
        %dma_start3A_610 = tpu.memref_slice %arg3[%dma_start3A_608, %dma_start3A_609] : memref<1000000x64xf32, #tpu.memory_space<hbm>> -> memref<1000000x64xf32, #tpu.memory_space<hbm>>
        tpu.enqueue_indirect_dma source(%dma_start3A_610 : memref<1000000x64xf32, #tpu.memory_space<hbm>>) target(%arg9 : memref<128x64xf32, #tpu.memory_space<vmem>>) offsets(%dma_start3A_607 : memref<128xi32, #tpu.memory_space<vmem>>) semaphore(%arg19 : memref<!tpu.dma_semaphore, #tpu.memory_space<semaphore_mem>>)
      } else {
      }
      %add3A_556 = arith.addi %mul3A_2, %add3A_529 : i32
      %jit3A_557 = arith.constant 32 : i32
      %div3A_558 = arith.divsi %add3A_556, %jit3A_557 : i32
      %sign3A_559 = arith.constant 0 : i32
      %sign3A_560 = arith.cmpi sgt, %add3A_556, %sign3A_559 : i32
      %sign3A_561 = arith.extui %sign3A_560 : i1 to i32
      %sign3A_562 = arith.constant 0 : i32
      %sign3A_563 = arith.cmpi slt, %add3A_556, %sign3A_562 : i32
      %sign3A_564 = arith.extui %sign3A_563 : i1 to i32
      %sign3A_565 = arith.subi %sign3A_561, %sign3A_564 : i32
      %sign3A_566 = arith.constant 0 : i32
      %sign3A_567 = arith.cmpi sgt, %jit3A_557, %sign3A_566 : i32
      %sign3A_568 = arith.extui %sign3A_567 : i1 to i32
      %sign3A_569 = arith.constant 0 : i32
      %sign3A_570 = arith.cmpi slt, %jit3A_557, %sign3A_569 : i32
      %sign3A_571 = arith.extui %sign3A_570 : i1 to i32
      %sign3A_572 = arith.subi %sign3A_568, %sign3A_571 : i32
      %ne3A_573 = arith.cmpi ne, %sign3A_565, %sign3A_572 : i32
      %rem3A_574 = arith.remsi %add3A_556, %jit3A_557 : i32
      %ne3A_575 = arith.constant 0 : i32
      %ne3A_576 = arith.cmpi ne, %rem3A_574, %ne3A_575 : i32
      %and3A_577 = arith.andi %ne3A_573, %ne3A_576 : i1
      %sub3A_578 = arith.constant 1 : i32
      %sub3A_579 = arith.subi %div3A_558, %sub3A_578 : i32
      %select_n3A_580 = arith.select %and3A_577, %sub3A_579, %div3A_558 : i32
      %rem3A_581 = arith.constant 32 : i32
      %rem3A_582 = arith.remsi %add3A_556, %rem3A_581 : i32
      %dma_start3A_583 = arith.constant 0 : i32
      %dma_start3A_584 = arith.constant 0 : i32
      %dma_start3A_585 = arith.constant 0 : i32
      %dma_start3A_586 = tpu.memref_slice %arg15[%dma_start3A_583, %dma_start3A_584, %dma_start3A_585] : memref<8x8x132xf32, #tpu.memory_space<vmem>> -> memref<8x8x128xf32, #tpu.memory_space<vmem>>
      %dma_start3A_587 = arith.constant 0 : i32
      %dma_start3A_588 = arith.constant 0 : i32
      %dma_start3A_589 = arith.constant 0 : i32
      %dma_start3A_590 = tpu.memref_slice %arg4[%select_n3A_580, %dma_start3A_587, %rem3A_582, %dma_start3A_588, %dma_start3A_589] : memref<200x8x32x8x128xf32, #tpu.memory_space<hbm>> -> memref<1x8x1x8x128xf32, #tpu.memory_space<hbm>>
      %dma_start3A_591 = tpu.memref_squeeze %dma_start3A_590 : memref<1x8x1x8x128xf32, #tpu.memory_space<hbm>> -> memref<8x8x128xf32, #tpu.memory_space<hbm>>
      %dma_start3A_592 = arith.constant 0 : i32
      %dma_start3A_593 = arith.constant 0 : i32
      %dma_start3A_594 = arith.constant 0 : i32
      %dma_start3A_595 = tpu.memref_slice %arg4[%select_n3A_580, %dma_start3A_592, %rem3A_582, %dma_start3A_593, %dma_start3A_594] : memref<200x8x32x8x128xf32, #tpu.memory_space<hbm>> -> memref<1x8x1x8x128xf32, #tpu.memory_space<hbm>>
      %dma_start3A_596 = tpu.memref_squeeze %dma_start3A_595 : memref<1x8x1x8x128xf32, #tpu.memory_space<hbm>> -> memref<8x8x128xf32, #tpu.memory_space<hbm>>
      %dma_start3A_597 = arith.constant 0 : i32
      %dma_start3A_598 = arith.constant 0 : i32
      %dma_start3A_599 = arith.constant 0 : i32
      %dma_start3A_600 = tpu.memref_slice %arg15[%dma_start3A_597, %dma_start3A_598, %dma_start3A_599] : memref<8x8x132xf32, #tpu.memory_space<vmem>> -> memref<8x8x128xf32, #tpu.memory_space<vmem>>
      tpu.enqueue_dma source(%dma_start3A_600 : memref<8x8x128xf32, #tpu.memory_space<vmem>>) target(%dma_start3A_596 : memref<8x8x128xf32, #tpu.memory_space<hbm>>) target_semaphore(%arg25 : memref<!tpu.dma_semaphore, #tpu.memory_space<semaphore_mem>>)
    }
    %scan3A_184 = arith.constant 40 : i32
    %add3A_185 = arith.constant 199 : i32
    %add3A_186 = arith.addi %mul3A_2, %add3A_185 : i32
    %jit3A_187 = arith.constant 32 : i32
    %div3A_188 = arith.divsi %add3A_186, %jit3A_187 : i32
    %sign3A_189 = arith.constant 0 : i32
    %sign3A_190 = arith.cmpi sgt, %add3A_186, %sign3A_189 : i32
    %sign3A_191 = arith.extui %sign3A_190 : i1 to i32
    %sign3A_192 = arith.constant 0 : i32
    %sign3A_193 = arith.cmpi slt, %add3A_186, %sign3A_192 : i32
    %sign3A_194 = arith.extui %sign3A_193 : i1 to i32
    %sign3A_195 = arith.subi %sign3A_191, %sign3A_194 : i32
    %sign3A_196 = arith.constant 0 : i32
    %sign3A_197 = arith.cmpi sgt, %jit3A_187, %sign3A_196 : i32
    %sign3A_198 = arith.extui %sign3A_197 : i1 to i32
    %sign3A_199 = arith.constant 0 : i32
    %sign3A_200 = arith.cmpi slt, %jit3A_187, %sign3A_199 : i32
    %sign3A_201 = arith.extui %sign3A_200 : i1 to i32
    %sign3A_202 = arith.subi %sign3A_198, %sign3A_201 : i32
    %ne3A_203 = arith.cmpi ne, %sign3A_195, %sign3A_202 : i32
    %rem3A_204 = arith.remsi %add3A_186, %jit3A_187 : i32
    %ne3A_205 = arith.constant 0 : i32
    %ne3A_206 = arith.cmpi ne, %rem3A_204, %ne3A_205 : i32
    %and3A_207 = arith.andi %ne3A_203, %ne3A_206 : i1
    %sub3A_208 = arith.constant 1 : i32
    %sub3A_209 = arith.subi %div3A_188, %sub3A_208 : i32
    %select_n3A_210 = arith.select %and3A_207, %sub3A_209, %div3A_188 : i32
    %rem3A_211 = arith.constant 32 : i32
    %rem3A_212 = arith.remsi %add3A_186, %rem3A_211 : i32
    %dma_wait3A = arith.constant 0 : i32
    %dma_wait3A_213 = arith.constant 0 : i32
    %dma_wait3A_214 = arith.constant 0 : i32
    %dma_wait3A_215 = tpu.memref_slice %arg15[%dma_wait3A, %dma_wait3A_213, %dma_wait3A_214] : memref<8x8x132xf32, #tpu.memory_space<vmem>> -> memref<8x8x128xf32, #tpu.memory_space<vmem>>
    %dma_wait3A_216 = arith.constant 0 : i32
    %dma_wait3A_217 = arith.constant 0 : i32
    %dma_wait3A_218 = arith.constant 0 : i32
    %dma_wait3A_219 = tpu.memref_slice %arg4[%select_n3A_210, %dma_wait3A_216, %rem3A_212, %dma_wait3A_217, %dma_wait3A_218] : memref<200x8x32x8x128xf32, #tpu.memory_space<hbm>> -> memref<1x8x1x8x128xf32, #tpu.memory_space<hbm>>
    %dma_wait3A_220 = tpu.memref_squeeze %dma_wait3A_219 : memref<1x8x1x8x128xf32, #tpu.memory_space<hbm>> -> memref<8x8x128xf32, #tpu.memory_space<hbm>>
    %dma_wait3A_221 = arith.constant 0 : i32
    %dma_wait3A_222 = arith.constant 0 : i32
    %dma_wait3A_223 = arith.constant 0 : i32
    %dma_wait3A_224 = tpu.memref_slice %arg4[%select_n3A_210, %dma_wait3A_221, %rem3A_212, %dma_wait3A_222, %dma_wait3A_223] : memref<200x8x32x8x128xf32, #tpu.memory_space<hbm>> -> memref<1x8x1x8x128xf32, #tpu.memory_space<hbm>>
    %dma_wait3A_225 = tpu.memref_squeeze %dma_wait3A_224 : memref<1x8x1x8x128xf32, #tpu.memory_space<hbm>> -> memref<8x8x128xf32, #tpu.memory_space<hbm>>
    %dma_wait3A_226 = arith.constant 0 : i32
    %dma_wait3A_227 = arith.constant 0 : i32
    %dma_wait3A_228 = arith.constant 0 : i32
    %dma_wait3A_229 = tpu.memref_slice %arg15[%dma_wait3A_226, %dma_wait3A_227, %dma_wait3A_228] : memref<8x8x132xf32, #tpu.memory_space<vmem>> -> memref<8x8x128xf32, #tpu.memory_space<vmem>>
    tpu.wait_dma2 semaphore(%arg25 : memref<!tpu.dma_semaphore, #tpu.memory_space<semaphore_mem>>) src(%dma_wait3A_229 : memref<8x8x128xf32, #tpu.memory_space<vmem>>) dst(%dma_wait3A_225 : memref<8x8x128xf32, #tpu.memory_space<hbm>>)
    return
  }
}

</mosaic_0001>

<sc_bundles>
// kernel: kernel.3.cloned.1.call-start
scs
__scs_entry_jumppad:
0x0: {  	(pc) =	sbr.rel $0x88, $3  }
0x1: {  	(tag) =	ssettag $0x0;
	lr =	simm.s32 $0x1  }
0x2: {  	[smem:$0x3F9F] =	sst lr;
	_ =	strace $0xD0000000  }
0x3: {  	_ = 	snop  }
0x4: {  	_ = 	snop  }
0x5: {  	_ = 	snop  }
0x6: {  	_ = 	snop  }
0x7: {  	_ = 	snop  }
__scs_overlays_trampoline_lowered:
0x8: {  	[smem:$0x3FAE] =	sst s0  }
0x9: {  	[smem:$0x3FAF] =	sst s1  }
0xa: {  	[smem:$0x3FB0] =	sst s2  }
0xb: {  	[smem:$0x3FB1] =	sst s3  }
0xc: {  	[smem:$0x3FB2] =	sst s4  }
0xd: {  	[smem:$0x3FB3] =	sst s5  }
0xe: {  	[smem:$0x3FB4] =	sst s6  }
0xf: {  	[smem:$0x3FB5] =	sst s7  }
0x10: {  	[smem:$0x3FB6] =	sst s8  }
0x11: {  	[smem:$0x3FB7] =	sst s9;
	s0 =	simm.s32 @!p0 $0x0  }
0x12: {  	s1 =	sld [smem:$0x3F9D];
	s0 =	simm.s32 @p0 $0x1  }
0x13: {  	[smem:$0x3FB8] =	sst s0;
	s0 =	simm.s32 @!p1 $0x0  }
0x14: {  	s2 =	sld [smem:$0x3F9C];
	s0 =	simm.s32 @p1 $0x1  }
0x15: {  	[smem:$0x3FB9] =	sst s0;
	s0 =	simm.s32 @!p2 $0x0  }
0x16: {  	s3 =	sld [smem:$0x3FDB];
	s0 =	simm.s32 @p2 $0x1  }
0x17: {  	s4 =	simm.s32 $0x1BF5;
	[smem:$0x3FBB] =	sst s0  }
0x18: {  	s0 =	sld [smem:$0x3F9E];
	_ =	swait.ge [sflag:s4], $0x0  }
0x19: {  	s7 =	sld [smem:$0x3F9F]  }
0x1a: {  	s8 =	sadd.s32 $0xFFFFE003, lr  }
0x1b: {  	s9 =	sadd.s32 $0xFFFFFEF7, lr;
	s5 =	simm.s32 $0xFFFFFFFF;
	p2 =	slt.u32 s8, $0xFFFFF086  }
0x1c: {  	p1 =	slt.u32 s9, $0xF7A;
	s5 =	simm.s32 @!p2 $0x0  }
0x1d: {  	s5 =	simm.s32 @p1 $0x1;
	p0 =	seq.s32 s7, s2  }
0x1e: {  	s7 =	smul.u32 @!p0 $0xF7A, s2;
	p2 =	seq.s32 @!p0 s5, $0x0  }
0x1f: {  	s9 =	smul.u32 $0xF7A, s1;
	s8 =	simm.s32 @!p0 $0x1BF5;
	p2 =	por !p2, p0  }
0x20: {  	[sflag:s8] =	ssyncset.s32 @!p0 $0xFFFFF086;
	s6 =	sadd.s32 @!p0 s3, s7;
	s7 =	simm.s32 @!p0 $0x108  }
0x21: {  	s3 =	sadd.s32 s3, s9;
	s6 =	sadd.s32 @!p0 $0x88, s6;
	s7 =	simm.s32 @p2 $0x1082  }
0x22: {  	[simem:s7], [sflag:s8] =	dma.local @!p0 [hbm:s6], $0xF7A  }
0x23: {  	s9 =	sor.u32 $0xD0000000, s2;
	s6 =	simm.s32 $0x108;
	_ =	swait.ge @!p0 [sflag:s8], $0x0  }
0x24: {  	s3 =	sadd.s32 $0x88, s3;
	s6 =	simm.s32 @!p1 $0x1082;
	[sflag:s4] =	ssyncset.s32 $0xFFFFF086  }
0x25: {  	[simem:s6], [sflag:s4] =	dma.local [hbm:s3], $0xF7A  }
0x26: {  	[smem:$0x3F9F] =	sst s1;
	(tag) =	ssettag s2;
	_ =	strace s9  }
0x27: {  	s1 =	sld [smem:$0x3FAF]  }
0x28: {  	s2 =	sld [smem:$0x3FB0]  }
0x29: {  	s4 =	sld [smem:$0x3FB2]  }
0x2a: {  	p0 =	seq.s32 s5, $0x0;
	s5 =	sld [smem:$0x3FB3]  }
0x2b: {  	s6 =	sld [smem:$0x3FB4]  }
0x2c: {  	s7 =	sld [smem:$0x3FB5]  }
0x2d: {  	s3 =	simm.s32 $0x108;
	s8 =	sld [smem:$0x3FB6]  }
0x2e: {  	s3 =	simm.s32 @!p0 $0x1082;
	s9 =	sld [smem:$0x3FB7]  }
0x2f: {  	lr =	sadd.s32 s0, s3;
	s0 =	sld [smem:$0x3FAE]  }
0x30: {  	s3 =	sld [smem:$0x3FB1]  }
0x31: {  	[smem:$0x3FBA] =	sst s10  }
0x32: {  	s10 =	sld [smem:$0x3FB8];
	_ =	sdelay $0x3  }
0x33: {  	p0 =	seq.s32 s10, $0x1;
	s10 =	sld [smem:$0x3FBA];
	_ =	sdelay $0x3  }
0x34: {  	[smem:$0x3FBA] =	sst s10  }
0x35: {  	s10 =	sld [smem:$0x3FB9];
	_ =	sdelay $0x3  }
0x36: {  	p1 =	seq.s32 s10, $0x1;
	s10 =	sld [smem:$0x3FBA];
	_ =	sdelay $0x3  }
0x37: {  	[smem:$0x3FBA] =	sst s10  }
0x38: {  	s10 =	sld [smem:$0x3FBB]  }
0x39: {  	_ = 	snop;
	(pc) =	sbr.ind lr, $3  }
0x3a: {  	_ = 	snop  }
0x3b: {  	_ = 	snop  }
0x3c: {  	p2 =	seq.s32 s10, $0x1;
	s10 =	sld [smem:$0x3FBA]  }
0x3d: {  	_ =	shalt  }
0x3e: {  	_ =	shalt  }
0x3f: {  	_ =	shalt  }
0x40: {  	_ =	shalt  }
0x41: {  	_ =	shalt  }
0x42: {  	_ =	shalt  }
0x43: {  	_ =	shalt  }
0x44: {  	_ =	shalt  }
0x45: {  	_ =	shalt  }
0x46: {  	_ =	shalt  }
0x47: {  	_ =	shalt  }
0x48: {  	_ =	shalt  }
0x49: {  	_ =	shalt  }
0x4a: {  	_ =	shalt  }
0x4b: {  	_ =	shalt  }
0x4c: {  	_ =	shalt  }
0x4d: {  	_ =	shalt  }
0x4e: {  	_ =	shalt  }
0x4f: {  	_ =	shalt  }
0x50: {  	_ =	shalt  }
0x51: {  	_ =	shalt  }
0x52: {  	_ =	shalt  }
0x53: {  	_ =	shalt  }
0x54: {  	_ =	shalt  }
0x55: {  	_ =	shalt  }
0x56: {  	_ =	shalt  }
0x57: {  	_ =	shalt  }
0x58: {  	_ =	shalt  }
0x59: {  	_ =	shalt  }
0x5a: {  	_ =	shalt  }
0x5b: {  	_ =	shalt  }
0x5c: {  	_ =	shalt  }
0x5d: {  	_ =	shalt  }
0x5e: {  	_ =	shalt  }
0x5f: {  	_ =	shalt  }
0x60: {  	_ =	shalt  }
0x61: {  	_ =	shalt  }
0x62: {  	_ =	shalt  }
0x63: {  	_ =	shalt  }
0x64: {  	_ =	shalt  }
0x65: {  	_ =	shalt  }
0x66: {  	_ =	shalt  }
0x67: {  	_ =	shalt  }
0x68: {  	_ =	shalt  }
0x69: {  	_ =	shalt  }
0x6a: {  	_ =	shalt  }
0x6b: {  	_ =	shalt  }
0x6c: {  	_ =	shalt  }
0x6d: {  	_ =	shalt  }
0x6e: {  	_ =	shalt  }
0x6f: {  	_ =	shalt  }
0x70: {  	_ =	shalt  }
0x71: {  	_ =	shalt  }
0x72: {  	_ =	shalt  }
0x73: {  	_ =	shalt  }
0x74: {  	_ =	shalt  }
0x75: {  	_ =	shalt  }
0x76: {  	_ =	shalt  }
0x77: {  	_ =	shalt  }
0x78: {  	_ =	shalt  }
0x79: {  	_ =	shalt  }
0x7a: {  	_ =	shalt  }
0x7b: {  	_ =	shalt  }
0x7c: {  	_ =	shalt  }
0x7d: {  	_ =	shalt  }
0x7e: {  	_ =	shalt  }
0x7f: {  	_ =	shalt  }
0x80: {  	_ =	shalt  }
0x81: {  	_ =	shalt  }
0x82: {  	_ =	shalt  }
0x83: {  	_ =	shalt  }
0x84: {  	_ =	shalt  }
0x85: {  	_ =	shalt  }
0x86: {  	_ =	shalt  }
0x87: {  	_ =	shalt  }
.Lfunc_end0:
.L_simem_size_0:
called_computation_lowered:
.L_overlay_start_0:
0x88: {  	s2 =	sld [smem:$0x3FD9]  }
0x89: {  	s3 =	sld [smem:$0x3FFE];
	_ =	sdelay $0x1  }
0x8a: {  	s1 =	srdreg.scid  }
0x8b: {  	s0 =	sand.u32 $0x1, s1  }
0x8c: {  	s17 =	sshll.u32 s0, $0xA;
	s2 =	sadd.s32 s3, s2  }
0x8d: {  	s2 =	sadd.s32 s2, s17  }
0x8e: {  	[smem:$0x3FC6] =	sst s2  }
0x8f: {  	_ = 	snop  }
0x90: {  	s2 =	sld [smem:$0x3FD0];
	(tm) =	ssettm $0x1  }
0x91: {  	s18 =	sld [smem:$0x3FFB];
	_ =	sdelay $0x3  }
0x92: {  	_ =	strace s18  }
0x93: {  	s3 =	sld [smem:$0x3FFC];
	_ =	sdelay $0x3  }
0x94: {  	_ =	strace s3  }
0x95: {  	s3 =	sld [smem:$0x3FFD];
	_ =	sdelay $0x3  }
0x96: {  	_ =	strace s3  }
0x97: {  	_ =	strace $0x8FFFFFFF  }
0x98: {  	s19 =	sld [smem:$0x3FDB];
	_ =	sdelay $0x1  }
0x99: {  	s4 =	simm.s32 $_scs_section_size  }
0x9a: {  	s5 =	simm.s32 $_size__tile_overlayer_lowered;
	s6 =	simm.s32 $_tile_overlayer_lowered  }
0x9b: {  	s22 =	simm.s32 $0x1BFF;
	s21 =	sshll.u32 s6, $0x1;
	s3 =	sadd.s32 s4, s19  }
0x9c: {  	s7 =	simm.s32 $0x0;
	s20 =	sshll.u32 s5, $0x1;
	s5 =	sadd.s32 s21, s3  }
0x9d: {  	[timem:s7], [sflag:s22] =	dma.local [hbm:s5], s20  }
0x9e: {  	_ =	swait.ge [sflag:s22], s20  }
0x9f: {  	s4 =	ssub.s32 $0x0, s20;
	[sflag:s22] =	ssyncset.done $0x0  }
0xa0: {  	[sflag:s22] =	ssyncadd.s32 s4;
	_ =	sdelay $0x1  }
0xa1: {  	s23 =	simm.s32 $0x1B8B  }
0xa2: {  	_ =	swait.ge [sflag:s23], $0x1  }
0xa3: {  	[sflag:s23] =	ssyncset.done $0x0  }
0xa4: {  	s25 =	simm.s32 $0x1B8E;
	s24 =	sld [smem:$0x3FFE];
	[sflag:s23] =	ssyncadd.s32 $0xFFFFFFFF  }
0xa5: {  	s26 =	simm.s32 $execute0_lowered;
	[smem:$0x3FD2] =	sst s25  }
0xa6: {  	s5 =	sshll.u32 s26, $0x1;
	_ =	strace $0x80000046;
	[dreg:$0x1] =	wrdreg $0xFFFFFFFF  }
0xa7: {  	s28 =	simm.s32 $_size_execute0_lowered;
	s3 =	sadd.s32 s3, s5;
	[dreg:$0x0] =	wrdreg $0x0  }
0xa8: {  	s5 =	sshll.u32 s28, $0x1;
	[dreg:$0x2] =	wrdreg s3  }
0xa9: {  	[dreg:$0x3] =	wrdreg s5  }
0xaa: {  	[dreg:$0x4] =	wrdreg $0xC0  }
0xab: {  	_ =	task [dreg:s7], $0x5FFFF  }
0xac: {  	[dreg:$0x1] =	wrdreg $0xFFFFFFFF  }
0xad: {  	[dreg:$0x0] =	wrdreg $0x60  }
0xae: {  	[dreg:$0x2] =	wrdreg s24  }
0xaf: {  	[dreg:$0x3] =	wrdreg s2  }
0xb0: {  	[dreg:$0x4] =	wrdreg $0x9  }
0xb1: {  	_ =	task.clear_ibuf [dreg:s7], $0x5FFFF;
	_ =	strace $0x90000046  }
0xb2: {  	s29 =	simm.s32 $0x9;
	_ =	strace $0x80000048  }
0xb3: {  	_ =	swait.ge [sflag:s29], $0x1  }
0xb4: {  	[sflag:s29] =	ssyncadd.s32 $0xFFFFFFFF  }
0xb5: {  	_ =	strace $0x90000048  }
0xb6: {  	_ =	sfence  }
0xb7: {  	s30 =	sld [smem:$0x0];
	_ =	sdelay $0x2  }
0xb8: {  	s31 =	sshll.u32 s1, $0xD;
	s1 =	sshrl.u32 s1, $0x2  }
0xb9: {  	s3 =	sand.u32 $0x4000, s31;
	s1 =	sadd.s32 s1, s30  }
0xba: {  	s0 =	sor.u32 s3, s0;
	s1 =	sshll.u32 s1, $0x11  }
0xbb: {  	s0 =	sor.u32 s1, s0  }
0xbc: {  	s0 =	sadd.s32 $0x8F2B, s0  }
0xbd: {  	[sflag:s0] =	ssyncadd.remote.s32 $0x1  }
0xbe: {  	_ =	sfence.sel $0xFFFF  }
0xbf: {  	[dreg:$0x0] =	wrdreg $0xFFFFFFFF;
	(pc) =	sbr.abs _section_cstart, $3  }
0xc0: {  	[dreg:$0x1] =	wrdreg $0xFFFFFFFF  }
0xc1: {  	_ =	task.clear_ibuf [dreg:s7], $0x2FFFF;
	_ =	strace $0x9FFFFFFF  }
0xc2: {  	(tm) =	ssettm $0x7FFFFFFF  }
0xc3: {  	_ =	shalt  }
tec
execute0_lowered:
.L_overlay_start_1:
0x0: {  	(tag) =	ssettag $0x1  }
0x1: {  	s0 =	rddreg [dreg:$0x0]  }
0x2: {  	s1 =	srdreg.scid;
	s3 =	stileid.u32  }
0x3: {  	s2 =	rddreg [dreg:$0x1];
	s21 =	simm.s32 $0x1;
	s22 =	simm.s32 $0x10400  }
0x4: {  	s23 =	simm.s32 $0x4;
	s24 =	simm.s32 $0x2;
	s28 =	simm.s32 $0x3  }
0x5: {  	s29 =	simm.s32 $0x14800;
	s30 =	simm.s32 $0x7;
	s31 =	simm.s32 $0x16A00  }
0x6: {  	s13 =	simm.s32 $0x18C00;
	s1 =	sand.u32 $0x1, s1;
	s4 =	sshll.u32 s3, $0x1  }
0x7: {  	s14 =	simm.s32 $0x9;
	s11 =	simm.s32 $0x0;
	s4 =	sor.u32 s1, s4  }
0x8: {  	s3 =	simm.s32 $0x0;
	s1 =	ssub.s32 $0x2, s1;
	s5 =	smul.u32 $0xC80, s4  }
0x9: {  	[smem:$0x7FF] =	sst s3;
	s7 =	sshrl.u32 s1, $0x1;
	s4 =	smul.u32 $0xC8, s4  }
0xa: {  	_ =	strace $0x80000047;
	s25 =	ssub.s32 s1, s7;
	s1 =	simm.s32 $0x8  }
0xb: {  	v0 =	vlaneseq.u32;
	s6 =	sadd.s32 s5, s0;
	s5 =	sadd.s32 $0xF42A00, s0;
	s7 =	sor.u32 $0x1, s4  }
0xc: {  	v0 =	vmul.u32 $0x88, v0;
	s8 =	sor.u32 $0x2, s4;
	s9 =	sor.u32 $0x3, s4;
	s0 =	smax.u32 s25, $0x1  }
0xd: {  	s25 =	simm.s32 $0x12600;
	s26 =	sadd.s32 $0x600, s6;
	[dreg:$0x4] =	wrdreg s0  }
0xe: {  	v1 =	vadd.s32 $0x880, v0;
	v2 =	vadd.s32 $0x1100, v0;
	v3 =	vadd.s32 $0x1980, v0;
	s0 =	simm.s32 $0x5;
	[dreg:$0x3] =	wrdreg s26;
	s26 =	simm.s32 $0x6  }
.LBB2_1:
0xf: {  	[dreg:$0x5] =	wrdreg s11  }
0x10: {  	s6 =	rddreg [dreg:$0x3];
	s11 =	simm.s32 $0xB  }
0x11: {  	[tilespmem:s3], [sflag:$0xB] =	stream.linear.gather [hbm4b:s6+s3], $0x6400, $0x38;
	[tilespmem:$0x1AE00] =	vst v63  }
0x12: {  	_ =	swait.ge [sflag:s11], $0x6400  }
0x13: {  	[sflag:s11] =	ssyncset.done $0x0  }
0x14: {  	s10 =	simm.s32 $0x6400;
	s6 =	simm.s32 $0x80;
	[sflag:s11] =	ssyncadd.s32 $0xFFFF9C00  }
0x15: {  	[tilespmem:s10], [sflag:$0x1] =	stream.indirect.gather [hbm4b:s5+s6], $0x40, s3, s6, $0xb8;
	[tilespmem:$0x1AE00] =	vst v63  }
0x16: {  	s12 =	simm.s32 $0x8400  }
0x17: {  	[tilespmem:s12], [sflag:$0x2] =	stream.indirect.gather [hbm4b:s5+s6], $0x40, s6, s6, $0xb8;
	[tilespmem:$0x1AE00] =	vst v63  }
0x18: {  	s15 =	simm.s32 $0x100;
	s16 =	simm.s32 $0xA400  }
0x19: {  	[tilespmem:s16], [sflag:$0x3] =	stream.indirect.gather [hbm4b:s5+s6], $0x40, s15, s6, $0xb8;
	[tilespmem:$0x1AE00] =	vst v63  }
0x1a: {  	s17 =	simm.s32 $0x180;
	s18 =	simm.s32 $0xC400  }
0x1b: {  	[tilespmem:s18], [sflag:$0x4] =	stream.indirect.gather [hbm4b:s5+s6], $0x40, s17, s6, $0xb8;
	[tilespmem:$0x1AE00] =	vst v63  }
0x1c: {  	s19 =	simm.s32 $0x200;
	s20 =	simm.s32 $0xE400;
	s17 =	simm.s32 $0x0  }
0x1d: {  	[tilespmem:s20], [sflag:$0x5] =	stream.indirect.gather [hbm4b:s5+s6], $0x40, s19, s6, $0xb8;
	[tilespmem:$0x1AE00] =	vst v63  }
.LBB2_2:
0x1e: {  	_ =	swait.ge [sflag:s21], $0x2000  }
0x1f: {  	[sflag:s21] =	ssyncset.done $0x0  }
0x20: {  	s11 =	simm.s32 $0x6480;
	s6 =	simm.s32 $0x3;
	[sflag:s21] =	ssyncadd.s32 $0xFFFFE000  }
0x21: {  	v4 =	vmov s6;
	v5 =	vld [tilespmem:s11+$0x40]  }
0x22: {  	v9 =	vand.u32 $0x7F, v4  }
0x23: {  	s10 =	simm.s32 $0x0;
	v4 =	vadd.s32 v0, v9  }
0x24: {  	s12 =	simm.s32 $0x1;
	v6 =	vmov s10;
	s10 =	simm.s32 $0x2;
	v7 =	vld [tilespmem:s11+$0xFFFFFF80]  }
0x25: {  	v8 =	vand.u32 $0x7C, v6;
	v6 =	vmov s12;
	v11 =	vmov s10;
	v10 =	vld [tilespmem:s11+$0xFFFFFFC0]  }
0x26: {  	v12 =	vadd.s32 v0, v8;
	v15 =	vand.u32 $0x7D, v6;
	v6 =	vld [tilespmem:s11+$0x0];
	v5 =	vmul.f32 $8.000000000e+00, v5  }
0x27: {  	v17 =	vand.u32 $0x7E, v11;
	v13 =	vadd.s32 v0, v15  }
0x28: {  	v11 =	vadd.s32 v0, v17;
	[tilespmem:v4+s22+$0x0] =	vst.idx.msk $0xffff, v5  }
0x29: {  	v4 =	vmul.f32 $8.000000000e+00, v7;
	v5 =	vld [tilespmem:s11+$0x50]  }
0x2a: {  	v7 =	vmul.f32 $8.000000000e+00, v10  }
0x2b: {  	[tilespmem:v12+s22+$0x0] =	vst.idx.msk $0xffff, v4;
	v4 =	vmul.f32 $8.000000000e+00, v6;
	v6 =	vadd.s32 v1, v9  }
0x2c: {  	[tilespmem:v13+s22+$0x0] =	vst.idx.msk $0xffff, v7;
	v10 =	vld [tilespmem:s11+$0xFFFFFF90]  }
0x2d: {  	v7 =	vld [tilespmem:s11+$0xFFFFFFD0];
	[tilespmem:v11+s22+$0x0] =	vst.idx.msk $0xffff, v4  }
0x2e: {  	v11 =	vld [tilespmem:s11+$0x10];
	v4 =	vmul.f32 $8.000000000e+00, v5  }
0x2f: {  	s15 =	simm.s32 $0x4;
	s16 =	simm.s32 $0x7;
	s18 =	simm.s32 $0x6580;
	v12 =	vadd.s32 v1, v15  }
0x30: {  	v14 =	vld [tilespmem:s18+$0x40];
	v13 =	vadd.s32 v1, v17;
	v5 =	vmov s15;
	[tilespmem:v6+s22+$0x0] =	vst.idx.msk $0xffff, v4;
	v6 =	vmov s16  }
0x31: {  	v16 =	vadd.s32 v1, v8;
	v4 =	vand.u32 $0x7C, v5;
	v5 =	vand.u32 $0x7F, v6;
	v18 =	vld [tilespmem:s11+$0x60]  }
0x32: {  	s19 =	simm.s32 $0x5;
	v19 =	vld [tilespmem:s18+$0xFFFFFF80];
	v22 =	vadd.s32 v2, v9;
	v6 =	vmul.f32 $8.000000000e+00, v7;
	v20 =	vadd.s32 v0, v5  }
0x33: {  	s20 =	simm.s32 $0x6;
	v21 =	vld [tilespmem:s18+$0xFFFFFFC0];
	v10 =	vmul.f32 $8.000000000e+00, v10;
	v7 =	vmul.f32 $8.000000000e+00, v11;
	v11 =	vmov s19  }
0x34: {  	v23 =	vadd.s32 v0, v4;
	[tilespmem:v12+s22+$0x0] =	vst.idx.msk $0xffff, v6;
	v12 =	vmov s20;
	v6 =	vand.u32 $0x7D, v11;
	v11 =	vld [tilespmem:s18+$0x0]  }
0x35: {  	[tilespmem:v13+s22+$0x0] =	vst.idx.msk $0xffff, v7;
	v13 =	vadd.s32 v0, v6;
	v7 =	vand.u32 $0x7E, v12;
	v12 =	vmul.f32 $8.000000000e+00, v14;
	v14 =	vld [tilespmem:s11+$0xFFFFFFE0]  }
0x36: {  	[tilespmem:v16+s22+$0x0] =	vst.idx.msk $0xffff, v10;
	v10 =	vadd.s32 v0, v7;
	v16 =	vld [tilespmem:s11+$0x20];
	v18 =	vmul.f32 $8.000000000e+00, v18  }
0x37: {  	v19 =	vmul.f32 $8.000000000e+00, v19;
	[tilespmem:v20+s22+$0x0] =	vst.idx.msk $0xffff, v12;
	v12 =	vld [tilespmem:s11+$0xFFFFFFA0];
	v20 =	vadd.s32 v2, v15  }
0x38: {  	v25 =	vadd.s32 v2, v17;
	v21 =	vmul.f32 $8.000000000e+00, v21;
	v24 =	vld [tilespmem:s18+$0x50];
	[tilespmem:v22+s22+$0x0] =	vst.idx.msk $0xffff, v18  }
0x39: {  	[tilespmem:v23+s22+$0x0] =	vst.idx.msk $0xffff, v19;
	v19 =	vadd.s32 v2, v8;
	v11 =	vmul.f32 $8.000000000e+00, v11;
	v22 =	vld [tilespmem:s11+$0x70]  }
0x3a: {  	v23 =	vld [tilespmem:s18+$0xFFFFFF90];
	[tilespmem:v13+s22+$0x0] =	vst.idx.msk $0xffff, v21;
	v21 =	vadd.s32 v1, v5;
	v14 =	vmul.f32 $8.000000000e+00, v14  }
0x3b: {  	v27 =	vadd.s32 v3, v9;
	v26 =	vld [tilespmem:s18+$0xFFFFFFD0];
	[tilespmem:v10+s22+$0x0] =	vst.idx.msk $0xffff, v11;
	v10 =	vmul.f32 $8.000000000e+00, v16  }
0x3c: {  	v18 =	vadd.s32 v1, v4;
	v13 =	vld [tilespmem:s18+$0x10];
	v9 =	vmul.f32 $8.000000000e+00, v12;
	[tilespmem:v20+s22+$0x0] =	vst.idx.msk $0xffff, v14  }
0x3d: {  	s10 =	simm.s32 $0x8;
	v16 =	vadd.s32 v1, v6;
	[tilespmem:v25+s22+$0x0] =	vst.idx.msk $0xffff, v10;
	v14 =	vmul.f32 $8.000000000e+00, v24;
	v12 =	vld [tilespmem:s11+$0xFFFFFFF0]  }
0x3e: {  	v20 =	vmov s10;
	v10 =	vadd.s32 v1, v7;
	v11 =	vld [tilespmem:s11+$0x30];
	[tilespmem:v19+s22+$0x0] =	vst.idx.msk $0xffff, v9;
	v63 =	vmul.f32 $8.000000000e+00, v22  }
0x3f: {  	s6 =	simm.s32 $0x6680;
	s12 =	simm.s32 $0xB;
	v15 =	vadd.s32 v3, v15;
	v9 =	vand.u32 $0x7C, v20;
	v20 =	vmul.f32 $8.000000000e+00, v23;
	[tilespmem:v21+s22+$0x0] =	vst.idx.msk $0xffff, v14;
	v14 =	vld [tilespmem:s11+$0xFFFFFFB0]  }
0x40: {  	v17 =	vadd.s32 v3, v17;
	v22 =	vmov s12;
	v19 =	vld [tilespmem:s6+$0x40];
	s11 =	simm.s32 $0xC;
	v21 =	vmul.f32 $8.000000000e+00, v26;
	[tilespmem:v27+s22+$0x0] =	vst.idx.msk $0xffff, v63  }
.LBB2_3:
0x41: {  	p0 =	slt.u32 s11, $0x7C;
	s12 =	sadd.s32 $0x1, s10;
	v22 =	vand.u32 $0x7F, v22;
	[tilespmem:v18+s22+$0x0] =	vst.idx.msk $0xffff, v20;
	v13 =	vmul.f32 $8.000000000e+00, v13;
	v18 =	vld [tilespmem:s18+$0x60];
	v20 =	vadd.s32 v3, v8;
	v8 =	vmovc v4  }
0x42: {  	v4 =	vmovc v9;
	v23 =	vld [tilespmem:s6+$0xFFFFFF80];
	v24 =	vmov s12;
	s12 =	sadd.s32 $0x2, s10;
	v25 =	vadd.s32 v0, v22;
	[tilespmem:v16+s22+$0x0] =	vst.idx.msk $0xffff, v21;
	v12 =	vmul.f32 $8.000000000e+00, v12;
	s10 =	smov.u32 s11  }
0x43: {  	v9 =	vld [tilespmem:s6+$0xFFFFFFC0];
	v16 =	vmov s12;
	[tilespmem:v10+s22+$0x0] =	vst.idx.msk $0xffff, v13;
	v10 =	vadd.s32 v2, v5;
	v11 =	vmul.f32 $8.000000000e+00, v11  }
0x44: {  	v13 =	vadd.s32 v0, v4;
	v21 =	vand.u32 $0x7D, v24;
	v24 =	vld [tilespmem:s6+$0x0];
	v14 =	vmul.f32 $8.000000000e+00, v14;
	[tilespmem:v15+s22+$0x0] =	vst.idx.msk $0xffff, v12  }
0x45: {  	v12 =	vadd.s32 v0, v21;
	v26 =	vand.u32 $0x7E, v16;
	v15 =	vmul.f32 $8.000000000e+00, v19;
	v16 =	vld [tilespmem:s18+$0xFFFFFFE0];
	[tilespmem:v17+s22+$0x0] =	vst.idx.msk $0xffff, v11  }
0x46: {  	v11 =	vadd.s32 v0, v26;
	v17 =	vld [tilespmem:s18+$0x20];
	v18 =	vmul.f32 $8.000000000e+00, v18;
	[tilespmem:v20+s22+$0x0] =	vst.idx.msk $0xffff, v14  }
0x47: {  	v19 =	vadd.s32 v2, v6;
	v14 =	vmul.f32 $8.000000000e+00, v23;
	[tilespmem:v25+s22+$0x0] =	vst.idx.msk $0xffff, v15;
	v15 =	vld [tilespmem:s18+$0xFFFFFFA0]  }
0x48: {  	v23 =	vadd.s32 v2, v7;
	v9 =	vmul.f32 $8.000000000e+00, v9;
	v20 =	vld [tilespmem:s6+$0x50];
	[tilespmem:v10+s22+$0x0] =	vst.idx.msk $0xffff, v18  }
0x49: {  	[tilespmem:v13+s22+$0x0] =	vst.idx.msk $0xffff, v14;
	v10 =	vmul.f32 $8.000000000e+00, v24;
	v14 =	vadd.s32 v2, v8;
	v24 =	vld [tilespmem:s18+$0x70]  }
0x4a: {  	v27 =	vadd.s32 v1, v22;
	v25 =	vld [tilespmem:s6+$0xFFFFFF90];
	[tilespmem:v12+s22+$0x0] =	vst.idx.msk $0xffff, v9;
	v9 =	vmul.f32 $8.000000000e+00, v16  }
0x4b: {  	v29 =	vadd.s32 v3, v5;
	v5 =	vmov v22;
	v28 =	vld [tilespmem:s6+$0xFFFFFFD0];
	[tilespmem:v11+s22+$0x0] =	vst.idx.msk $0xffff, v10;
	v10 =	vmul.f32 $8.000000000e+00, v17  }
.Ltmp0:
0x4c: {  	v18 =	vadd.s32 v1, v4;
	v13 =	vld [tilespmem:s6+$0x10];
	v11 =	vmul.f32 $8.000000000e+00, v15;
	[tilespmem:v19+s22+$0x0] =	vst.idx.msk $0xffff, v9;
	(pc) =	sbr.rel @p0 .LBB2_3-.Ltmp0, $4  }
0x4d: {  	v16 =	vadd.s32 v1, v21;
	v15 =	vmul.f32 $8.000000000e+00, v20;
	v12 =	vld [tilespmem:s18+$0xFFFFFFF0];
	[tilespmem:v23+s22+$0x0] =	vst.idx.msk $0xffff, v10  }
0x4e: {  	v9 =	vmov s11;
	v10 =	vadd.s32 v1, v26;
	[tilespmem:v14+s22+$0x0] =	vst.idx.msk $0xffff, v11;
	v11 =	vld [tilespmem:s18+$0x30];
	v23 =	vmul.f32 $8.000000000e+00, v24  }
0x4f: {  	s12 =	sadd.s32 $0x3, s11;
	v9 =	vand.u32 $0x7C, v9;
	v20 =	vmul.f32 $8.000000000e+00, v25;
	[tilespmem:v27+s22+$0x0] =	vst.idx.msk $0xffff, v15;
	v14 =	vld [tilespmem:s18+$0xFFFFFFB0];
	v15 =	vadd.s32 v3, v6;
	v6 =	vmovc v21;
	s18 =	smov.u32 s6;
	s6 =	sadd.s32 $0x100, s6  }
0x50: {  	v22 =	vmov s12;
	v17 =	vadd.s32 v3, v7;
	v7 =	vmovc v26;
	s11 =	sadd.s32 $0x4, s11;
	v19 =	vld [tilespmem:s6+$0x40];
	v21 =	vmul.f32 $8.000000000e+00, v28;
	[tilespmem:v29+s22+$0x0] =	vst.idx.msk $0xffff, v23  }
0x51: {  	s11 =	sadd.s32 $0x1, s10;
	v22 =	vand.u32 $0x7F, v22;
	v28 =	vld [tilespmem:s6+$0xFFFFFF80]  }
0x52: {  	s15 =	sadd.s32 $0x2, s10;
	v24 =	vld [tilespmem:s6+$0xFFFFFFC0];
	v23 =	vmov s11;
	v25 =	vadd.s32 v0, v22  }
0x53: {  	v27 =	vld [tilespmem:s6+$0x0];
	v51 =	vadd.s32 v0, v9;
	v26 =	vmov s15;
	v23 =	vand.u32 $0x7D, v23  }
0x54: {  	v26 =	vand.u32 $0x7E, v26;
	v29 =	vadd.s32 v0, v23  }
0x55: {  	[tilespmem:v18+s22+$0x0] =	vst.idx.msk $0xffff, v20;
	v30 =	vadd.s32 v0, v26;
	v19 =	vmul.f32 $8.000000000e+00, v19  }
0x56: {  	[tilespmem:v16+s22+$0x0] =	vst.idx.msk $0xffff, v21;
	v54 =	vmul.f32 $8.000000000e+00, v28  }
0x57: {  	v52 =	vmul.f32 $8.000000000e+00, v24;
	[tilespmem:v25+s22+$0x0] =	vst.idx.msk $0xffff, v19  }
0x58: {  	v53 =	vmul.f32 $8.000000000e+00, v27;
	v55 =	vld [tilespmem:s6+$0x50];
	[tilespmem:v51+s22+$0x0] =	vst.idx.msk $0xffff, v54  }
0x59: {  	v13 =	vmul.f32 $8.000000000e+00, v13;
	v8 =	vadd.s32 v3, v8;
	[tilespmem:v29+s22+$0x0] =	vst.idx.msk $0xffff, v52;
	v59 =	vld [tilespmem:s6+$0xFFFFFF90]  }
0x5a: {  	v12 =	vmul.f32 $8.000000000e+00, v12;
	v57 =	vadd.s32 v1, v22;
	[tilespmem:v30+s22+$0x0] =	vst.idx.msk $0xffff, v53;
	v56 =	vld [tilespmem:s6+$0xFFFFFFD0]  }
0x5b: {  	[tilespmem:v10+s22+$0x0] =	vst.idx.msk $0xffff, v13;
	v58 =	vmul.f32 $8.000000000e+00, v11;
	v28 =	vadd.s32 v1, v9;
	v19 =	vld [tilespmem:s6+$0x10]  }
0x5c: {  	v61 =	vld [tilespmem:s18+$0x60];
	v60 =	vadd.s32 v1, v23;
	v14 =	vmul.f32 $8.000000000e+00, v14;
	[tilespmem:v15+s22+$0x0] =	vst.idx.msk $0xffff, v12  }
0x5d: {  	v32 =	vld [tilespmem:s18+$0xFFFFFFA0];
	v62 =	vadd.s32 v1, v26;
	[tilespmem:v17+s22+$0x0] =	vst.idx.msk $0xffff, v58;
	v16 =	vmul.f32 $8.000000000e+00, v55  }
0x5e: {  	[tilespmem:v8+s22+$0x0] =	vst.idx.msk $0xffff, v14;
	v29 =	vadd.s32 v2, v5;
	v30 =	vld [tilespmem:s18+$0x20];
	v11 =	vmul.f32 $8.000000000e+00, v59  }
0x5f: {  	v38 =	vadd.s32 v2, v4;
	v63 =	vld [tilespmem:s18+$0xFFFFFFE0];
	v31 =	vmul.f32 $8.000000000e+00, v56;
	[tilespmem:v57+s22+$0x0] =	vst.idx.msk $0xffff, v16  }
0x60: {  	v35 =	vadd.s32 v2, v7;
	v34 =	vmul.f32 $8.000000000e+00, v19;
	v36 =	vld [tilespmem:s6+$0x60];
	[tilespmem:v28+s22+$0x0] =	vst.idx.msk $0xffff, v11  }
0x61: {  	v33 =	vadd.s32 v2, v6;
	v37 =	vmul.f32 $8.000000000e+00, v61;
	[tilespmem:v60+s22+$0x0] =	vst.idx.msk $0xffff, v31;
	v43 =	vld [tilespmem:s6+$0xFFFFFFA0]  }
0x62: {  	v40 =	vadd.s32 v2, v22;
	v14 =	vmul.f32 $8.000000000e+00, v32;
	[tilespmem:v62+s22+$0x0] =	vst.idx.msk $0xffff, v34;
	v39 =	vld [tilespmem:s6+$0xFFFFFFE0]  }
0x63: {  	v48 =	vadd.s32 v2, v9;
	[tilespmem:v29+s22+$0x0] =	vst.idx.msk $0xffff, v37;
	v42 =	vmul.f32 $8.000000000e+00, v30;
	v41 =	vld [tilespmem:s6+$0x20]  }
0x64: {  	v44 =	vadd.s32 v2, v23;
	v15 =	vmul.f32 $8.000000000e+00, v63;
	[tilespmem:v38+s22+$0x0] =	vst.idx.msk $0xffff, v14;
	v45 =	vld [tilespmem:s18+$0x70]  }
0x65: {  	v46 =	vadd.s32 v2, v26;
	v14 =	vld [tilespmem:s18+$0xFFFFFFB0];
	[tilespmem:v35+s22+$0x0] =	vst.idx.msk $0xffff, v42;
	v47 =	vmul.f32 $8.000000000e+00, v36  }
0x66: {  	v5 =	vadd.s32 v3, v5;
	[tilespmem:v33+s22+$0x0] =	vst.idx.msk $0xffff, v15;
	v49 =	vld [tilespmem:s18+$0x30];
	v53 =	vmul.f32 $8.000000000e+00, v43  }
0x67: {  	v4 =	vadd.s32 v3, v4;
	v21 =	vld [tilespmem:s18+$0xFFFFFFF0];
	v12 =	vmul.f32 $8.000000000e+00, v39;
	[tilespmem:v40+s22+$0x0] =	vst.idx.msk $0xffff, v47  }
0x68: {  	v52 =	vadd.s32 v3, v7;
	v51 =	vmul.f32 $8.000000000e+00, v41;
	v10 =	vld [tilespmem:s6+$0x70];
	[tilespmem:v48+s22+$0x0] =	vst.idx.msk $0xffff, v53  }
0x69: {  	v50 =	vadd.s32 v3, v6;
	v54 =	vmul.f32 $8.000000000e+00, v45;
	[tilespmem:v44+s22+$0x0] =	vst.idx.msk $0xffff, v12;
	v59 =	vld [tilespmem:s6+$0xFFFFFFB0]  }
0x6a: {  	v57 =	vadd.s32 v3, v22;
	v14 =	vmul.f32 $8.000000000e+00, v14;
	[tilespmem:v46+s22+$0x0] =	vst.idx.msk $0xffff, v51;
	v55 =	vld [tilespmem:s6+$0xFFFFFFF0]  }
0x6b: {  	v62 =	vadd.s32 v3, v9;
	[tilespmem:v5+s22+$0x0] =	vst.idx.msk $0xffff, v54;
	v5 =	vmul.f32 $8.000000000e+00, v49;
	v58 =	vld [tilespmem:s6+$0x30]  }
0x6c: {  	v56 =	vmul.f32 $8.000000000e+00, v21;
	v60 =	vadd.s32 v3, v23;
	[tilespmem:v4+s22+$0x0] =	vst.idx.msk $0xffff, v14  }
0x6d: {  	v61 =	vadd.s32 v3, v26;
	[tilespmem:v52+s22+$0x0] =	vst.idx.msk $0xffff, v5;
	v5 =	vmul.f32 $8.000000000e+00, v10  }
0x6e: {  	[tilespmem:v50+s22+$0x0] =	vst.idx.msk $0xffff, v56;
	v63 =	vmul.f32 $8.000000000e+00, v59  }
0x6f: {  	v4 =	vmul.f32 $8.000000000e+00, v55;
	[tilespmem:v57+s22+$0x0] =	vst.idx.msk $0xffff, v5  }
0x70: {  	v5 =	vmul.f32 $8.000000000e+00, v58;
	[tilespmem:v62+s22+$0x0] =	vst.idx.msk $0xffff, v63  }
0x71: {  	p0 =	seq.s32 s17, $0x0;
	[tilespmem:v60+s22+$0x0] =	vst.idx.msk $0xffff, v4  }
0x72: {  	s19 =	smul.u32 $0x5, s17;
	s6 =	simm.s32 @!p0 $0xA;
	[tilespmem:v61+s22+$0x0] =	vst.idx.msk $0xffff, v5  }
0x73: {  	_ =	swait.ge @!p0 [sflag:s6], $0x2000  }
0x74: {  	s10 =	simm.s32 @!p0 $0x80;
	s18 =	sadd.s32 @!p0 $0x4, s19;
	[sflag:s6] =	ssyncset.done @!p0 $0x0  }
0x75: {  	s16 =	sadd.s32 s4, s19;
	[sflag:s6] =	ssyncadd.s32 @!p0 $0xFFFFE000;
	s6 =	sshll.u32 @!p0 s18, $0x7  }
0x76: {  	s11 =	simm.s32 @!p0 $0xE400;
	s20 =	sshll.u32 s16, $0x7;
	s6 =	sand.u32 @!p0 $0x3FFFFF80, s6  }
0x77: {  	[tilespmem:s11], [sflag:$0x5] =	stream.indirect.gather @!p0 [hbm4b:s5+s10], $0x40, s6, s10, $0xb8;
	[tilespmem:$0x1AE00] =	vst v63  }
0x78: {  	s6 =	sshll.u32 s16, $0xA;
	s10 =	sand.u32 $0xF80, s20  }
0x79: {  	s6 =	sand.u32 $0xFFF8000, s6;
	s10 =	sadd.s32 s2, s10  }
0x7a: {  	s11 =	simm.s32 $0x10400;
	s10 =	sadd.s32 s6, s10  }
0x7b: {  	[hbm4b:s10+s3] =	stream.linear.scatter [tilespmem:s11], [sflag:$0x6], $0x80, $0x38;
	[tilespmem:$0x1AE00] =	vst v63  }
0x7c: {  	s12 =	simm.s32 $0x10488;
	s15 =	sadd.s32 $0x10, s10  }
0x7d: {  	[hbm4b:s15+s3] =	stream.linear.scatter [tilespmem:s12], [sflag:$0x6], $0x80, $0x38;
	[tilespmem:$0x1AE00] =	vst v63  }
0x7e: {  	s16 =	simm.s32 $0x10510;
	s20 =	sadd.s32 $0x20, s10  }
0x7f: {  	[hbm4b:s20+s3] =	stream.linear.scatter [tilespmem:s16], [sflag:$0x6], $0x80, $0x38;
	[tilespmem:$0x1AE00] =	vst v63  }
0x80: {  	s12 =	simm.s32 $0x10598;
	s15 =	sadd.s32 $0x30, s10  }
0x81: {  	[hbm4b:s15+s3] =	stream.linear.scatter [tilespmem:s12], [sflag:$0x6], $0x80, $0x38;
	[tilespmem:$0x1AE00] =	vst v63  }
0x82: {  	s18 =	simm.s32 @p0 $0x4;
	s16 =	simm.s32 $0x10620;
	s20 =	sadd.s32 $0x40, s10  }
0x83: {  	[hbm4b:s20+s3] =	stream.linear.scatter [tilespmem:s16], [sflag:$0x6], $0x80, $0x38;
	[tilespmem:$0x1AE00] =	vst v63  }
0x84: {  	s6 =	simm.s32 $0x440;
	s12 =	simm.s32 $0x106A8;
	s15 =	sadd.s32 $0x50, s10  }
0x85: {  	[hbm4b:s15+s3] =	stream.linear.scatter [tilespmem:s12], [sflag:$0x6], $0x80, $0x38;
	[tilespmem:$0x1AE00] =	vst v63  }
0x86: {  	s11 =	simm.s32 $0x2200;
	s16 =	simm.s32 $0x10730;
	s20 =	sadd.s32 $0x60, s10  }
0x87: {  	[hbm4b:s20+s3] =	stream.linear.scatter [tilespmem:s16], [sflag:$0x6], $0x80, $0x38;
	[tilespmem:$0x1AE00] =	vst v63  }
0x88: {  	s15 =	simm.s32 $0x107B8;
	s20 =	sadd.s32 $0x70, s10;
	s10 =	sadd.s32 $0x1000, s10  }
.LBB2_5:
0x89: {  	[hbm4b:s20+s3] =	stream.linear.scatter [tilespmem:s15], [sflag:$0x6], $0x80, $0x38;
	[tilespmem:$0x1AE00] =	vst v63  }
0x8a: {  	s12 =	smov.u32 s6;
	s6 =	smov.u32 s11  }
0x8b: {  	s16 =	sadd.s32 $0x1100, s11;
	s6 =	sshra.s32 s6, $0x2;
	s15 =	sadd.s32 $0x10400, s12  }
0x8c: {  	[hbm4b:s10+s3] =	stream.linear.scatter [tilespmem:s15], [sflag:$0x6], $0x80, $0x38;
	[tilespmem:$0x1AE00] =	vst v63  }
0x8d: {  	p0 =	sne.s32 s11, $0x7700;
	s11 =	sadd.s32 $0x10488, s12;
	s15 =	sadd.s32 $0x10, s10  }
0x8e: {  	[hbm4b:s15+s3] =	stream.linear.scatter [tilespmem:s11], [sflag:$0x6], $0x80, $0x38;
	[tilespmem:$0x1AE00] =	vst v63  }
0x8f: {  	s11 =	sadd.s32 $0x10510, s12;
	s15 =	sadd.s32 $0x20, s10  }
0x90: {  	[hbm4b:s15+s3] =	stream.linear.scatter [tilespmem:s11], [sflag:$0x6], $0x80, $0x38;
	[tilespmem:$0x1AE00] =	vst v63  }
0x91: {  	s11 =	sadd.s32 $0x10598, s12;
	s15 =	sadd.s32 $0x30, s10  }
0x92: {  	[hbm4b:s15+s3] =	stream.linear.scatter [tilespmem:s11], [sflag:$0x6], $0x80, $0x38;
	[tilespmem:$0x1AE00] =	vst v63  }
0x93: {  	s11 =	sadd.s32 $0x10620, s12;
	s15 =	sadd.s32 $0x40, s10  }
0x94: {  	[hbm4b:s15+s3] =	stream.linear.scatter [tilespmem:s11], [sflag:$0x6], $0x80, $0x38;
	[tilespmem:$0x1AE00] =	vst v63  }
.Ltmp1:
0x95: {  	s11 =	sadd.s32 $0x106A8, s12;
	s15 =	sadd.s32 $0x50, s10;
	(pc) =	sbr.rel @p0 .LBB2_5-.Ltmp1, $4  }
0x96: {  	[hbm4b:s15+s3] =	stream.linear.scatter [tilespmem:s11], [sflag:$0x6], $0x80, $0x38;
	[tilespmem:$0x1AE00] =	vst v63  }
0x97: {  	s20 =	sadd.s32 $0x70, s10;
	s11 =	sadd.s32 $0x10730, s12;
	s15 =	sadd.s32 $0x60, s10  }
0x98: {  	[hbm4b:s15+s3] =	stream.linear.scatter [tilespmem:s11], [sflag:$0x6], $0x80, $0x38;
	[tilespmem:$0x1AE00] =	vst v63  }
0x99: {  	s10 =	sadd.s32 $0x1000, s10;
	s15 =	sadd.s32 $0x107B8, s12;
	s11 =	smov.u32 s16  }
0x9a: {  	[hbm4b:s20+s3] =	stream.linear.scatter [tilespmem:s15], [sflag:$0x6], $0x80, $0x38;
	[tilespmem:$0x1AE00] =	vst v63  }
0x9b: {  	s11 =	sadd.s32 $0x10400, s6  }
0x9c: {  	[hbm4b:s10+s3] =	stream.linear.scatter [tilespmem:s11], [sflag:$0x6], $0x80, $0x38;
	[tilespmem:$0x1AE00] =	vst v63  }
0x9d: {  	s15 =	sadd.s32 $0x10488, s6;
	s12 =	sadd.s32 $0x10, s10  }
0x9e: {  	[hbm4b:s12+s3] =	stream.linear.scatter [tilespmem:s15], [sflag:$0x6], $0x80, $0x38;
	[tilespmem:$0x1AE00] =	vst v63  }
0x9f: {  	s16 =	sadd.s32 $0x10510, s6;
	s20 =	sadd.s32 $0x20, s10  }
0xa0: {  	[hbm4b:s20+s3] =	stream.linear.scatter [tilespmem:s16], [sflag:$0x6], $0x80, $0x38;
	[tilespmem:$0x1AE00] =	vst v63  }
0xa1: {  	s12 =	sadd.s32 $0x10598, s6;
	s15 =	sadd.s32 $0x30, s10  }
0xa2: {  	[hbm4b:s15+s3] =	stream.linear.scatter [tilespmem:s12], [sflag:$0x6], $0x80, $0x38;
	[tilespmem:$0x1AE00] =	vst v63  }
0xa3: {  	s16 =	sadd.s32 $0x10620, s6;
	s20 =	sadd.s32 $0x40, s10  }
0xa4: {  	[hbm4b:s20+s3] =	stream.linear.scatter [tilespmem:s16], [sflag:$0x6], $0x80, $0x38;
	[tilespmem:$0x1AE00] =	vst v63  }
0xa5: {  	s12 =	sadd.s32 $0x106A8, s6;
	s15 =	sadd.s32 $0x50, s10  }
0xa6: {  	[hbm4b:s15+s3] =	stream.linear.scatter [tilespmem:s12], [sflag:$0x6], $0x80, $0x38;
	[tilespmem:$0x1AE00] =	vst v63  }
0xa7: {  	s16 =	sadd.s32 $0x10730, s6;
	s20 =	sadd.s32 $0x60, s10  }
0xa8: {  	[hbm4b:s20+s3] =	stream.linear.scatter [tilespmem:s16], [sflag:$0x6], $0x80, $0x38;
	[tilespmem:$0x1AE00] =	vst v63  }
0xa9: {  	s12 =	sadd.s32 $0x107B8, s6;
	s15 =	sadd.s32 $0x70, s10  }
0xaa: {  	[hbm4b:s15+s3] =	stream.linear.scatter [tilespmem:s12], [sflag:$0x6], $0x80, $0x38;
	[tilespmem:$0x1AE00] =	vst v63  }
0xab: {  	_ =	swait.ge [sflag:s24], $0x2000  }
0xac: {  	[sflag:s24] =	ssyncset.done $0x0  }
0xad: {  	s11 =	simm.s32 $0x8480;
	s16 =	simm.s32 $0x3;
	[sflag:s24] =	ssyncadd.s32 $0xFFFFE000  }
0xae: {  	v4 =	vmov s16;
	v5 =	vld [tilespmem:s11+$0x40]  }
0xaf: {  	v9 =	vand.u32 $0x7F, v4  }
0xb0: {  	s20 =	simm.s32 $0x0;
	v4 =	vadd.s32 v0, v9  }
0xb1: {  	s10 =	simm.s32 $0x1;
	v6 =	vmov s20;
	s12 =	simm.s32 $0x2;
	v7 =	vld [tilespmem:s11+$0xFFFFFF80]  }
0xb2: {  	v8 =	vand.u32 $0x7C, v6;
	v6 =	vmov s10;
	v11 =	vmov s12;
	v10 =	vld [tilespmem:s11+$0xFFFFFFC0]  }
0xb3: {  	v12 =	vadd.s32 v0, v8;
	v15 =	vand.u32 $0x7D, v6;
	v6 =	vld [tilespmem:s11+$0x0];
	v5 =	vmul.f32 $8.000000000e+00, v5  }
0xb4: {  	v13 =	vadd.s32 v0, v15;
	v17 =	vand.u32 $0x7E, v11  }
0xb5: {  	v11 =	vadd.s32 v0, v17;
	[tilespmem:v4+s25+$0x0] =	vst.idx.msk $0xffff, v5  }
0xb6: {  	v4 =	vmul.f32 $8.000000000e+00, v7;
	v5 =	vld [tilespmem:s11+$0x50]  }
0xb7: {  	v7 =	vmul.f32 $8.000000000e+00, v10  }
0xb8: {  	[tilespmem:v12+s25+$0x0] =	vst.idx.msk $0xffff, v4;
	v4 =	vmul.f32 $8.000000000e+00, v6;
	v6 =	vadd.s32 v1, v9  }
0xb9: {  	[tilespmem:v13+s25+$0x0] =	vst.idx.msk $0xffff, v7;
	v10 =	vld [tilespmem:s11+$0xFFFFFF90]  }
0xba: {  	v7 =	vld [tilespmem:s11+$0xFFFFFFD0];
	[tilespmem:v11+s25+$0x0] =	vst.idx.msk $0xffff, v4  }
0xbb: {  	v11 =	vld [tilespmem:s11+$0x10];
	v4 =	vmul.f32 $8.000000000e+00, v5  }
0xbc: {  	s16 =	simm.s32 $0x7;
	s20 =	simm.s32 $0x8580;
	s15 =	simm.s32 $0x4;
	v12 =	vadd.s32 v1, v15  }
0xbd: {  	v14 =	vld [tilespmem:s20+$0x40];
	v13 =	vadd.s32 v1, v17;
	v5 =	vmov s15;
	[tilespmem:v6+s25+$0x0] =	vst.idx.msk $0xffff, v4;
	v6 =	vmov s16  }
0xbe: {  	v16 =	vadd.s32 v1, v8;
	v4 =	vand.u32 $0x7C, v5;
	v5 =	vand.u32 $0x7F, v6;
	v18 =	vld [tilespmem:s11+$0x60]  }
0xbf: {  	s12 =	simm.s32 $0x5;
	v22 =	vadd.s32 v2, v9;
	v19 =	vld [tilespmem:s20+$0xFFFFFF80];
	v6 =	vmul.f32 $8.000000000e+00, v7;
	v20 =	vadd.s32 v0, v5  }
0xc0: {  	v21 =	vld [tilespmem:s20+$0xFFFFFFC0];
	s15 =	simm.s32 $0x6;
	v10 =	vmul.f32 $8.000000000e+00, v10;
	v7 =	vmul.f32 $8.000000000e+00, v11;
	v11 =	vmov s12  }
0xc1: {  	v23 =	vadd.s32 v0, v4;
	[tilespmem:v12+s25+$0x0] =	vst.idx.msk $0xffff, v6;
	v12 =	vmov s15;
	v6 =	vand.u32 $0x7D, v11;
	v11 =	vld [tilespmem:s20+$0x0]  }
0xc2: {  	[tilespmem:v13+s25+$0x0] =	vst.idx.msk $0xffff, v7;
	v13 =	vadd.s32 v0, v6;
	v7 =	vand.u32 $0x7E, v12;
	v12 =	vmul.f32 $8.000000000e+00, v14;
	v14 =	vld [tilespmem:s11+$0xFFFFFFE0]  }
0xc3: {  	[tilespmem:v16+s25+$0x0] =	vst.idx.msk $0xffff, v10;
	v10 =	vadd.s32 v0, v7;
	v16 =	vld [tilespmem:s11+$0x20];
	v18 =	vmul.f32 $8.000000000e+00, v18  }
0xc4: {  	v19 =	vmul.f32 $8.000000000e+00, v19;
	[tilespmem:v20+s25+$0x0] =	vst.idx.msk $0xffff, v12;
	v12 =	vld [tilespmem:s11+$0xFFFFFFA0];
	v20 =	vadd.s32 v2, v15  }
0xc5: {  	v25 =	vadd.s32 v2, v17;
	v21 =	vmul.f32 $8.000000000e+00, v21;
	v24 =	vld [tilespmem:s20+$0x50];
	[tilespmem:v22+s25+$0x0] =	vst.idx.msk $0xffff, v18  }
0xc6: {  	[tilespmem:v23+s25+$0x0] =	vst.idx.msk $0xffff, v19;
	v19 =	vadd.s32 v2, v8;
	v11 =	vmul.f32 $8.000000000e+00, v11;
	v22 =	vld [tilespmem:s11+$0x70]  }
0xc7: {  	v23 =	vld [tilespmem:s20+$0xFFFFFF90];
	[tilespmem:v13+s25+$0x0] =	vst.idx.msk $0xffff, v21;
	v21 =	vadd.s32 v1, v5;
	v14 =	vmul.f32 $8.000000000e+00, v14  }
0xc8: {  	v27 =	vadd.s32 v3, v9;
	v26 =	vld [tilespmem:s20+$0xFFFFFFD0];
	[tilespmem:v10+s25+$0x0] =	vst.idx.msk $0xffff, v11;
	v10 =	vmul.f32 $8.000000000e+00, v16  }
0xc9: {  	v18 =	vadd.s32 v1, v4;
	v13 =	vld [tilespmem:s20+$0x10];
	v9 =	vmul.f32 $8.000000000e+00, v12;
	[tilespmem:v20+s25+$0x0] =	vst.idx.msk $0xffff, v14  }
0xca: {  	s10 =	simm.s32 $0x8;
	v16 =	vadd.s32 v1, v6;
	[tilespmem:v25+s25+$0x0] =	vst.idx.msk $0xffff, v10;
	v14 =	vmul.f32 $8.000000000e+00, v24;
	v12 =	vld [tilespmem:s11+$0xFFFFFFF0]  }
0xcb: {  	v20 =	vmov s10;
	v10 =	vadd.s32 v1, v7;
	v11 =	vld [tilespmem:s11+$0x30];
	[tilespmem:v19+s25+$0x0] =	vst.idx.msk $0xffff, v9;
	v63 =	vmul.f32 $8.000000000e+00, v22  }
0xcc: {  	s6 =	simm.s32 $0x8680;
	s16 =	simm.s32 $0xB;
	v15 =	vadd.s32 v3, v15;
	v9 =	vand.u32 $0x7C, v20;
	v20 =	vmul.f32 $8.000000000e+00, v23;
	[tilespmem:v21+s25+$0x0] =	vst.idx.msk $0xffff, v14;
	v14 =	vld [tilespmem:s11+$0xFFFFFFB0]  }
0xcd: {  	v17 =	vadd.s32 v3, v17;
	v22 =	vmov s16;
	v19 =	vld [tilespmem:s6+$0x40];
	s11 =	simm.s32 $0xC;
	v21 =	vmul.f32 $8.000000000e+00, v26;
	[tilespmem:v27+s25+$0x0] =	vst.idx.msk $0xffff, v63  }
.LBB2_7:
0xce: {  	p0 =	slt.u32 s11, $0x7C;
	s12 =	sadd.s32 $0x1, s10;
	v22 =	vand.u32 $0x7F, v22;
	[tilespmem:v18+s25+$0x0] =	vst.idx.msk $0xffff, v20;
	v13 =	vmul.f32 $8.000000000e+00, v13;
	v18 =	vld [tilespmem:s20+$0x60];
	v20 =	vadd.s32 v3, v8;
	v8 =	vmovc v4  }
0xcf: {  	v4 =	vmovc v9;
	v23 =	vld [tilespmem:s6+$0xFFFFFF80];
	v24 =	vmov s12;
	s12 =	sadd.s32 $0x2, s10;
	v25 =	vadd.s32 v0, v22;
	[tilespmem:v16+s25+$0x0] =	vst.idx.msk $0xffff, v21;
	v12 =	vmul.f32 $8.000000000e+00, v12;
	s10 =	smov.u32 s11  }
0xd0: {  	v9 =	vld [tilespmem:s6+$0xFFFFFFC0];
	v16 =	vmov s12;
	[tilespmem:v10+s25+$0x0] =	vst.idx.msk $0xffff, v13;
	v10 =	vadd.s32 v2, v5;
	v11 =	vmul.f32 $8.000000000e+00, v11  }
0xd1: {  	v13 =	vadd.s32 v0, v4;
	v21 =	vand.u32 $0x7D, v24;
	v24 =	vld [tilespmem:s6+$0x0];
	v14 =	vmul.f32 $8.000000000e+00, v14;
	[tilespmem:v15+s25+$0x0] =	vst.idx.msk $0xffff, v12  }
0xd2: {  	v12 =	vadd.s32 v0, v21;
	v26 =	vand.u32 $0x7E, v16;
	v15 =	vmul.f32 $8.000000000e+00, v19;
	v16 =	vld [tilespmem:s20+$0xFFFFFFE0];
	[tilespmem:v17+s25+$0x0] =	vst.idx.msk $0xffff, v11  }
0xd3: {  	v11 =	vadd.s32 v0, v26;
	v17 =	vld [tilespmem:s20+$0x20];
	v18 =	vmul.f32 $8.000000000e+00, v18;
	[tilespmem:v20+s25+$0x0] =	vst.idx.msk $0xffff, v14  }
0xd4: {  	v19 =	vadd.s32 v2, v6;
	v14 =	vmul.f32 $8.000000000e+00, v23;
	[tilespmem:v25+s25+$0x0] =	vst.idx.msk $0xffff, v15;
	v15 =	vld [tilespmem:s20+$0xFFFFFFA0]  }
0xd5: {  	v23 =	vadd.s32 v2, v7;
	v9 =	vmul.f32 $8.000000000e+00, v9;
	v20 =	vld [tilespmem:s6+$0x50];
	[tilespmem:v10+s25+$0x0] =	vst.idx.msk $0xffff, v18  }
0xd6: {  	[tilespmem:v13+s25+$0x0] =	vst.idx.msk $0xffff, v14;
	v10 =	vmul.f32 $8.000000000e+00, v24;
	v14 =	vadd.s32 v2, v8;
	v24 =	vld [tilespmem:s20+$0x70]  }
0xd7: {  	v27 =	vadd.s32 v1, v22;
	v25 =	vld [tilespmem:s6+$0xFFFFFF90];
	[tilespmem:v12+s25+$0x0] =	vst.idx.msk $0xffff, v9;
	v9 =	vmul.f32 $8.000000000e+00, v16  }
0xd8: {  	v29 =	vadd.s32 v3, v5;
	v5 =	vmov v22;
	v28 =	vld [tilespmem:s6+$0xFFFFFFD0];
	[tilespmem:v11+s25+$0x0] =	vst.idx.msk $0xffff, v10;
	v10 =	vmul.f32 $8.000000000e+00, v17  }
.Ltmp2:
0xd9: {  	v18 =	vadd.s32 v1, v4;
	v13 =	vld [tilespmem:s6+$0x10];
	v11 =	vmul.f32 $8.000000000e+00, v15;
	[tilespmem:v19+s25+$0x0] =	vst.idx.msk $0xffff, v9;
	(pc) =	sbr.rel @p0 .LBB2_7-.Ltmp2, $4  }
0xda: {  	v16 =	vadd.s32 v1, v21;
	v15 =	vmul.f32 $8.000000000e+00, v20;
	v12 =	vld [tilespmem:s20+$0xFFFFFFF0];
	[tilespmem:v23+s25+$0x0] =	vst.idx.msk $0xffff, v10  }
0xdb: {  	v9 =	vmov s11;
	v10 =	vadd.s32 v1, v26;
	[tilespmem:v14+s25+$0x0] =	vst.idx.msk $0xffff, v11;
	v11 =	vld [tilespmem:s20+$0x30];
	v23 =	vmul.f32 $8.000000000e+00, v24  }
0xdc: {  	s12 =	sadd.s32 $0x3, s11;
	v9 =	vand.u32 $0x7C, v9;
	v20 =	vmul.f32 $8.000000000e+00, v25;
	[tilespmem:v27+s25+$0x0] =	vst.idx.msk $0xffff, v15;
	v14 =	vld [tilespmem:s20+$0xFFFFFFB0];
	v15 =	vadd.s32 v3, v6;
	v6 =	vmovc v21;
	s20 =	smov.u32 s6;
	s6 =	sadd.s32 $0x100, s6  }
0xdd: {  	v22 =	vmov s12;
	v17 =	vadd.s32 v3, v7;
	v7 =	vmovc v26;
	s11 =	sadd.s32 $0x4, s11;
	v19 =	vld [tilespmem:s6+$0x40];
	v21 =	vmul.f32 $8.000000000e+00, v28;
	[tilespmem:v29+s25+$0x0] =	vst.idx.msk $0xffff, v23  }
0xde: {  	s11 =	sadd.s32 $0x1, s10;
	v22 =	vand.u32 $0x7F, v22;
	v28 =	vld [tilespmem:s6+$0xFFFFFF80]  }
0xdf: {  	v24 =	vld [tilespmem:s6+$0xFFFFFFC0];
	v23 =	vmov s11;
	s11 =	sadd.s32 $0x2, s10;
	v25 =	vadd.s32 v0, v22  }
0xe0: {  	v27 =	vld [tilespmem:s6+$0x0];
	v51 =	vadd.s32 v0, v9;
	v26 =	vmov s11;
	v23 =	vand.u32 $0x7D, v23  }
0xe1: {  	v29 =	vadd.s32 v0, v23;
	v26 =	vand.u32 $0x7E, v26  }
0xe2: {  	[tilespmem:v18+s25+$0x0] =	vst.idx.msk $0xffff, v20;
	v30 =	vadd.s32 v0, v26;
	v19 =	vmul.f32 $8.000000000e+00, v19  }
0xe3: {  	[tilespmem:v16+s25+$0x0] =	vst.idx.msk $0xffff, v21;
	v54 =	vmul.f32 $8.000000000e+00, v28  }
0xe4: {  	v52 =	vmul.f32 $8.000000000e+00, v24;
	[tilespmem:v25+s25+$0x0] =	vst.idx.msk $0xffff, v19  }
0xe5: {  	v53 =	vmul.f32 $8.000000000e+00, v27;
	v55 =	vld [tilespmem:s6+$0x50];
	[tilespmem:v51+s25+$0x0] =	vst.idx.msk $0xffff, v54  }
0xe6: {  	v13 =	vmul.f32 $8.000000000e+00, v13;
	v8 =	vadd.s32 v3, v8;
	[tilespmem:v29+s25+$0x0] =	vst.idx.msk $0xffff, v52;
	v59 =	vld [tilespmem:s6+$0xFFFFFF90]  }
0xe7: {  	v12 =	vmul.f32 $8.000000000e+00, v12;
	v57 =	vadd.s32 v1, v22;
	v56 =	vld [tilespmem:s6+$0xFFFFFFD0];
	[tilespmem:v30+s25+$0x0] =	vst.idx.msk $0xffff, v53  }
0xe8: {  	[tilespmem:v10+s25+$0x0] =	vst.idx.msk $0xffff, v13;
	v58 =	vmul.f32 $8.000000000e+00, v11;
	v28 =	vadd.s32 v1, v9;
	v19 =	vld [tilespmem:s6+$0x10]  }
0xe9: {  	v61 =	vld [tilespmem:s20+$0x60];
	v60 =	vadd.s32 v1, v23;
	v14 =	vmul.f32 $8.000000000e+00, v14;
	[tilespmem:v15+s25+$0x0] =	vst.idx.msk $0xffff, v12  }
0xea: {  	v32 =	vld [tilespmem:s20+$0xFFFFFFA0];
	v62 =	vadd.s32 v1, v26;
	[tilespmem:v17+s25+$0x0] =	vst.idx.msk $0xffff, v58;
	v16 =	vmul.f32 $8.000000000e+00, v55  }
0xeb: {  	[tilespmem:v8+s25+$0x0] =	vst.idx.msk $0xffff, v14;
	v29 =	vadd.s32 v2, v5;
	v30 =	vld [tilespmem:s20+$0x20];
	v11 =	vmul.f32 $8.000000000e+00, v59  }
0xec: {  	v38 =	vadd.s32 v2, v4;
	v63 =	vld [tilespmem:s20+$0xFFFFFFE0];
	v31 =	vmul.f32 $8.000000000e+00, v56;
	[tilespmem:v57+s25+$0x0] =	vst.idx.msk $0xffff, v16  }
0xed: {  	v35 =	vadd.s32 v2, v7;
	v34 =	vmul.f32 $8.000000000e+00, v19;
	v36 =	vld [tilespmem:s6+$0x60];
	[tilespmem:v28+s25+$0x0] =	vst.idx.msk $0xffff, v11  }
0xee: {  	v33 =	vadd.s32 v2, v6;
	v37 =	vmul.f32 $8.000000000e+00, v61;
	[tilespmem:v60+s25+$0x0] =	vst.idx.msk $0xffff, v31;
	v43 =	vld [tilespmem:s6+$0xFFFFFFA0]  }
0xef: {  	v40 =	vadd.s32 v2, v22;
	v14 =	vmul.f32 $8.000000000e+00, v32;
	[tilespmem:v62+s25+$0x0] =	vst.idx.msk $0xffff, v34;
	v39 =	vld [tilespmem:s6+$0xFFFFFFE0]  }
0xf0: {  	v48 =	vadd.s32 v2, v9;
	[tilespmem:v29+s25+$0x0] =	vst.idx.msk $0xffff, v37;
	v42 =	vmul.f32 $8.000000000e+00, v30;
	v41 =	vld [tilespmem:s6+$0x20]  }
0xf1: {  	v44 =	vadd.s32 v2, v23;
	v15 =	vmul.f32 $8.000000000e+00, v63;
	[tilespmem:v38+s25+$0x0] =	vst.idx.msk $0xffff, v14;
	v45 =	vld [tilespmem:s20+$0x70]  }
0xf2: {  	v46 =	vadd.s32 v2, v26;
	v14 =	vld [tilespmem:s20+$0xFFFFFFB0];
	[tilespmem:v35+s25+$0x0] =	vst.idx.msk $0xffff, v42;
	v47 =	vmul.f32 $8.000000000e+00, v36  }
0xf3: {  	v5 =	vadd.s32 v3, v5;
	[tilespmem:v33+s25+$0x0] =	vst.idx.msk $0xffff, v15;
	v49 =	vld [tilespmem:s20+$0x30];
	v53 =	vmul.f32 $8.000000000e+00, v43  }
0xf4: {  	v4 =	vadd.s32 v3, v4;
	v21 =	vld [tilespmem:s20+$0xFFFFFFF0];
	v12 =	vmul.f32 $8.000000000e+00, v39;
	[tilespmem:v40+s25+$0x0] =	vst.idx.msk $0xffff, v47  }
0xf5: {  	v52 =	vadd.s32 v3, v7;
	v51 =	vmul.f32 $8.000000000e+00, v41;
	v10 =	vld [tilespmem:s6+$0x70];
	[tilespmem:v48+s25+$0x0] =	vst.idx.msk $0xffff, v53  }
0xf6: {  	v50 =	vadd.s32 v3, v6;
	v54 =	vmul.f32 $8.000000000e+00, v45;
	[tilespmem:v44+s25+$0x0] =	vst.idx.msk $0xffff, v12;
	v59 =	vld [tilespmem:s6+$0xFFFFFFB0]  }
0xf7: {  	v57 =	vadd.s32 v3, v22;
	v14 =	vmul.f32 $8.000000000e+00, v14;
	v55 =	vld [tilespmem:s6+$0xFFFFFFF0];
	[tilespmem:v46+s25+$0x0] =	vst.idx.msk $0xffff, v51  }
0xf8: {  	v62 =	vadd.s32 v3, v9;
	[tilespmem:v5+s25+$0x0] =	vst.idx.msk $0xffff, v54;
	v5 =	vmul.f32 $8.000000000e+00, v49;
	v58 =	vld [tilespmem:s6+$0x30]  }
0xf9: {  	v56 =	vmul.f32 $8.000000000e+00, v21;
	v60 =	vadd.s32 v3, v23;
	[tilespmem:v4+s25+$0x0] =	vst.idx.msk $0xffff, v14  }
0xfa: {  	v61 =	vadd.s32 v3, v26;
	[tilespmem:v52+s25+$0x0] =	vst.idx.msk $0xffff, v5;
	v5 =	vmul.f32 $8.000000000e+00, v10  }
0xfb: {  	[tilespmem:v50+s25+$0x0] =	vst.idx.msk $0xffff, v56;
	v63 =	vmul.f32 $8.000000000e+00, v59  }
0xfc: {  	v4 =	vmul.f32 $8.000000000e+00, v55;
	[tilespmem:v57+s25+$0x0] =	vst.idx.msk $0xffff, v5  }
0xfd: {  	v5 =	vmul.f32 $8.000000000e+00, v58;
	[tilespmem:v62+s25+$0x0] =	vst.idx.msk $0xffff, v63  }
0xfe: {  	p0 =	seq.s32 s17, $0x27;
	[tilespmem:v60+s25+$0x0] =	vst.idx.msk $0xffff, v4  }
0xff: {  	s6 =	smul.u32 @!p0 $0xA00, s17;
	[tilespmem:v61+s25+$0x0] =	vst.idx.msk $0xffff, v5  }
0x100: {  	s12 =	sadd.s32 s19, s7;
	s10 =	simm.s32 @!p0 $0x80;
	_ =	swait.ge [sflag:s26], $0x2000  }
0x101: {  	s15 =	sshll.u32 s12, $0x7;
	s20 =	sshra.s32 @!p0 s6, $0x2;
	[sflag:s26] =	ssyncset.done $0x0  }
0x102: {  	s11 =	simm.s32 @!p0 $0x6400;
	s6 =	sadd.s32 @!p0 $0x280, s20;
	[sflag:s26] =	ssyncadd.s32 $0xFFFFE000  }
0x103: {  	[tilespmem:s11], [sflag:$0x1] =	stream.indirect.gather @!p0 [hbm4b:s5+s10], $0x40, s6, s10, $0xb8;
	[tilespmem:$0x1AE00] =	vst v63  }
0x104: {  	s6 =	sshll.u32 s12, $0xA;
	s10 =	sand.u32 $0xF80, s15  }
0x105: {  	s6 =	sand.u32 $0xFFF8000, s6;
	s10 =	sadd.s32 s2, s10  }
0x106: {  	s16 =	simm.s32 $0x12600;
	s10 =	sadd.s32 s6, s10  }
0x107: {  	[hbm4b:s10+s3] =	stream.linear.scatter [tilespmem:s16], [sflag:$0x7], $0x80, $0x38;
	[tilespmem:$0x1AE00] =	vst v63  }
0x108: {  	s11 =	simm.s32 $0x12688;
	s12 =	sadd.s32 $0x10, s10  }
0x109: {  	[hbm4b:s12+s3] =	stream.linear.scatter [tilespmem:s11], [sflag:$0x7], $0x80, $0x38;
	[tilespmem:$0x1AE00] =	vst v63  }
0x10a: {  	s15 =	simm.s32 $0x12710;
	s16 =	sadd.s32 $0x20, s10  }
0x10b: {  	[hbm4b:s16+s3] =	stream.linear.scatter [tilespmem:s15], [sflag:$0x7], $0x80, $0x38;
	[tilespmem:$0x1AE00] =	vst v63  }
0x10c: {  	s11 =	simm.s32 $0x12798;
	s12 =	sadd.s32 $0x30, s10  }
0x10d: {  	[hbm4b:s12+s3] =	stream.linear.scatter [tilespmem:s11], [sflag:$0x7], $0x80, $0x38;
	[tilespmem:$0x1AE00] =	vst v63  }
0x10e: {  	s15 =	simm.s32 $0x12820;
	s16 =	sadd.s32 $0x40, s10  }
0x10f: {  	[hbm4b:s16+s3] =	stream.linear.scatter [tilespmem:s15], [sflag:$0x7], $0x80, $0x38;
	[tilespmem:$0x1AE00] =	vst v63  }
0x110: {  	s6 =	simm.s32 $0x440;
	s11 =	simm.s32 $0x128A8;
	s12 =	sadd.s32 $0x50, s10  }
0x111: {  	[hbm4b:s12+s3] =	stream.linear.scatter [tilespmem:s11], [sflag:$0x7], $0x80, $0x38;
	[tilespmem:$0x1AE00] =	vst v63  }
0x112: {  	s15 =	simm.s32 $0x12930;
	s16 =	sadd.s32 $0x60, s10;
	s11 =	simm.s32 $0x2200  }
0x113: {  	[hbm4b:s16+s3] =	stream.linear.scatter [tilespmem:s15], [sflag:$0x7], $0x80, $0x38;
	[tilespmem:$0x1AE00] =	vst v63  }
0x114: {  	s12 =	sadd.s32 $0x70, s10;
	s10 =	sadd.s32 $0x1000, s10;
	s15 =	simm.s32 $0x129B8  }
.LBB2_9:
0x115: {  	[hbm4b:s12+s3] =	stream.linear.scatter [tilespmem:s15], [sflag:$0x7], $0x80, $0x38;
	[tilespmem:$0x1AE00] =	vst v63  }
0x116: {  	s12 =	smov.u32 s6;
	s6 =	smov.u32 s11  }
0x117: {  	s16 =	sadd.s32 $0x1100, s11;
	s6 =	sshra.s32 s6, $0x2;
	s15 =	sadd.s32 $0x12600, s12  }
0x118: {  	[hbm4b:s10+s3] =	stream.linear.scatter [tilespmem:s15], [sflag:$0x7], $0x80, $0x38;
	[tilespmem:$0x1AE00] =	vst v63  }
0x119: {  	p1 =	sne.s32 s11, $0x7700;
	s11 =	sadd.s32 $0x12688, s12;
	s15 =	sadd.s32 $0x10, s10  }
0x11a: {  	[hbm4b:s15+s3] =	stream.linear.scatter [tilespmem:s11], [sflag:$0x7], $0x80, $0x38;
	[tilespmem:$0x1AE00] =	vst v63  }
0x11b: {  	s11 =	sadd.s32 $0x12710, s12;
	s15 =	sadd.s32 $0x20, s10  }
0x11c: {  	[hbm4b:s15+s3] =	stream.linear.scatter [tilespmem:s11], [sflag:$0x7], $0x80, $0x38;
	[tilespmem:$0x1AE00] =	vst v63  }
0x11d: {  	s11 =	sadd.s32 $0x12798, s12;
	s15 =	sadd.s32 $0x30, s10  }
0x11e: {  	[hbm4b:s15+s3] =	stream.linear.scatter [tilespmem:s11], [sflag:$0x7], $0x80, $0x38;
	[tilespmem:$0x1AE00] =	vst v63  }
0x11f: {  	s11 =	sadd.s32 $0x12820, s12;
	s15 =	sadd.s32 $0x40, s10  }
0x120: {  	[hbm4b:s15+s3] =	stream.linear.scatter [tilespmem:s11], [sflag:$0x7], $0x80, $0x38;
	[tilespmem:$0x1AE00] =	vst v63  }
0x121: {  	s11 =	sadd.s32 $0x128A8, s12;
	s15 =	sadd.s32 $0x50, s10  }
0x122: {  	[hbm4b:s15+s3] =	stream.linear.scatter [tilespmem:s11], [sflag:$0x7], $0x80, $0x38;
	[tilespmem:$0x1AE00] =	vst v63  }
.Ltmp3:
0x123: {  	_ = 	snop;
	(pc) =	sbr.rel @p1 .LBB2_9-.Ltmp3, $4  }
0x124: {  	s11 =	sadd.s32 $0x12930, s12;
	s15 =	sadd.s32 $0x60, s10  }
0x125: {  	[hbm4b:s15+s3] =	stream.linear.scatter [tilespmem:s11], [sflag:$0x7], $0x80, $0x38;
	[tilespmem:$0x1AE00] =	vst v63  }
0x126: {  	s15 =	sadd.s32 $0x129B8, s12  }
0x127: {  	s12 =	sadd.s32 $0x70, s10;
	s10 =	sadd.s32 $0x1000, s10;
	s11 =	smov.u32 s16  }
0x128: {  	[hbm4b:s12+s3] =	stream.linear.scatter [tilespmem:s15], [sflag:$0x7], $0x80, $0x38;
	[tilespmem:$0x1AE00] =	vst v63  }
0x129: {  	s11 =	sadd.s32 $0x12600, s6  }
0x12a: {  	[hbm4b:s10+s3] =	stream.linear.scatter [tilespmem:s11], [sflag:$0x7], $0x80, $0x38;
	[tilespmem:$0x1AE00] =	vst v63  }
0x12b: {  	s15 =	sadd.s32 $0x12688, s6;
	s16 =	sadd.s32 $0x10, s10  }
0x12c: {  	[hbm4b:s16+s3] =	stream.linear.scatter [tilespmem:s15], [sflag:$0x7], $0x80, $0x38;
	[tilespmem:$0x1AE00] =	vst v63  }
0x12d: {  	s15 =	sadd.s32 $0x12710, s6;
	s16 =	sadd.s32 $0x20, s10  }
0x12e: {  	[hbm4b:s16+s3] =	stream.linear.scatter [tilespmem:s15], [sflag:$0x7], $0x80, $0x38;
	[tilespmem:$0x1AE00] =	vst v63  }
0x12f: {  	s15 =	sadd.s32 $0x12798, s6;
	s16 =	sadd.s32 $0x30, s10  }
0x130: {  	[hbm4b:s16+s3] =	stream.linear.scatter [tilespmem:s15], [sflag:$0x7], $0x80, $0x38;
	[tilespmem:$0x1AE00] =	vst v63  }
0x131: {  	s15 =	sadd.s32 $0x12820, s6;
	s16 =	sadd.s32 $0x40, s10  }
0x132: {  	[hbm4b:s16+s3] =	stream.linear.scatter [tilespmem:s15], [sflag:$0x7], $0x80, $0x38;
	[tilespmem:$0x1AE00] =	vst v63  }
0x133: {  	s15 =	sadd.s32 $0x128A8, s6;
	s16 =	sadd.s32 $0x50, s10  }
0x134: {  	[hbm4b:s16+s3] =	stream.linear.scatter [tilespmem:s15], [sflag:$0x7], $0x80, $0x38;
	[tilespmem:$0x1AE00] =	vst v63  }
0x135: {  	s12 =	sadd.s32 $0x12930, s6;
	s15 =	sadd.s32 $0x60, s10  }
0x136: {  	[hbm4b:s15+s3] =	stream.linear.scatter [tilespmem:s12], [sflag:$0x7], $0x80, $0x38;
	[tilespmem:$0x1AE00] =	vst v63  }
0x137: {  	s11 =	sadd.s32 $0x70, s10;
	s16 =	sadd.s32 $0x129B8, s6  }
0x138: {  	[hbm4b:s11+s3] =	stream.linear.scatter [tilespmem:s16], [sflag:$0x7], $0x80, $0x38;
	[tilespmem:$0x1AE00] =	vst v63  }
0x139: {  	_ =	swait.ge [sflag:s28], $0x2000  }
0x13a: {  	[sflag:s28] =	ssyncset.done $0x0  }
0x13b: {  	s15 =	simm.s32 $0xA480;
	s12 =	simm.s32 $0x3;
	[sflag:s28] =	ssyncadd.s32 $0xFFFFE000  }
0x13c: {  	v4 =	vmov s12;
	v5 =	vld [tilespmem:s15+$0x40]  }
0x13d: {  	v9 =	vand.u32 $0x7F, v4  }
0x13e: {  	s16 =	simm.s32 $0x0;
	v4 =	vadd.s32 v0, v9  }
0x13f: {  	s10 =	simm.s32 $0x1;
	s11 =	simm.s32 $0x2;
	v6 =	vmov s16;
	v7 =	vld [tilespmem:s15+$0xFFFFFF80]  }
0x140: {  	v11 =	vmov s11;
	v8 =	vand.u32 $0x7C, v6;
	v6 =	vmov s10;
	v10 =	vld [tilespmem:s15+$0xFFFFFFC0]  }
0x141: {  	v12 =	vadd.s32 v0, v8;
	v15 =	vand.u32 $0x7D, v6;
	v6 =	vld [tilespmem:s15+$0x0];
	v5 =	vmul.f32 $8.000000000e+00, v5  }
0x142: {  	v17 =	vand.u32 $0x7E, v11;
	v13 =	vadd.s32 v0, v15  }
0x143: {  	v11 =	vadd.s32 v0, v17;
	[tilespmem:v4+s29+$0x0] =	vst.idx.msk $0xffff, v5  }
0x144: {  	v4 =	vmul.f32 $8.000000000e+00, v7;
	v5 =	vld [tilespmem:s15+$0x50]  }
0x145: {  	v7 =	vmul.f32 $8.000000000e+00, v10  }
0x146: {  	[tilespmem:v12+s29+$0x0] =	vst.idx.msk $0xffff, v4;
	v4 =	vmul.f32 $8.000000000e+00, v6;
	v6 =	vadd.s32 v1, v9  }
0x147: {  	[tilespmem:v13+s29+$0x0] =	vst.idx.msk $0xffff, v7;
	v10 =	vld [tilespmem:s15+$0xFFFFFF90]  }
0x148: {  	v7 =	vld [tilespmem:s15+$0xFFFFFFD0];
	[tilespmem:v11+s29+$0x0] =	vst.idx.msk $0xffff, v4  }
0x149: {  	v11 =	vld [tilespmem:s15+$0x10];
	v4 =	vmul.f32 $8.000000000e+00, v5  }
0x14a: {  	s6 =	simm.s32 $0xA580;
	s12 =	simm.s32 $0x4;
	s16 =	simm.s32 $0x7;
	v12 =	vadd.s32 v1, v15  }
0x14b: {  	v14 =	vld [tilespmem:s6+$0x40];
	v13 =	vadd.s32 v1, v17;
	v5 =	vmov s12;
	[tilespmem:v6+s29+$0x0] =	vst.idx.msk $0xffff, v4;
	v6 =	vmov s16  }
0x14c: {  	v16 =	vadd.s32 v1, v8;
	v4 =	vand.u32 $0x7C, v5;
	v5 =	vand.u32 $0x7F, v6;
	v18 =	vld [tilespmem:s15+$0x60]  }
0x14d: {  	s11 =	simm.s32 $0x5;
	v22 =	vadd.s32 v2, v9;
	v19 =	vld [tilespmem:s6+$0xFFFFFF80];
	v6 =	vmul.f32 $8.000000000e+00, v7;
	v20 =	vadd.s32 v0, v5  }
0x14e: {  	v21 =	vld [tilespmem:s6+$0xFFFFFFC0];
	s12 =	simm.s32 $0x6;
	v10 =	vmul.f32 $8.000000000e+00, v10;
	v7 =	vmul.f32 $8.000000000e+00, v11;
	v11 =	vmov s11  }
0x14f: {  	v23 =	vadd.s32 v0, v4;
	[tilespmem:v12+s29+$0x0] =	vst.idx.msk $0xffff, v6;
	v12 =	vmov s12;
	v6 =	vand.u32 $0x7D, v11;
	v11 =	vld [tilespmem:s6+$0x0]  }
0x150: {  	[tilespmem:v13+s29+$0x0] =	vst.idx.msk $0xffff, v7;
	v13 =	vadd.s32 v0, v6;
	v7 =	vand.u32 $0x7E, v12;
	v12 =	vmul.f32 $8.000000000e+00, v14;
	v14 =	vld [tilespmem:s15+$0xFFFFFFE0]  }
0x151: {  	[tilespmem:v16+s29+$0x0] =	vst.idx.msk $0xffff, v10;
	v10 =	vadd.s32 v0, v7;
	v16 =	vld [tilespmem:s15+$0x20];
	v18 =	vmul.f32 $8.000000000e+00, v18  }
0x152: {  	v19 =	vmul.f32 $8.000000000e+00, v19;
	[tilespmem:v20+s29+$0x0] =	vst.idx.msk $0xffff, v12;
	v12 =	vld [tilespmem:s15+$0xFFFFFFA0];
	v20 =	vadd.s32 v2, v15  }
0x153: {  	v25 =	vadd.s32 v2, v17;
	v21 =	vmul.f32 $8.000000000e+00, v21;
	v24 =	vld [tilespmem:s6+$0x50];
	[tilespmem:v22+s29+$0x0] =	vst.idx.msk $0xffff, v18  }
0x154: {  	[tilespmem:v23+s29+$0x0] =	vst.idx.msk $0xffff, v19;
	v19 =	vadd.s32 v2, v8;
	v11 =	vmul.f32 $8.000000000e+00, v11;
	v22 =	vld [tilespmem:s15+$0x70]  }
0x155: {  	v23 =	vld [tilespmem:s6+$0xFFFFFF90];
	[tilespmem:v13+s29+$0x0] =	vst.idx.msk $0xffff, v21;
	v21 =	vadd.s32 v1, v5;
	v14 =	vmul.f32 $8.000000000e+00, v14  }
0x156: {  	v27 =	vadd.s32 v3, v9;
	v26 =	vld [tilespmem:s6+$0xFFFFFFD0];
	[tilespmem:v10+s29+$0x0] =	vst.idx.msk $0xffff, v11;
	v10 =	vmul.f32 $8.000000000e+00, v16  }
0x157: {  	v18 =	vadd.s32 v1, v4;
	v13 =	vld [tilespmem:s6+$0x10];
	v9 =	vmul.f32 $8.000000000e+00, v12;
	[tilespmem:v20+s29+$0x0] =	vst.idx.msk $0xffff, v14  }
0x158: {  	s11 =	simm.s32 $0x8;
	v16 =	vadd.s32 v1, v6;
	[tilespmem:v25+s29+$0x0] =	vst.idx.msk $0xffff, v10;
	v14 =	vmul.f32 $8.000000000e+00, v24;
	v12 =	vld [tilespmem:s15+$0xFFFFFFF0]  }
0x159: {  	v20 =	vmov s11;
	v10 =	vadd.s32 v1, v7;
	v11 =	vld [tilespmem:s15+$0x30];
	[tilespmem:v19+s29+$0x0] =	vst.idx.msk $0xffff, v9;
	v63 =	vmul.f32 $8.000000000e+00, v22  }
0x15a: {  	s10 =	simm.s32 $0xA680;
	s16 =	simm.s32 $0xB;
	v15 =	vadd.s32 v3, v15;
	v9 =	vand.u32 $0x7C, v20;
	v20 =	vmul.f32 $8.000000000e+00, v23;
	[tilespmem:v21+s29+$0x0] =	vst.idx.msk $0xffff, v14;
	v14 =	vld [tilespmem:s15+$0xFFFFFFB0]  }
0x15b: {  	v17 =	vadd.s32 v3, v17;
	v22 =	vmov s16;
	v19 =	vld [tilespmem:s10+$0x40];
	s15 =	simm.s32 $0xC;
	v21 =	vmul.f32 $8.000000000e+00, v26;
	[tilespmem:v27+s29+$0x0] =	vst.idx.msk $0xffff, v63  }
.LBB2_11:
0x15c: {  	p1 =	slt.u32 s15, $0x7C;
	s12 =	sadd.s32 $0x1, s11;
	v22 =	vand.u32 $0x7F, v22;
	[tilespmem:v18+s29+$0x0] =	vst.idx.msk $0xffff, v20;
	v13 =	vmul.f32 $8.000000000e+00, v13;
	v18 =	vld [tilespmem:s6+$0x60];
	v20 =	vadd.s32 v3, v8;
	v8 =	vmovc v4  }
0x15d: {  	v4 =	vmovc v9;
	v23 =	vld [tilespmem:s10+$0xFFFFFF80];
	v24 =	vmov s12;
	s12 =	sadd.s32 $0x2, s11;
	v25 =	vadd.s32 v0, v22;
	[tilespmem:v16+s29+$0x0] =	vst.idx.msk $0xffff, v21;
	v12 =	vmul.f32 $8.000000000e+00, v12;
	s11 =	smov.u32 s15  }
0x15e: {  	v9 =	vld [tilespmem:s10+$0xFFFFFFC0];
	v16 =	vmov s12;
	[tilespmem:v10+s29+$0x0] =	vst.idx.msk $0xffff, v13;
	v10 =	vadd.s32 v2, v5;
	v11 =	vmul.f32 $8.000000000e+00, v11  }
0x15f: {  	v13 =	vadd.s32 v0, v4;
	v21 =	vand.u32 $0x7D, v24;
	v24 =	vld [tilespmem:s10+$0x0];
	v14 =	vmul.f32 $8.000000000e+00, v14;
	[tilespmem:v15+s29+$0x0] =	vst.idx.msk $0xffff, v12  }
0x160: {  	v12 =	vadd.s32 v0, v21;
	v26 =	vand.u32 $0x7E, v16;
	v15 =	vmul.f32 $8.000000000e+00, v19;
	v16 =	vld [tilespmem:s6+$0xFFFFFFE0];
	[tilespmem:v17+s29+$0x0] =	vst.idx.msk $0xffff, v11  }
0x161: {  	v11 =	vadd.s32 v0, v26;
	v17 =	vld [tilespmem:s6+$0x20];
	v18 =	vmul.f32 $8.000000000e+00, v18;
	[tilespmem:v20+s29+$0x0] =	vst.idx.msk $0xffff, v14  }
0x162: {  	v19 =	vadd.s32 v2, v6;
	v14 =	vmul.f32 $8.000000000e+00, v23;
	[tilespmem:v25+s29+$0x0] =	vst.idx.msk $0xffff, v15;
	v15 =	vld [tilespmem:s6+$0xFFFFFFA0]  }
0x163: {  	v23 =	vadd.s32 v2, v7;
	v9 =	vmul.f32 $8.000000000e+00, v9;
	v20 =	vld [tilespmem:s10+$0x50];
	[tilespmem:v10+s29+$0x0] =	vst.idx.msk $0xffff, v18  }
0x164: {  	[tilespmem:v13+s29+$0x0] =	vst.idx.msk $0xffff, v14;
	v10 =	vmul.f32 $8.000000000e+00, v24;
	v14 =	vadd.s32 v2, v8;
	v24 =	vld [tilespmem:s6+$0x70]  }
0x165: {  	v27 =	vadd.s32 v1, v22;
	v25 =	vld [tilespmem:s10+$0xFFFFFF90];
	[tilespmem:v12+s29+$0x0] =	vst.idx.msk $0xffff, v9;
	v9 =	vmul.f32 $8.000000000e+00, v16  }
0x166: {  	v29 =	vadd.s32 v3, v5;
	v5 =	vmov v22;
	v28 =	vld [tilespmem:s10+$0xFFFFFFD0];
	[tilespmem:v11+s29+$0x0] =	vst.idx.msk $0xffff, v10;
	v10 =	vmul.f32 $8.000000000e+00, v17  }
.Ltmp4:
0x167: {  	v18 =	vadd.s32 v1, v4;
	v13 =	vld [tilespmem:s10+$0x10];
	v11 =	vmul.f32 $8.000000000e+00, v15;
	[tilespmem:v19+s29+$0x0] =	vst.idx.msk $0xffff, v9;
	(pc) =	sbr.rel @p1 .LBB2_11-.Ltmp4, $4  }
0x168: {  	v16 =	vadd.s32 v1, v21;
	v15 =	vmul.f32 $8.000000000e+00, v20;
	v12 =	vld [tilespmem:s6+$0xFFFFFFF0];
	[tilespmem:v23+s29+$0x0] =	vst.idx.msk $0xffff, v10  }
0x169: {  	v9 =	vmov s15;
	v10 =	vadd.s32 v1, v26;
	[tilespmem:v14+s29+$0x0] =	vst.idx.msk $0xffff, v11;
	v11 =	vld [tilespmem:s6+$0x30];
	v23 =	vmul.f32 $8.000000000e+00, v24  }
0x16a: {  	s12 =	sadd.s32 $0x3, s15;
	v9 =	vand.u32 $0x7C, v9;
	v20 =	vmul.f32 $8.000000000e+00, v25;
	[tilespmem:v27+s29+$0x0] =	vst.idx.msk $0xffff, v15;
	v14 =	vld [tilespmem:s6+$0xFFFFFFB0];
	v15 =	vadd.s32 v3, v6;
	v6 =	vmovc v21;
	s6 =	smov.u32 s10;
	s10 =	sadd.s32 $0x100, s10  }
0x16b: {  	v22 =	vmov s12;
	v17 =	vadd.s32 v3, v7;
	v7 =	vmovc v26;
	s15 =	sadd.s32 $0x4, s15;
	v19 =	vld [tilespmem:s10+$0x40];
	v21 =	vmul.f32 $8.000000000e+00, v28;
	[tilespmem:v29+s29+$0x0] =	vst.idx.msk $0xffff, v23  }
0x16c: {  	s12 =	sadd.s32 $0x1, s11;
	v22 =	vand.u32 $0x7F, v22;
	v28 =	vld [tilespmem:s10+$0xFFFFFF80]  }
0x16d: {  	s16 =	sadd.s32 $0x2, s11;
	v24 =	vld [tilespmem:s10+$0xFFFFFFC0];
	v23 =	vmov s12;
	v25 =	vadd.s32 v0, v22  }
0x16e: {  	v27 =	vld [tilespmem:s10+$0x0];
	v51 =	vadd.s32 v0, v9;
	v26 =	vmov s16;
	v23 =	vand.u32 $0x7D, v23  }
0x16f: {  	v26 =	vand.u32 $0x7E, v26;
	v29 =	vadd.s32 v0, v23  }
0x170: {  	[tilespmem:v18+s29+$0x0] =	vst.idx.msk $0xffff, v20;
	v30 =	vadd.s32 v0, v26;
	v19 =	vmul.f32 $8.000000000e+00, v19  }
0x171: {  	[tilespmem:v16+s29+$0x0] =	vst.idx.msk $0xffff, v21;
	v54 =	vmul.f32 $8.000000000e+00, v28  }
0x172: {  	v52 =	vmul.f32 $8.000000000e+00, v24;
	[tilespmem:v25+s29+$0x0] =	vst.idx.msk $0xffff, v19  }
0x173: {  	v53 =	vmul.f32 $8.000000000e+00, v27;
	v55 =	vld [tilespmem:s10+$0x50];
	[tilespmem:v51+s29+$0x0] =	vst.idx.msk $0xffff, v54  }
0x174: {  	v13 =	vmul.f32 $8.000000000e+00, v13;
	v8 =	vadd.s32 v3, v8;
	[tilespmem:v29+s29+$0x0] =	vst.idx.msk $0xffff, v52;
	v59 =	vld [tilespmem:s10+$0xFFFFFF90]  }
0x175: {  	v12 =	vmul.f32 $8.000000000e+00, v12;
	v57 =	vadd.s32 v1, v22;
	[tilespmem:v30+s29+$0x0] =	vst.idx.msk $0xffff, v53;
	v56 =	vld [tilespmem:s10+$0xFFFFFFD0]  }
0x176: {  	[tilespmem:v10+s29+$0x0] =	vst.idx.msk $0xffff, v13;
	v58 =	vmul.f32 $8.000000000e+00, v11;
	v28 =	vadd.s32 v1, v9;
	v19 =	vld [tilespmem:s10+$0x10]  }
0x177: {  	v61 =	vld [tilespmem:s6+$0x60];
	v60 =	vadd.s32 v1, v23;
	v14 =	vmul.f32 $8.000000000e+00, v14;
	[tilespmem:v15+s29+$0x0] =	vst.idx.msk $0xffff, v12  }
0x178: {  	v32 =	vld [tilespmem:s6+$0xFFFFFFA0];
	v62 =	vadd.s32 v1, v26;
	[tilespmem:v17+s29+$0x0] =	vst.idx.msk $0xffff, v58;
	v16 =	vmul.f32 $8.000000000e+00, v55  }
0x179: {  	[tilespmem:v8+s29+$0x0] =	vst.idx.msk $0xffff, v14;
	v29 =	vadd.s32 v2, v5;
	v30 =	vld [tilespmem:s6+$0x20];
	v11 =	vmul.f32 $8.000000000e+00, v59  }
0x17a: {  	v38 =	vadd.s32 v2, v4;
	v63 =	vld [tilespmem:s6+$0xFFFFFFE0];
	v31 =	vmul.f32 $8.000000000e+00, v56;
	[tilespmem:v57+s29+$0x0] =	vst.idx.msk $0xffff, v16  }
0x17b: {  	v35 =	vadd.s32 v2, v7;
	v34 =	vmul.f32 $8.000000000e+00, v19;
	v36 =	vld [tilespmem:s10+$0x60];
	[tilespmem:v28+s29+$0x0] =	vst.idx.msk $0xffff, v11  }
0x17c: {  	v33 =	vadd.s32 v2, v6;
	v37 =	vmul.f32 $8.000000000e+00, v61;
	[tilespmem:v60+s29+$0x0] =	vst.idx.msk $0xffff, v31;
	v43 =	vld [tilespmem:s10+$0xFFFFFFA0]  }
0x17d: {  	v40 =	vadd.s32 v2, v22;
	v14 =	vmul.f32 $8.000000000e+00, v32;
	[tilespmem:v62+s29+$0x0] =	vst.idx.msk $0xffff, v34;
	v39 =	vld [tilespmem:s10+$0xFFFFFFE0]  }
0x17e: {  	v48 =	vadd.s32 v2, v9;
	[tilespmem:v29+s29+$0x0] =	vst.idx.msk $0xffff, v37;
	v42 =	vmul.f32 $8.000000000e+00, v30;
	v41 =	vld [tilespmem:s10+$0x20]  }
0x17f: {  	v44 =	vadd.s32 v2, v23;
	v15 =	vmul.f32 $8.000000000e+00, v63;
	[tilespmem:v38+s29+$0x0] =	vst.idx.msk $0xffff, v14;
	v45 =	vld [tilespmem:s6+$0x70]  }
0x180: {  	v46 =	vadd.s32 v2, v26;
	v14 =	vld [tilespmem:s6+$0xFFFFFFB0];
	[tilespmem:v35+s29+$0x0] =	vst.idx.msk $0xffff, v42;
	v47 =	vmul.f32 $8.000000000e+00, v36  }
0x181: {  	v5 =	vadd.s32 v3, v5;
	[tilespmem:v33+s29+$0x0] =	vst.idx.msk $0xffff, v15;
	v49 =	vld [tilespmem:s6+$0x30];
	v53 =	vmul.f32 $8.000000000e+00, v43  }
0x182: {  	v4 =	vadd.s32 v3, v4;
	v21 =	vld [tilespmem:s6+$0xFFFFFFF0];
	v12 =	vmul.f32 $8.000000000e+00, v39;
	[tilespmem:v40+s29+$0x0] =	vst.idx.msk $0xffff, v47  }
0x183: {  	v52 =	vadd.s32 v3, v7;
	v51 =	vmul.f32 $8.000000000e+00, v41;
	v10 =	vld [tilespmem:s10+$0x70];
	[tilespmem:v48+s29+$0x0] =	vst.idx.msk $0xffff, v53  }
0x184: {  	v50 =	vadd.s32 v3, v6;
	v54 =	vmul.f32 $8.000000000e+00, v45;
	[tilespmem:v44+s29+$0x0] =	vst.idx.msk $0xffff, v12;
	v59 =	vld [tilespmem:s10+$0xFFFFFFB0]  }
0x185: {  	v57 =	vadd.s32 v3, v22;
	v14 =	vmul.f32 $8.000000000e+00, v14;
	[tilespmem:v46+s29+$0x0] =	vst.idx.msk $0xffff, v51;
	v55 =	vld [tilespmem:s10+$0xFFFFFFF0]  }
0x186: {  	v62 =	vadd.s32 v3, v9;
	[tilespmem:v5+s29+$0x0] =	vst.idx.msk $0xffff, v54;
	v5 =	vmul.f32 $8.000000000e+00, v49;
	v58 =	vld [tilespmem:s10+$0x30]  }
0x187: {  	v56 =	vmul.f32 $8.000000000e+00, v21;
	v60 =	vadd.s32 v3, v23;
	[tilespmem:v4+s29+$0x0] =	vst.idx.msk $0xffff, v14  }
0x188: {  	v61 =	vadd.s32 v3, v26;
	[tilespmem:v52+s29+$0x0] =	vst.idx.msk $0xffff, v5;
	v5 =	vmul.f32 $8.000000000e+00, v10  }
0x189: {  	[tilespmem:v50+s29+$0x0] =	vst.idx.msk $0xffff, v56;
	v63 =	vmul.f32 $8.000000000e+00, v59  }
0x18a: {  	v4 =	vmul.f32 $8.000000000e+00, v55;
	[tilespmem:v57+s29+$0x0] =	vst.idx.msk $0xffff, v5  }
0x18b: {  	v5 =	vmul.f32 $8.000000000e+00, v58;
	[tilespmem:v62+s29+$0x0] =	vst.idx.msk $0xffff, v63  }
0x18c: {  	[tilespmem:v60+s29+$0x0] =	vst.idx.msk $0xffff, v4  }
0x18d: {  	[tilespmem:v61+s29+$0x0] =	vst.idx.msk $0xffff, v5  }
0x18e: {  	s12 =	sadd.s32 s19, s8;
	_ =	swait.ge [sflag:s30], $0x2000  }
0x18f: {  	s11 =	simm.s32 @!p0 $0x8400;
	s15 =	sshll.u32 s12, $0x7;
	[sflag:s30] =	ssyncset.done $0x0  }
0x190: {  	s6 =	sadd.s32 @!p0 $0x300, s20;
	s10 =	simm.s32 @!p0 $0x80;
	[sflag:s30] =	ssyncadd.s32 $0xFFFFE000  }
0x191: {  	[tilespmem:s11], [sflag:$0x2] =	stream.indirect.gather @!p0 [hbm4b:s5+s10], $0x40, s6, s10, $0xb8;
	[tilespmem:$0x1AE00] =	vst v63  }
0x192: {  	s6 =	sshll.u32 s12, $0xA;
	s10 =	sand.u32 $0xF80, s15  }
0x193: {  	s6 =	sand.u32 $0xFFF8000, s6;
	s10 =	sadd.s32 s2, s10  }
0x194: {  	s16 =	simm.s32 $0x14800;
	s10 =	sadd.s32 s6, s10  }
0x195: {  	[hbm4b:s10+s3] =	stream.linear.scatter [tilespmem:s16], [sflag:$0x8], $0x80, $0x38;
	[tilespmem:$0x1AE00] =	vst v63  }
0x196: {  	s11 =	simm.s32 $0x14888;
	s12 =	sadd.s32 $0x10, s10  }
0x197: {  	[hbm4b:s12+s3] =	stream.linear.scatter [tilespmem:s11], [sflag:$0x8], $0x80, $0x38;
	[tilespmem:$0x1AE00] =	vst v63  }
0x198: {  	s15 =	simm.s32 $0x14910;
	s16 =	sadd.s32 $0x20, s10  }
0x199: {  	[hbm4b:s16+s3] =	stream.linear.scatter [tilespmem:s15], [sflag:$0x8], $0x80, $0x38;
	[tilespmem:$0x1AE00] =	vst v63  }
0x19a: {  	s11 =	simm.s32 $0x14998;
	s12 =	sadd.s32 $0x30, s10  }
0x19b: {  	[hbm4b:s12+s3] =	stream.linear.scatter [tilespmem:s11], [sflag:$0x8], $0x80, $0x38;
	[tilespmem:$0x1AE00] =	vst v63  }
0x19c: {  	s15 =	simm.s32 $0x14A20;
	s16 =	sadd.s32 $0x40, s10  }
0x19d: {  	[hbm4b:s16+s3] =	stream.linear.scatter [tilespmem:s15], [sflag:$0x8], $0x80, $0x38;
	[tilespmem:$0x1AE00] =	vst v63  }
0x19e: {  	s6 =	simm.s32 $0x440;
	s11 =	simm.s32 $0x14AA8;
	s12 =	sadd.s32 $0x50, s10  }
0x19f: {  	[hbm4b:s12+s3] =	stream.linear.scatter [tilespmem:s11], [sflag:$0x8], $0x80, $0x38;
	[tilespmem:$0x1AE00] =	vst v63  }
0x1a0: {  	s15 =	simm.s32 $0x14B30;
	s16 =	sadd.s32 $0x60, s10;
	s11 =	simm.s32 $0x2200  }
0x1a1: {  	[hbm4b:s16+s3] =	stream.linear.scatter [tilespmem:s15], [sflag:$0x8], $0x80, $0x38;
	[tilespmem:$0x1AE00] =	vst v63  }
0x1a2: {  	s12 =	sadd.s32 $0x70, s10;
	s10 =	sadd.s32 $0x1000, s10;
	s15 =	simm.s32 $0x14BB8  }
.LBB2_13:
0x1a3: {  	[hbm4b:s12+s3] =	stream.linear.scatter [tilespmem:s15], [sflag:$0x8], $0x80, $0x38;
	[tilespmem:$0x1AE00] =	vst v63  }
0x1a4: {  	s12 =	smov.u32 s6;
	s6 =	smov.u32 s11  }
0x1a5: {  	s16 =	sadd.s32 $0x1100, s11;
	s6 =	sshra.s32 s6, $0x2;
	s15 =	sadd.s32 $0x14800, s12  }
0x1a6: {  	[hbm4b:s10+s3] =	stream.linear.scatter [tilespmem:s15], [sflag:$0x8], $0x80, $0x38;
	[tilespmem:$0x1AE00] =	vst v63  }
0x1a7: {  	p1 =	sne.s32 s11, $0x7700;
	s11 =	sadd.s32 $0x14888, s12;
	s15 =	sadd.s32 $0x10, s10  }
0x1a8: {  	[hbm4b:s15+s3] =	stream.linear.scatter [tilespmem:s11], [sflag:$0x8], $0x80, $0x38;
	[tilespmem:$0x1AE00] =	vst v63  }
0x1a9: {  	s11 =	sadd.s32 $0x14910, s12;
	s15 =	sadd.s32 $0x20, s10  }
0x1aa: {  	[hbm4b:s15+s3] =	stream.linear.scatter [tilespmem:s11], [sflag:$0x8], $0x80, $0x38;
	[tilespmem:$0x1AE00] =	vst v63  }
0x1ab: {  	s11 =	sadd.s32 $0x14998, s12;
	s15 =	sadd.s32 $0x30, s10  }
0x1ac: {  	[hbm4b:s15+s3] =	stream.linear.scatter [tilespmem:s11], [sflag:$0x8], $0x80, $0x38;
	[tilespmem:$0x1AE00] =	vst v63  }
0x1ad: {  	s11 =	sadd.s32 $0x14A20, s12;
	s15 =	sadd.s32 $0x40, s10  }
0x1ae: {  	[hbm4b:s15+s3] =	stream.linear.scatter [tilespmem:s11], [sflag:$0x8], $0x80, $0x38;
	[tilespmem:$0x1AE00] =	vst v63  }
0x1af: {  	s11 =	sadd.s32 $0x14AA8, s12;
	s15 =	sadd.s32 $0x50, s10  }
0x1b0: {  	[hbm4b:s15+s3] =	stream.linear.scatter [tilespmem:s11], [sflag:$0x8], $0x80, $0x38;
	[tilespmem:$0x1AE00] =	vst v63  }
.Ltmp5:
0x1b1: {  	_ = 	snop;
	(pc) =	sbr.rel @p1 .LBB2_13-.Ltmp5, $4  }
0x1b2: {  	s11 =	sadd.s32 $0x14B30, s12;
	s15 =	sadd.s32 $0x60, s10  }
0x1b3: {  	[hbm4b:s15+s3] =	stream.linear.scatter [tilespmem:s11], [sflag:$0x8], $0x80, $0x38;
	[tilespmem:$0x1AE00] =	vst v63  }
0x1b4: {  	s15 =	sadd.s32 $0x14BB8, s12  }
0x1b5: {  	s12 =	sadd.s32 $0x70, s10;
	s10 =	sadd.s32 $0x1000, s10;
	s11 =	smov.u32 s16  }
0x1b6: {  	[hbm4b:s12+s3] =	stream.linear.scatter [tilespmem:s15], [sflag:$0x8], $0x80, $0x38;
	[tilespmem:$0x1AE00] =	vst v63  }
0x1b7: {  	s11 =	sadd.s32 $0x14800, s6  }
0x1b8: {  	[hbm4b:s10+s3] =	stream.linear.scatter [tilespmem:s11], [sflag:$0x8], $0x80, $0x38;
	[tilespmem:$0x1AE00] =	vst v63  }
0x1b9: {  	s15 =	sadd.s32 $0x14888, s6;
	s16 =	sadd.s32 $0x10, s10  }
0x1ba: {  	[hbm4b:s16+s3] =	stream.linear.scatter [tilespmem:s15], [sflag:$0x8], $0x80, $0x38;
	[tilespmem:$0x1AE00] =	vst v63  }
0x1bb: {  	s15 =	sadd.s32 $0x14910, s6;
	s16 =	sadd.s32 $0x20, s10  }
0x1bc: {  	[hbm4b:s16+s3] =	stream.linear.scatter [tilespmem:s15], [sflag:$0x8], $0x80, $0x38;
	[tilespmem:$0x1AE00] =	vst v63  }
0x1bd: {  	s15 =	sadd.s32 $0x14998, s6;
	s16 =	sadd.s32 $0x30, s10  }
0x1be: {  	[hbm4b:s16+s3] =	stream.linear.scatter [tilespmem:s15], [sflag:$0x8], $0x80, $0x38;
	[tilespmem:$0x1AE00] =	vst v63  }
0x1bf: {  	s15 =	sadd.s32 $0x14A20, s6;
	s16 =	sadd.s32 $0x40, s10  }
0x1c0: {  	[hbm4b:s16+s3] =	stream.linear.scatter [tilespmem:s15], [sflag:$0x8], $0x80, $0x38;
	[tilespmem:$0x1AE00] =	vst v63  }
0x1c1: {  	s15 =	sadd.s32 $0x14AA8, s6;
	s16 =	sadd.s32 $0x50, s10  }
0x1c2: {  	[hbm4b:s16+s3] =	stream.linear.scatter [tilespmem:s15], [sflag:$0x8], $0x80, $0x38;
	[tilespmem:$0x1AE00] =	vst v63  }
0x1c3: {  	s12 =	sadd.s32 $0x14B30, s6;
	s15 =	sadd.s32 $0x60, s10  }
0x1c4: {  	[hbm4b:s15+s3] =	stream.linear.scatter [tilespmem:s12], [sflag:$0x8], $0x80, $0x38;
	[tilespmem:$0x1AE00] =	vst v63  }
0x1c5: {  	s11 =	sadd.s32 $0x70, s10;
	s16 =	sadd.s32 $0x14BB8, s6  }
0x1c6: {  	[hbm4b:s11+s3] =	stream.linear.scatter [tilespmem:s16], [sflag:$0x8], $0x80, $0x38;
	[tilespmem:$0x1AE00] =	vst v63  }
0x1c7: {  	_ =	swait.ge [sflag:s23], $0x2000  }
0x1c8: {  	[sflag:s23] =	ssyncset.done $0x0  }
0x1c9: {  	s15 =	simm.s32 $0xC480;
	s12 =	simm.s32 $0x3;
	[sflag:s23] =	ssyncadd.s32 $0xFFFFE000  }
0x1ca: {  	v4 =	vmov s12;
	v5 =	vld [tilespmem:s15+$0x40]  }
0x1cb: {  	v9 =	vand.u32 $0x7F, v4  }
0x1cc: {  	s16 =	simm.s32 $0x0;
	v4 =	vadd.s32 v0, v9  }
0x1cd: {  	s10 =	simm.s32 $0x1;
	s11 =	simm.s32 $0x2;
	v6 =	vmov s16;
	v7 =	vld [tilespmem:s15+$0xFFFFFF80]  }
0x1ce: {  	v11 =	vmov s11;
	v8 =	vand.u32 $0x7C, v6;
	v6 =	vmov s10;
	v10 =	vld [tilespmem:s15+$0xFFFFFFC0]  }
0x1cf: {  	v12 =	vadd.s32 v0, v8;
	v15 =	vand.u32 $0x7D, v6;
	v6 =	vld [tilespmem:s15+$0x0];
	v5 =	vmul.f32 $8.000000000e+00, v5  }
0x1d0: {  	v17 =	vand.u32 $0x7E, v11;
	v13 =	vadd.s32 v0, v15  }
0x1d1: {  	v11 =	vadd.s32 v0, v17;
	[tilespmem:v4+s31+$0x0] =	vst.idx.msk $0xffff, v5  }
0x1d2: {  	v4 =	vmul.f32 $8.000000000e+00, v7;
	v5 =	vld [tilespmem:s15+$0x50]  }
0x1d3: {  	v7 =	vmul.f32 $8.000000000e+00, v10  }
0x1d4: {  	[tilespmem:v12+s31+$0x0] =	vst.idx.msk $0xffff, v4;
	v4 =	vmul.f32 $8.000000000e+00, v6;
	v6 =	vadd.s32 v1, v9  }
0x1d5: {  	[tilespmem:v13+s31+$0x0] =	vst.idx.msk $0xffff, v7;
	v10 =	vld [tilespmem:s15+$0xFFFFFF90]  }
0x1d6: {  	v7 =	vld [tilespmem:s15+$0xFFFFFFD0];
	[tilespmem:v11+s31+$0x0] =	vst.idx.msk $0xffff, v4  }
0x1d7: {  	v11 =	vld [tilespmem:s15+$0x10];
	v4 =	vmul.f32 $8.000000000e+00, v5  }
0x1d8: {  	s6 =	simm.s32 $0xC580;
	s12 =	simm.s32 $0x4;
	s16 =	simm.s32 $0x7;
	v12 =	vadd.s32 v1, v15  }
0x1d9: {  	v14 =	vld [tilespmem:s6+$0x40];
	v13 =	vadd.s32 v1, v17;
	v5 =	vmov s12;
	[tilespmem:v6+s31+$0x0] =	vst.idx.msk $0xffff, v4;
	v6 =	vmov s16  }
0x1da: {  	v16 =	vadd.s32 v1, v8;
	v4 =	vand.u32 $0x7C, v5;
	v5 =	vand.u32 $0x7F, v6;
	v18 =	vld [tilespmem:s15+$0x60]  }
0x1db: {  	s11 =	simm.s32 $0x5;
	v22 =	vadd.s32 v2, v9;
	v19 =	vld [tilespmem:s6+$0xFFFFFF80];
	v6 =	vmul.f32 $8.000000000e+00, v7;
	v20 =	vadd.s32 v0, v5  }
0x1dc: {  	v21 =	vld [tilespmem:s6+$0xFFFFFFC0];
	s12 =	simm.s32 $0x6;
	v10 =	vmul.f32 $8.000000000e+00, v10;
	v7 =	vmul.f32 $8.000000000e+00, v11;
	v11 =	vmov s11  }
0x1dd: {  	v23 =	vadd.s32 v0, v4;
	[tilespmem:v12+s31+$0x0] =	vst.idx.msk $0xffff, v6;
	v12 =	vmov s12;
	v6 =	vand.u32 $0x7D, v11;
	v11 =	vld [tilespmem:s6+$0x0]  }
0x1de: {  	[tilespmem:v13+s31+$0x0] =	vst.idx.msk $0xffff, v7;
	v13 =	vadd.s32 v0, v6;
	v7 =	vand.u32 $0x7E, v12;
	v12 =	vmul.f32 $8.000000000e+00, v14;
	v14 =	vld [tilespmem:s15+$0xFFFFFFE0]  }
0x1df: {  	[tilespmem:v16+s31+$0x0] =	vst.idx.msk $0xffff, v10;
	v10 =	vadd.s32 v0, v7;
	v16 =	vld [tilespmem:s15+$0x20];
	v18 =	vmul.f32 $8.000000000e+00, v18  }
0x1e0: {  	v19 =	vmul.f32 $8.000000000e+00, v19;
	[tilespmem:v20+s31+$0x0] =	vst.idx.msk $0xffff, v12;
	v12 =	vld [tilespmem:s15+$0xFFFFFFA0];
	v20 =	vadd.s32 v2, v15  }
0x1e1: {  	v25 =	vadd.s32 v2, v17;
	v21 =	vmul.f32 $8.000000000e+00, v21;
	v24 =	vld [tilespmem:s6+$0x50];
	[tilespmem:v22+s31+$0x0] =	vst.idx.msk $0xffff, v18  }
0x1e2: {  	[tilespmem:v23+s31+$0x0] =	vst.idx.msk $0xffff, v19;
	v19 =	vadd.s32 v2, v8;
	v11 =	vmul.f32 $8.000000000e+00, v11;
	v22 =	vld [tilespmem:s15+$0x70]  }
0x1e3: {  	v23 =	vld [tilespmem:s6+$0xFFFFFF90];
	[tilespmem:v13+s31+$0x0] =	vst.idx.msk $0xffff, v21;
	v21 =	vadd.s32 v1, v5;
	v14 =	vmul.f32 $8.000000000e+00, v14  }
0x1e4: {  	v27 =	vadd.s32 v3, v9;
	v26 =	vld [tilespmem:s6+$0xFFFFFFD0];
	[tilespmem:v10+s31+$0x0] =	vst.idx.msk $0xffff, v11;
	v10 =	vmul.f32 $8.000000000e+00, v16  }
0x1e5: {  	v18 =	vadd.s32 v1, v4;
	v13 =	vld [tilespmem:s6+$0x10];
	v9 =	vmul.f32 $8.000000000e+00, v12;
	[tilespmem:v20+s31+$0x0] =	vst.idx.msk $0xffff, v14  }
0x1e6: {  	s11 =	simm.s32 $0x8;
	v16 =	vadd.s32 v1, v6;
	[tilespmem:v25+s31+$0x0] =	vst.idx.msk $0xffff, v10;
	v14 =	vmul.f32 $8.000000000e+00, v24;
	v12 =	vld [tilespmem:s15+$0xFFFFFFF0]  }
0x1e7: {  	v20 =	vmov s11;
	v10 =	vadd.s32 v1, v7;
	v11 =	vld [tilespmem:s15+$0x30];
	[tilespmem:v19+s31+$0x0] =	vst.idx.msk $0xffff, v9;
	v63 =	vmul.f32 $8.000000000e+00, v22  }
0x1e8: {  	s10 =	simm.s32 $0xC680;
	s16 =	simm.s32 $0xB;
	v15 =	vadd.s32 v3, v15;
	v9 =	vand.u32 $0x7C, v20;
	v20 =	vmul.f32 $8.000000000e+00, v23;
	[tilespmem:v21+s31+$0x0] =	vst.idx.msk $0xffff, v14;
	v14 =	vld [tilespmem:s15+$0xFFFFFFB0]  }
0x1e9: {  	v17 =	vadd.s32 v3, v17;
	v22 =	vmov s16;
	v19 =	vld [tilespmem:s10+$0x40];
	s15 =	simm.s32 $0xC;
	v21 =	vmul.f32 $8.000000000e+00, v26;
	[tilespmem:v27+s31+$0x0] =	vst.idx.msk $0xffff, v63  }
.LBB2_15:
0x1ea: {  	p1 =	slt.u32 s15, $0x7C;
	s12 =	sadd.s32 $0x1, s11;
	v22 =	vand.u32 $0x7F, v22;
	[tilespmem:v18+s31+$0x0] =	vst.idx.msk $0xffff, v20;
	v13 =	vmul.f32 $8.000000000e+00, v13;
	v18 =	vld [tilespmem:s6+$0x60];
	v20 =	vadd.s32 v3, v8;
	v8 =	vmovc v4  }
0x1eb: {  	v4 =	vmovc v9;
	v23 =	vld [tilespmem:s10+$0xFFFFFF80];
	v24 =	vmov s12;
	s12 =	sadd.s32 $0x2, s11;
	v25 =	vadd.s32 v0, v22;
	[tilespmem:v16+s31+$0x0] =	vst.idx.msk $0xffff, v21;
	v12 =	vmul.f32 $8.000000000e+00, v12;
	s11 =	smov.u32 s15  }
0x1ec: {  	v9 =	vld [tilespmem:s10+$0xFFFFFFC0];
	v16 =	vmov s12;
	[tilespmem:v10+s31+$0x0] =	vst.idx.msk $0xffff, v13;
	v10 =	vadd.s32 v2, v5;
	v11 =	vmul.f32 $8.000000000e+00, v11  }
0x1ed: {  	v13 =	vadd.s32 v0, v4;
	v21 =	vand.u32 $0x7D, v24;
	v24 =	vld [tilespmem:s10+$0x0];
	v14 =	vmul.f32 $8.000000000e+00, v14;
	[tilespmem:v15+s31+$0x0] =	vst.idx.msk $0xffff, v12  }
0x1ee: {  	v12 =	vadd.s32 v0, v21;
	v26 =	vand.u32 $0x7E, v16;
	v15 =	vmul.f32 $8.000000000e+00, v19;
	v16 =	vld [tilespmem:s6+$0xFFFFFFE0];
	[tilespmem:v17+s31+$0x0] =	vst.idx.msk $0xffff, v11  }
0x1ef: {  	v11 =	vadd.s32 v0, v26;
	v17 =	vld [tilespmem:s6+$0x20];
	v18 =	vmul.f32 $8.000000000e+00, v18;
	[tilespmem:v20+s31+$0x0] =	vst.idx.msk $0xffff, v14  }
0x1f0: {  	v19 =	vadd.s32 v2, v6;
	v14 =	vmul.f32 $8.000000000e+00, v23;
	[tilespmem:v25+s31+$0x0] =	vst.idx.msk $0xffff, v15;
	v15 =	vld [tilespmem:s6+$0xFFFFFFA0]  }
0x1f1: {  	v23 =	vadd.s32 v2, v7;
	v9 =	vmul.f32 $8.000000000e+00, v9;
	v20 =	vld [tilespmem:s10+$0x50];
	[tilespmem:v10+s31+$0x0] =	vst.idx.msk $0xffff, v18  }
0x1f2: {  	[tilespmem:v13+s31+$0x0] =	vst.idx.msk $0xffff, v14;
	v10 =	vmul.f32 $8.000000000e+00, v24;
	v14 =	vadd.s32 v2, v8;
	v24 =	vld [tilespmem:s6+$0x70]  }
0x1f3: {  	v27 =	vadd.s32 v1, v22;
	v25 =	vld [tilespmem:s10+$0xFFFFFF90];
	[tilespmem:v12+s31+$0x0] =	vst.idx.msk $0xffff, v9;
	v9 =	vmul.f32 $8.000000000e+00, v16  }
0x1f4: {  	v29 =	vadd.s32 v3, v5;
	v5 =	vmov v22;
	v28 =	vld [tilespmem:s10+$0xFFFFFFD0];
	[tilespmem:v11+s31+$0x0] =	vst.idx.msk $0xffff, v10;
	v10 =	vmul.f32 $8.000000000e+00, v17  }
.Ltmp6:
0x1f5: {  	v18 =	vadd.s32 v1, v4;
	v13 =	vld [tilespmem:s10+$0x10];
	v11 =	vmul.f32 $8.000000000e+00, v15;
	[tilespmem:v19+s31+$0x0] =	vst.idx.msk $0xffff, v9;
	(pc) =	sbr.rel @p1 .LBB2_15-.Ltmp6, $4  }
0x1f6: {  	v16 =	vadd.s32 v1, v21;
	v15 =	vmul.f32 $8.000000000e+00, v20;
	v12 =	vld [tilespmem:s6+$0xFFFFFFF0];
	[tilespmem:v23+s31+$0x0] =	vst.idx.msk $0xffff, v10  }
0x1f7: {  	v9 =	vmov s15;
	v10 =	vadd.s32 v1, v26;
	[tilespmem:v14+s31+$0x0] =	vst.idx.msk $0xffff, v11;
	v11 =	vld [tilespmem:s6+$0x30];
	v23 =	vmul.f32 $8.000000000e+00, v24  }
0x1f8: {  	s12 =	sadd.s32 $0x3, s15;
	v9 =	vand.u32 $0x7C, v9;
	v20 =	vmul.f32 $8.000000000e+00, v25;
	[tilespmem:v27+s31+$0x0] =	vst.idx.msk $0xffff, v15;
	v14 =	vld [tilespmem:s6+$0xFFFFFFB0];
	v15 =	vadd.s32 v3, v6;
	v6 =	vmovc v21;
	s6 =	smov.u32 s10;
	s10 =	sadd.s32 $0x100, s10  }
0x1f9: {  	v22 =	vmov s12;
	v17 =	vadd.s32 v3, v7;
	v7 =	vmovc v26;
	s15 =	sadd.s32 $0x4, s15;
	v19 =	vld [tilespmem:s10+$0x40];
	v21 =	vmul.f32 $8.000000000e+00, v28;
	[tilespmem:v29+s31+$0x0] =	vst.idx.msk $0xffff, v23  }
0x1fa: {  	s12 =	sadd.s32 $0x1, s11;
	v22 =	vand.u32 $0x7F, v22;
	v28 =	vld [tilespmem:s10+$0xFFFFFF80]  }
0x1fb: {  	s15 =	sadd.s32 $0x2, s11;
	v24 =	vld [tilespmem:s10+$0xFFFFFFC0];
	v23 =	vmov s12;
	v25 =	vadd.s32 v0, v22  }
0x1fc: {  	v27 =	vld [tilespmem:s10+$0x0];
	v51 =	vadd.s32 v0, v9;
	v26 =	vmov s15;
	v23 =	vand.u32 $0x7D, v23  }
0x1fd: {  	v26 =	vand.u32 $0x7E, v26;
	v29 =	vadd.s32 v0, v23  }
0x1fe: {  	[tilespmem:v18+s31+$0x0] =	vst.idx.msk $0xffff, v20;
	v30 =	vadd.s32 v0, v26;
	v19 =	vmul.f32 $8.000000000e+00, v19  }
0x1ff: {  	[tilespmem:v16+s31+$0x0] =	vst.idx.msk $0xffff, v21;
	v54 =	vmul.f32 $8.000000000e+00, v28  }
0x200: {  	v52 =	vmul.f32 $8.000000000e+00, v24;
	[tilespmem:v25+s31+$0x0] =	vst.idx.msk $0xffff, v19  }
0x201: {  	v53 =	vmul.f32 $8.000000000e+00, v27;
	v55 =	vld [tilespmem:s10+$0x50];
	[tilespmem:v51+s31+$0x0] =	vst.idx.msk $0xffff, v54  }
0x202: {  	v13 =	vmul.f32 $8.000000000e+00, v13;
	v8 =	vadd.s32 v3, v8;
	[tilespmem:v29+s31+$0x0] =	vst.idx.msk $0xffff, v52;
	v59 =	vld [tilespmem:s10+$0xFFFFFF90]  }
0x203: {  	v12 =	vmul.f32 $8.000000000e+00, v12;
	v57 =	vadd.s32 v1, v22;
	[tilespmem:v30+s31+$0x0] =	vst.idx.msk $0xffff, v53;
	v56 =	vld [tilespmem:s10+$0xFFFFFFD0]  }
0x204: {  	[tilespmem:v10+s31+$0x0] =	vst.idx.msk $0xffff, v13;
	v58 =	vmul.f32 $8.000000000e+00, v11;
	v28 =	vadd.s32 v1, v9;
	v19 =	vld [tilespmem:s10+$0x10]  }
0x205: {  	v61 =	vld [tilespmem:s6+$0x60];
	v60 =	vadd.s32 v1, v23;
	v14 =	vmul.f32 $8.000000000e+00, v14;
	[tilespmem:v15+s31+$0x0] =	vst.idx.msk $0xffff, v12  }
0x206: {  	v32 =	vld [tilespmem:s6+$0xFFFFFFA0];
	v62 =	vadd.s32 v1, v26;
	[tilespmem:v17+s31+$0x0] =	vst.idx.msk $0xffff, v58;
	v16 =	vmul.f32 $8.000000000e+00, v55  }
0x207: {  	[tilespmem:v8+s31+$0x0] =	vst.idx.msk $0xffff, v14;
	v29 =	vadd.s32 v2, v5;
	v30 =	vld [tilespmem:s6+$0x20];
	v11 =	vmul.f32 $8.000000000e+00, v59  }
0x208: {  	v38 =	vadd.s32 v2, v4;
	v63 =	vld [tilespmem:s6+$0xFFFFFFE0];
	v31 =	vmul.f32 $8.000000000e+00, v56;
	[tilespmem:v57+s31+$0x0] =	vst.idx.msk $0xffff, v16  }
0x209: {  	v35 =	vadd.s32 v2, v7;
	v34 =	vmul.f32 $8.000000000e+00, v19;
	v36 =	vld [tilespmem:s10+$0x60];
	[tilespmem:v28+s31+$0x0] =	vst.idx.msk $0xffff, v11  }
0x20a: {  	v33 =	vadd.s32 v2, v6;
	v37 =	vmul.f32 $8.000000000e+00, v61;
	[tilespmem:v60+s31+$0x0] =	vst.idx.msk $0xffff, v31;
	v43 =	vld [tilespmem:s10+$0xFFFFFFA0]  }
0x20b: {  	v40 =	vadd.s32 v2, v22;
	v14 =	vmul.f32 $8.000000000e+00, v32;
	[tilespmem:v62+s31+$0x0] =	vst.idx.msk $0xffff, v34;
	v39 =	vld [tilespmem:s10+$0xFFFFFFE0]  }
0x20c: {  	v48 =	vadd.s32 v2, v9;
	[tilespmem:v29+s31+$0x0] =	vst.idx.msk $0xffff, v37;
	v42 =	vmul.f32 $8.000000000e+00, v30;
	v41 =	vld [tilespmem:s10+$0x20]  }
0x20d: {  	v44 =	vadd.s32 v2, v23;
	v15 =	vmul.f32 $8.000000000e+00, v63;
	[tilespmem:v38+s31+$0x0] =	vst.idx.msk $0xffff, v14;
	v45 =	vld [tilespmem:s6+$0x70]  }
0x20e: {  	v46 =	vadd.s32 v2, v26;
	v14 =	vld [tilespmem:s6+$0xFFFFFFB0];
	[tilespmem:v35+s31+$0x0] =	vst.idx.msk $0xffff, v42;
	v47 =	vmul.f32 $8.000000000e+00, v36  }
0x20f: {  	v5 =	vadd.s32 v3, v5;
	[tilespmem:v33+s31+$0x0] =	vst.idx.msk $0xffff, v15;
	v49 =	vld [tilespmem:s6+$0x30];
	v53 =	vmul.f32 $8.000000000e+00, v43  }
0x210: {  	v4 =	vadd.s32 v3, v4;
	v21 =	vld [tilespmem:s6+$0xFFFFFFF0];
	v12 =	vmul.f32 $8.000000000e+00, v39;
	[tilespmem:v40+s31+$0x0] =	vst.idx.msk $0xffff, v47  }
0x211: {  	v52 =	vadd.s32 v3, v7;
	v51 =	vmul.f32 $8.000000000e+00, v41;
	v10 =	vld [tilespmem:s10+$0x70];
	[tilespmem:v48+s31+$0x0] =	vst.idx.msk $0xffff, v53  }
0x212: {  	v50 =	vadd.s32 v3, v6;
	v54 =	vmul.f32 $8.000000000e+00, v45;
	[tilespmem:v44+s31+$0x0] =	vst.idx.msk $0xffff, v12;
	v59 =	vld [tilespmem:s10+$0xFFFFFFB0]  }
0x213: {  	v57 =	vadd.s32 v3, v22;
	v14 =	vmul.f32 $8.000000000e+00, v14;
	[tilespmem:v46+s31+$0x0] =	vst.idx.msk $0xffff, v51;
	v55 =	vld [tilespmem:s10+$0xFFFFFFF0]  }
0x214: {  	v62 =	vadd.s32 v3, v9;
	[tilespmem:v5+s31+$0x0] =	vst.idx.msk $0xffff, v54;
	v5 =	vmul.f32 $8.000000000e+00, v49;
	v58 =	vld [tilespmem:s10+$0x30]  }
0x215: {  	v56 =	vmul.f32 $8.000000000e+00, v21;
	v60 =	vadd.s32 v3, v23;
	[tilespmem:v4+s31+$0x0] =	vst.idx.msk $0xffff, v14  }
0x216: {  	v61 =	vadd.s32 v3, v26;
	[tilespmem:v52+s31+$0x0] =	vst.idx.msk $0xffff, v5;
	v5 =	vmul.f32 $8.000000000e+00, v10  }
0x217: {  	[tilespmem:v50+s31+$0x0] =	vst.idx.msk $0xffff, v56;
	v63 =	vmul.f32 $8.000000000e+00, v59  }
0x218: {  	v4 =	vmul.f32 $8.000000000e+00, v55;
	[tilespmem:v57+s31+$0x0] =	vst.idx.msk $0xffff, v5  }
0x219: {  	v5 =	vmul.f32 $8.000000000e+00, v58;
	[tilespmem:v62+s31+$0x0] =	vst.idx.msk $0xffff, v63  }
0x21a: {  	[tilespmem:v60+s31+$0x0] =	vst.idx.msk $0xffff, v4  }
0x21b: {  	[tilespmem:v61+s31+$0x0] =	vst.idx.msk $0xffff, v5  }
0x21c: {  	s16 =	sadd.s32 s19, s9;
	_ =	swait.ge [sflag:s1], $0x2000  }
0x21d: {  	s11 =	simm.s32 @!p0 $0xA400;
	s19 =	sshll.u32 s16, $0x7;
	[sflag:s1] =	ssyncset.done $0x0  }
0x21e: {  	s6 =	sadd.s32 @!p0 $0x380, s20;
	s10 =	simm.s32 @!p0 $0x80;
	[sflag:s1] =	ssyncadd.s32 $0xFFFFE000  }
0x21f: {  	[tilespmem:s11], [sflag:$0x3] =	stream.indirect.gather @!p0 [hbm4b:s5+s10], $0x40, s6, s10, $0xb8;
	[tilespmem:$0x1AE00] =	vst v63  }
0x220: {  	s6 =	sshll.u32 s16, $0xA;
	s10 =	sand.u32 $0xF80, s19  }
0x221: {  	s6 =	sand.u32 $0xFFF8000, s6;
	s10 =	sadd.s32 s2, s10  }
0x222: {  	s11 =	simm.s32 $0x16A00;
	s10 =	sadd.s32 s6, s10  }
0x223: {  	[hbm4b:s10+s3] =	stream.linear.scatter [tilespmem:s11], [sflag:$0x9], $0x80, $0x38;
	[tilespmem:$0x1AE00] =	vst v63  }
0x224: {  	s12 =	simm.s32 $0x16A88;
	s15 =	sadd.s32 $0x10, s10  }
0x225: {  	[hbm4b:s15+s3] =	stream.linear.scatter [tilespmem:s12], [sflag:$0x9], $0x80, $0x38;
	[tilespmem:$0x1AE00] =	vst v63  }
0x226: {  	s16 =	simm.s32 $0x16B10;
	s6 =	simm.s32 $0x440;
	s19 =	sadd.s32 $0x20, s10  }
0x227: {  	[hbm4b:s19+s3] =	stream.linear.scatter [tilespmem:s16], [sflag:$0x9], $0x80, $0x38;
	[tilespmem:$0x1AE00] =	vst v63  }
0x228: {  	s11 =	simm.s32 $0x2200;
	s12 =	simm.s32 $0x16B98;
	s15 =	sadd.s32 $0x30, s10  }
0x229: {  	[hbm4b:s15+s3] =	stream.linear.scatter [tilespmem:s12], [sflag:$0x9], $0x80, $0x38;
	[tilespmem:$0x1AE00] =	vst v63  }
0x22a: {  	s16 =	simm.s32 $0x16C20;
	s19 =	sadd.s32 $0x40, s10;
	s12 =	simm.s32 $0x16CA8  }
0x22b: {  	[hbm4b:s19+s3] =	stream.linear.scatter [tilespmem:s16], [sflag:$0x9], $0x80, $0x38;
	[tilespmem:$0x1AE00] =	vst v63  }
0x22c: {  	s15 =	sadd.s32 $0x50, s10;
	s16 =	simm.s32 $0x16D30;
	s19 =	sadd.s32 $0x60, s10  }
0x22d: {  	[hbm4b:s15+s3] =	stream.linear.scatter [tilespmem:s12], [sflag:$0x9], $0x80, $0x38;
	[tilespmem:$0x1AE00] =	vst v63  }
0x22e: {  	s15 =	simm.s32 $0x16DB8;
	s12 =	sadd.s32 $0x70, s10;
	s10 =	sadd.s32 $0x1000, s10  }
0x22f: {  	[hbm4b:s19+s3] =	stream.linear.scatter [tilespmem:s16], [sflag:$0x9], $0x80, $0x38;
	[tilespmem:$0x1AE00] =	vst v63  }
.LBB2_17:
0x230: {  	[hbm4b:s12+s3] =	stream.linear.scatter [tilespmem:s15], [sflag:$0x9], $0x80, $0x38;
	[tilespmem:$0x1AE00] =	vst v63  }
0x231: {  	s12 =	smov.u32 s6;
	s6 =	smov.u32 s11  }
0x232: {  	s16 =	sadd.s32 $0x1100, s11;
	s6 =	sshra.s32 s6, $0x2;
	s15 =	sadd.s32 $0x16A00, s12  }
0x233: {  	[hbm4b:s10+s3] =	stream.linear.scatter [tilespmem:s15], [sflag:$0x9], $0x80, $0x38;
	[tilespmem:$0x1AE00] =	vst v63  }
0x234: {  	p1 =	sne.s32 s11, $0x7700;
	s11 =	sadd.s32 $0x16A88, s12;
	s15 =	sadd.s32 $0x10, s10  }
0x235: {  	[hbm4b:s15+s3] =	stream.linear.scatter [tilespmem:s11], [sflag:$0x9], $0x80, $0x38;
	[tilespmem:$0x1AE00] =	vst v63  }
0x236: {  	s11 =	sadd.s32 $0x16B10, s12;
	s15 =	sadd.s32 $0x20, s10  }
0x237: {  	[hbm4b:s15+s3] =	stream.linear.scatter [tilespmem:s11], [sflag:$0x9], $0x80, $0x38;
	[tilespmem:$0x1AE00] =	vst v63  }
0x238: {  	s11 =	sadd.s32 $0x16B98, s12;
	s15 =	sadd.s32 $0x30, s10  }
0x239: {  	[hbm4b:s15+s3] =	stream.linear.scatter [tilespmem:s11], [sflag:$0x9], $0x80, $0x38;
	[tilespmem:$0x1AE00] =	vst v63  }
0x23a: {  	s11 =	sadd.s32 $0x16C20, s12;
	s15 =	sadd.s32 $0x40, s10  }
0x23b: {  	[hbm4b:s15+s3] =	stream.linear.scatter [tilespmem:s11], [sflag:$0x9], $0x80, $0x38;
	[tilespmem:$0x1AE00] =	vst v63  }
0x23c: {  	s11 =	sadd.s32 $0x16CA8, s12;
	s15 =	sadd.s32 $0x50, s10  }
0x23d: {  	[hbm4b:s15+s3] =	stream.linear.scatter [tilespmem:s11], [sflag:$0x9], $0x80, $0x38;
	[tilespmem:$0x1AE00] =	vst v63  }
.Ltmp7:
0x23e: {  	_ = 	snop;
	(pc) =	sbr.rel @p1 .LBB2_17-.Ltmp7, $4  }
0x23f: {  	s11 =	sadd.s32 $0x16D30, s12;
	s15 =	sadd.s32 $0x60, s10  }
0x240: {  	[hbm4b:s15+s3] =	stream.linear.scatter [tilespmem:s11], [sflag:$0x9], $0x80, $0x38;
	[tilespmem:$0x1AE00] =	vst v63  }
0x241: {  	s15 =	sadd.s32 $0x16DB8, s12  }
0x242: {  	s12 =	sadd.s32 $0x70, s10;
	s10 =	sadd.s32 $0x1000, s10;
	s11 =	smov.u32 s16  }
0x243: {  	[hbm4b:s12+s3] =	stream.linear.scatter [tilespmem:s15], [sflag:$0x9], $0x80, $0x38;
	[tilespmem:$0x1AE00] =	vst v63  }
0x244: {  	s11 =	sadd.s32 $0x16A00, s6  }
0x245: {  	[hbm4b:s10+s3] =	stream.linear.scatter [tilespmem:s11], [sflag:$0x9], $0x80, $0x38;
	[tilespmem:$0x1AE00] =	vst v63  }
0x246: {  	s12 =	sadd.s32 $0x16A88, s6;
	s15 =	sadd.s32 $0x10, s10  }
0x247: {  	[hbm4b:s15+s3] =	stream.linear.scatter [tilespmem:s12], [sflag:$0x9], $0x80, $0x38;
	[tilespmem:$0x1AE00] =	vst v63  }
0x248: {  	s16 =	sadd.s32 $0x16B10, s6;
	s19 =	sadd.s32 $0x20, s10  }
0x249: {  	[hbm4b:s19+s3] =	stream.linear.scatter [tilespmem:s16], [sflag:$0x9], $0x80, $0x38;
	[tilespmem:$0x1AE00] =	vst v63  }
0x24a: {  	s12 =	sadd.s32 $0x16B98, s6;
	s15 =	sadd.s32 $0x30, s10  }
0x24b: {  	[hbm4b:s15+s3] =	stream.linear.scatter [tilespmem:s12], [sflag:$0x9], $0x80, $0x38;
	[tilespmem:$0x1AE00] =	vst v63  }
0x24c: {  	s16 =	sadd.s32 $0x16C20, s6;
	s19 =	sadd.s32 $0x40, s10  }
0x24d: {  	[hbm4b:s19+s3] =	stream.linear.scatter [tilespmem:s16], [sflag:$0x9], $0x80, $0x38;
	[tilespmem:$0x1AE00] =	vst v63  }
0x24e: {  	s12 =	sadd.s32 $0x16CA8, s6;
	s15 =	sadd.s32 $0x50, s10  }
0x24f: {  	[hbm4b:s15+s3] =	stream.linear.scatter [tilespmem:s12], [sflag:$0x9], $0x80, $0x38;
	[tilespmem:$0x1AE00] =	vst v63  }
0x250: {  	s16 =	sadd.s32 $0x16D30, s6;
	s19 =	sadd.s32 $0x60, s10  }
0x251: {  	[hbm4b:s19+s3] =	stream.linear.scatter [tilespmem:s16], [sflag:$0x9], $0x80, $0x38;
	[tilespmem:$0x1AE00] =	vst v63  }
0x252: {  	s15 =	sadd.s32 $0x16DB8, s6;
	s16 =	sadd.s32 $0x70, s10  }
0x253: {  	[hbm4b:s16+s3] =	stream.linear.scatter [tilespmem:s15], [sflag:$0x9], $0x80, $0x38;
	[tilespmem:$0x1AE00] =	vst v63  }
0x254: {  	_ =	swait.ge [sflag:s0], $0x2000  }
0x255: {  	[sflag:s0] =	ssyncset.done $0x0  }
0x256: {  	s19 =	simm.s32 $0x3;
	s15 =	simm.s32 $0xE480;
	[sflag:s0] =	ssyncadd.s32 $0xFFFFE000  }
0x257: {  	v4 =	vmov s19;
	v5 =	vld [tilespmem:s15+$0x40]  }
0x258: {  	v9 =	vand.u32 $0x7F, v4  }
0x259: {  	s10 =	simm.s32 $0x0;
	v4 =	vadd.s32 v0, v9  }
0x25a: {  	s11 =	simm.s32 $0x1;
	s12 =	simm.s32 $0x2;
	v6 =	vmov s10;
	v7 =	vld [tilespmem:s15+$0xFFFFFF80]  }
0x25b: {  	v11 =	vmov s12;
	v8 =	vand.u32 $0x7C, v6;
	v6 =	vmov s11;
	v10 =	vld [tilespmem:s15+$0xFFFFFFC0]  }
0x25c: {  	v12 =	vadd.s32 v0, v8;
	v15 =	vand.u32 $0x7D, v6;
	v6 =	vld [tilespmem:s15+$0x0];
	v5 =	vmul.f32 $8.000000000e+00, v5  }
0x25d: {  	v17 =	vand.u32 $0x7E, v11;
	v13 =	vadd.s32 v0, v15  }
0x25e: {  	v11 =	vadd.s32 v0, v17;
	[tilespmem:v4+s13+$0x0] =	vst.idx.msk $0xffff, v5  }
0x25f: {  	v4 =	vmul.f32 $8.000000000e+00, v7;
	v5 =	vld [tilespmem:s15+$0x50]  }
0x260: {  	v7 =	vmul.f32 $8.000000000e+00, v10  }
0x261: {  	[tilespmem:v12+s13+$0x0] =	vst.idx.msk $0xffff, v4;
	v4 =	vmul.f32 $8.000000000e+00, v6;
	v6 =	vadd.s32 v1, v9  }
0x262: {  	[tilespmem:v13+s13+$0x0] =	vst.idx.msk $0xffff, v7;
	v10 =	vld [tilespmem:s15+$0xFFFFFF90]  }
0x263: {  	v7 =	vld [tilespmem:s15+$0xFFFFFFD0];
	[tilespmem:v11+s13+$0x0] =	vst.idx.msk $0xffff, v4  }
0x264: {  	v11 =	vld [tilespmem:s15+$0x10];
	v4 =	vmul.f32 $8.000000000e+00, v5  }
0x265: {  	s6 =	simm.s32 $0xE580;
	s19 =	simm.s32 $0x7;
	s16 =	simm.s32 $0x4;
	v12 =	vadd.s32 v1, v15  }
0x266: {  	v14 =	vld [tilespmem:s6+$0x40];
	v13 =	vadd.s32 v1, v17;
	v5 =	vmov s16;
	[tilespmem:v6+s13+$0x0] =	vst.idx.msk $0xffff, v4;
	v6 =	vmov s19  }
0x267: {  	v16 =	vadd.s32 v1, v8;
	v4 =	vand.u32 $0x7C, v5;
	v5 =	vand.u32 $0x7F, v6;
	v18 =	vld [tilespmem:s15+$0x60]  }
0x268: {  	s12 =	simm.s32 $0x5;
	v22 =	vadd.s32 v2, v9;
	v19 =	vld [tilespmem:s6+$0xFFFFFF80];
	v6 =	vmul.f32 $8.000000000e+00, v7;
	v20 =	vadd.s32 v0, v5  }
0x269: {  	v21 =	vld [tilespmem:s6+$0xFFFFFFC0];
	s16 =	simm.s32 $0x6;
	v10 =	vmul.f32 $8.000000000e+00, v10;
	v7 =	vmul.f32 $8.000000000e+00, v11;
	v11 =	vmov s12  }
0x26a: {  	v23 =	vadd.s32 v0, v4;
	[tilespmem:v12+s13+$0x0] =	vst.idx.msk $0xffff, v6;
	v12 =	vmov s16;
	v6 =	vand.u32 $0x7D, v11;
	v11 =	vld [tilespmem:s6+$0x0]  }
0x26b: {  	[tilespmem:v13+s13+$0x0] =	vst.idx.msk $0xffff, v7;
	v13 =	vadd.s32 v0, v6;
	v7 =	vand.u32 $0x7E, v12;
	v12 =	vmul.f32 $8.000000000e+00, v14;
	v14 =	vld [tilespmem:s15+$0xFFFFFFE0]  }
0x26c: {  	[tilespmem:v16+s13+$0x0] =	vst.idx.msk $0xffff, v10;
	v10 =	vadd.s32 v0, v7;
	v16 =	vld [tilespmem:s15+$0x20];
	v18 =	vmul.f32 $8.000000000e+00, v18  }
0x26d: {  	v19 =	vmul.f32 $8.000000000e+00, v19;
	[tilespmem:v20+s13+$0x0] =	vst.idx.msk $0xffff, v12;
	v12 =	vld [tilespmem:s15+$0xFFFFFFA0];
	v20 =	vadd.s32 v2, v15  }
0x26e: {  	v25 =	vadd.s32 v2, v17;
	v21 =	vmul.f32 $8.000000000e+00, v21;
	v24 =	vld [tilespmem:s6+$0x50];
	[tilespmem:v22+s13+$0x0] =	vst.idx.msk $0xffff, v18  }
0x26f: {  	[tilespmem:v23+s13+$0x0] =	vst.idx.msk $0xffff, v19;
	v19 =	vadd.s32 v2, v8;
	v11 =	vmul.f32 $8.000000000e+00, v11;
	v22 =	vld [tilespmem:s15+$0x70]  }
0x270: {  	v23 =	vld [tilespmem:s6+$0xFFFFFF90];
	[tilespmem:v13+s13+$0x0] =	vst.idx.msk $0xffff, v21;
	v21 =	vadd.s32 v1, v5;
	v14 =	vmul.f32 $8.000000000e+00, v14  }
0x271: {  	v27 =	vadd.s32 v3, v9;
	v26 =	vld [tilespmem:s6+$0xFFFFFFD0];
	[tilespmem:v10+s13+$0x0] =	vst.idx.msk $0xffff, v11;
	v10 =	vmul.f32 $8.000000000e+00, v16  }
0x272: {  	v18 =	vadd.s32 v1, v4;
	v13 =	vld [tilespmem:s6+$0x10];
	v9 =	vmul.f32 $8.000000000e+00, v12;
	[tilespmem:v20+s13+$0x0] =	vst.idx.msk $0xffff, v14  }
0x273: {  	s11 =	simm.s32 $0x8;
	v16 =	vadd.s32 v1, v6;
	[tilespmem:v25+s13+$0x0] =	vst.idx.msk $0xffff, v10;
	v14 =	vmul.f32 $8.000000000e+00, v24;
	v12 =	vld [tilespmem:s15+$0xFFFFFFF0]  }
0x274: {  	v20 =	vmov s11;
	v10 =	vadd.s32 v1, v7;
	v11 =	vld [tilespmem:s15+$0x30];
	[tilespmem:v19+s13+$0x0] =	vst.idx.msk $0xffff, v9;
	v63 =	vmul.f32 $8.000000000e+00, v22  }
0x275: {  	s10 =	simm.s32 $0xE680;
	s19 =	simm.s32 $0xB;
	v15 =	vadd.s32 v3, v15;
	v9 =	vand.u32 $0x7C, v20;
	v20 =	vmul.f32 $8.000000000e+00, v23;
	[tilespmem:v21+s13+$0x0] =	vst.idx.msk $0xffff, v14;
	v14 =	vld [tilespmem:s15+$0xFFFFFFB0]  }
0x276: {  	v17 =	vadd.s32 v3, v17;
	v22 =	vmov s19;
	v19 =	vld [tilespmem:s10+$0x40];
	s15 =	simm.s32 $0xC;
	v21 =	vmul.f32 $8.000000000e+00, v26;
	[tilespmem:v27+s13+$0x0] =	vst.idx.msk $0xffff, v63  }
.LBB2_19:
0x277: {  	p1 =	slt.u32 s15, $0x7C;
	s12 =	sadd.s32 $0x1, s11;
	v22 =	vand.u32 $0x7F, v22;
	[tilespmem:v18+s13+$0x0] =	vst.idx.msk $0xffff, v20;
	v13 =	vmul.f32 $8.000000000e+00, v13;
	v18 =	vld [tilespmem:s6+$0x60];
	v20 =	vadd.s32 v3, v8;
	v8 =	vmovc v4  }
0x278: {  	v4 =	vmovc v9;
	v23 =	vld [tilespmem:s10+$0xFFFFFF80];
	v24 =	vmov s12;
	s12 =	sadd.s32 $0x2, s11;
	v25 =	vadd.s32 v0, v22;
	[tilespmem:v16+s13+$0x0] =	vst.idx.msk $0xffff, v21;
	v12 =	vmul.f32 $8.000000000e+00, v12;
	s11 =	smov.u32 s15  }
0x279: {  	v9 =	vld [tilespmem:s10+$0xFFFFFFC0];
	v16 =	vmov s12;
	[tilespmem:v10+s13+$0x0] =	vst.idx.msk $0xffff, v13;
	v10 =	vadd.s32 v2, v5;
	v11 =	vmul.f32 $8.000000000e+00, v11  }
0x27a: {  	v13 =	vadd.s32 v0, v4;
	v21 =	vand.u32 $0x7D, v24;
	v24 =	vld [tilespmem:s10+$0x0];
	v14 =	vmul.f32 $8.000000000e+00, v14;
	[tilespmem:v15+s13+$0x0] =	vst.idx.msk $0xffff, v12  }
0x27b: {  	v12 =	vadd.s32 v0, v21;
	v26 =	vand.u32 $0x7E, v16;
	v15 =	vmul.f32 $8.000000000e+00, v19;
	v16 =	vld [tilespmem:s6+$0xFFFFFFE0];
	[tilespmem:v17+s13+$0x0] =	vst.idx.msk $0xffff, v11  }
0x27c: {  	v11 =	vadd.s32 v0, v26;
	v17 =	vld [tilespmem:s6+$0x20];
	v18 =	vmul.f32 $8.000000000e+00, v18;
	[tilespmem:v20+s13+$0x0] =	vst.idx.msk $0xffff, v14  }
0x27d: {  	v19 =	vadd.s32 v2, v6;
	v14 =	vmul.f32 $8.000000000e+00, v23;
	[tilespmem:v25+s13+$0x0] =	vst.idx.msk $0xffff, v15;
	v15 =	vld [tilespmem:s6+$0xFFFFFFA0]  }
0x27e: {  	v23 =	vadd.s32 v2, v7;
	v9 =	vmul.f32 $8.000000000e+00, v9;
	v20 =	vld [tilespmem:s10+$0x50];
	[tilespmem:v10+s13+$0x0] =	vst.idx.msk $0xffff, v18  }
0x27f: {  	[tilespmem:v13+s13+$0x0] =	vst.idx.msk $0xffff, v14;
	v10 =	vmul.f32 $8.000000000e+00, v24;
	v14 =	vadd.s32 v2, v8;
	v24 =	vld [tilespmem:s6+$0x70]  }
0x280: {  	v27 =	vadd.s32 v1, v22;
	v25 =	vld [tilespmem:s10+$0xFFFFFF90];
	[tilespmem:v12+s13+$0x0] =	vst.idx.msk $0xffff, v9;
	v9 =	vmul.f32 $8.000000000e+00, v16  }
0x281: {  	v29 =	vadd.s32 v3, v5;
	v5 =	vmov v22;
	v28 =	vld [tilespmem:s10+$0xFFFFFFD0];
	[tilespmem:v11+s13+$0x0] =	vst.idx.msk $0xffff, v10;
	v10 =	vmul.f32 $8.000000000e+00, v17  }
.Ltmp8:
0x282: {  	v18 =	vadd.s32 v1, v4;
	v13 =	vld [tilespmem:s10+$0x10];
	v11 =	vmul.f32 $8.000000000e+00, v15;
	[tilespmem:v19+s13+$0x0] =	vst.idx.msk $0xffff, v9;
	(pc) =	sbr.rel @p1 .LBB2_19-.Ltmp8, $4  }
0x283: {  	v16 =	vadd.s32 v1, v21;
	v15 =	vmul.f32 $8.000000000e+00, v20;
	v12 =	vld [tilespmem:s6+$0xFFFFFFF0];
	[tilespmem:v23+s13+$0x0] =	vst.idx.msk $0xffff, v10  }
0x284: {  	v9 =	vmov s15;
	v10 =	vadd.s32 v1, v26;
	[tilespmem:v14+s13+$0x0] =	vst.idx.msk $0xffff, v11;
	v11 =	vld [tilespmem:s6+$0x30];
	v23 =	vmul.f32 $8.000000000e+00, v24  }
0x285: {  	s12 =	sadd.s32 $0x3, s15;
	v9 =	vand.u32 $0x7C, v9;
	v20 =	vmul.f32 $8.000000000e+00, v25;
	[tilespmem:v27+s13+$0x0] =	vst.idx.msk $0xffff, v15;
	v14 =	vld [tilespmem:s6+$0xFFFFFFB0];
	v15 =	vadd.s32 v3, v6;
	v6 =	vmovc v21;
	s6 =	smov.u32 s10;
	s10 =	sadd.s32 $0x100, s10  }
0x286: {  	v22 =	vmov s12;
	v17 =	vadd.s32 v3, v7;
	v7 =	vmovc v26;
	s15 =	sadd.s32 $0x4, s15;
	v19 =	vld [tilespmem:s10+$0x40];
	v21 =	vmul.f32 $8.000000000e+00, v28;
	[tilespmem:v29+s13+$0x0] =	vst.idx.msk $0xffff, v23  }
0x287: {  	s12 =	sadd.s32 $0x1, s11;
	v22 =	vand.u32 $0x7F, v22;
	v28 =	vld [tilespmem:s10+$0xFFFFFF80]  }
0x288: {  	s16 =	sadd.s32 $0x2, s11;
	v24 =	vld [tilespmem:s10+$0xFFFFFFC0];
	v23 =	vmov s12;
	v25 =	vadd.s32 v0, v22  }
0x289: {  	v27 =	vld [tilespmem:s10+$0x0];
	v51 =	vadd.s32 v0, v9;
	v26 =	vmov s16;
	v23 =	vand.u32 $0x7D, v23  }
0x28a: {  	v26 =	vand.u32 $0x7E, v26;
	v29 =	vadd.s32 v0, v23  }
0x28b: {  	[tilespmem:v18+s13+$0x0] =	vst.idx.msk $0xffff, v20;
	v30 =	vadd.s32 v0, v26;
	v19 =	vmul.f32 $8.000000000e+00, v19  }
0x28c: {  	[tilespmem:v16+s13+$0x0] =	vst.idx.msk $0xffff, v21;
	v54 =	vmul.f32 $8.000000000e+00, v28  }
0x28d: {  	v52 =	vmul.f32 $8.000000000e+00, v24;
	[tilespmem:v25+s13+$0x0] =	vst.idx.msk $0xffff, v19  }
0x28e: {  	v53 =	vmul.f32 $8.000000000e+00, v27;
	v55 =	vld [tilespmem:s10+$0x50];
	[tilespmem:v51+s13+$0x0] =	vst.idx.msk $0xffff, v54  }
0x28f: {  	v13 =	vmul.f32 $8.000000000e+00, v13;
	v8 =	vadd.s32 v3, v8;
	[tilespmem:v29+s13+$0x0] =	vst.idx.msk $0xffff, v52;
	v59 =	vld [tilespmem:s10+$0xFFFFFF90]  }
0x290: {  	v12 =	vmul.f32 $8.000000000e+00, v12;
	v57 =	vadd.s32 v1, v22;
	[tilespmem:v30+s13+$0x0] =	vst.idx.msk $0xffff, v53;
	v56 =	vld [tilespmem:s10+$0xFFFFFFD0]  }
0x291: {  	[tilespmem:v10+s13+$0x0] =	vst.idx.msk $0xffff, v13;
	v58 =	vmul.f32 $8.000000000e+00, v11;
	v28 =	vadd.s32 v1, v9;
	v19 =	vld [tilespmem:s10+$0x10]  }
0x292: {  	v61 =	vld [tilespmem:s6+$0x60];
	v60 =	vadd.s32 v1, v23;
	v14 =	vmul.f32 $8.000000000e+00, v14;
	[tilespmem:v15+s13+$0x0] =	vst.idx.msk $0xffff, v12  }
0x293: {  	v32 =	vld [tilespmem:s6+$0xFFFFFFA0];
	v62 =	vadd.s32 v1, v26;
	[tilespmem:v17+s13+$0x0] =	vst.idx.msk $0xffff, v58;
	v16 =	vmul.f32 $8.000000000e+00, v55  }
0x294: {  	[tilespmem:v8+s13+$0x0] =	vst.idx.msk $0xffff, v14;
	v29 =	vadd.s32 v2, v5;
	v30 =	vld [tilespmem:s6+$0x20];
	v11 =	vmul.f32 $8.000000000e+00, v59  }
0x295: {  	v38 =	vadd.s32 v2, v4;
	v63 =	vld [tilespmem:s6+$0xFFFFFFE0];
	v31 =	vmul.f32 $8.000000000e+00, v56;
	[tilespmem:v57+s13+$0x0] =	vst.idx.msk $0xffff, v16  }
0x296: {  	v35 =	vadd.s32 v2, v7;
	v34 =	vmul.f32 $8.000000000e+00, v19;
	v36 =	vld [tilespmem:s10+$0x60];
	[tilespmem:v28+s13+$0x0] =	vst.idx.msk $0xffff, v11  }
0x297: {  	v33 =	vadd.s32 v2, v6;
	v37 =	vmul.f32 $8.000000000e+00, v61;
	[tilespmem:v60+s13+$0x0] =	vst.idx.msk $0xffff, v31;
	v43 =	vld [tilespmem:s10+$0xFFFFFFA0]  }
0x298: {  	v40 =	vadd.s32 v2, v22;
	v14 =	vmul.f32 $8.000000000e+00, v32;
	[tilespmem:v62+s13+$0x0] =	vst.idx.msk $0xffff, v34;
	v39 =	vld [tilespmem:s10+$0xFFFFFFE0]  }
0x299: {  	v48 =	vadd.s32 v2, v9;
	[tilespmem:v29+s13+$0x0] =	vst.idx.msk $0xffff, v37;
	v42 =	vmul.f32 $8.000000000e+00, v30;
	v41 =	vld [tilespmem:s10+$0x20]  }
0x29a: {  	v44 =	vadd.s32 v2, v23;
	v15 =	vmul.f32 $8.000000000e+00, v63;
	[tilespmem:v38+s13+$0x0] =	vst.idx.msk $0xffff, v14;
	v45 =	vld [tilespmem:s6+$0x70]  }
0x29b: {  	v46 =	vadd.s32 v2, v26;
	v14 =	vld [tilespmem:s6+$0xFFFFFFB0];
	[tilespmem:v35+s13+$0x0] =	vst.idx.msk $0xffff, v42;
	v47 =	vmul.f32 $8.000000000e+00, v36  }
0x29c: {  	v5 =	vadd.s32 v3, v5;
	[tilespmem:v33+s13+$0x0] =	vst.idx.msk $0xffff, v15;
	v49 =	vld [tilespmem:s6+$0x30];
	v53 =	vmul.f32 $8.000000000e+00, v43  }
0x29d: {  	v4 =	vadd.s32 v3, v4;
	v21 =	vld [tilespmem:s6+$0xFFFFFFF0];
	v12 =	vmul.f32 $8.000000000e+00, v39;
	[tilespmem:v40+s13+$0x0] =	vst.idx.msk $0xffff, v47  }
0x29e: {  	v52 =	vadd.s32 v3, v7;
	v51 =	vmul.f32 $8.000000000e+00, v41;
	v10 =	vld [tilespmem:s10+$0x70];
	[tilespmem:v48+s13+$0x0] =	vst.idx.msk $0xffff, v53  }
0x29f: {  	v50 =	vadd.s32 v3, v6;
	v54 =	vmul.f32 $8.000000000e+00, v45;
	[tilespmem:v44+s13+$0x0] =	vst.idx.msk $0xffff, v12;
	v59 =	vld [tilespmem:s10+$0xFFFFFFB0]  }
0x2a0: {  	v57 =	vadd.s32 v3, v22;
	v14 =	vmul.f32 $8.000000000e+00, v14;
	[tilespmem:v46+s13+$0x0] =	vst.idx.msk $0xffff, v51;
	v55 =	vld [tilespmem:s10+$0xFFFFFFF0]  }
0x2a1: {  	v62 =	vadd.s32 v3, v9;
	[tilespmem:v5+s13+$0x0] =	vst.idx.msk $0xffff, v54;
	v5 =	vmul.f32 $8.000000000e+00, v49;
	v58 =	vld [tilespmem:s10+$0x30]  }
0x2a2: {  	v56 =	vmul.f32 $8.000000000e+00, v21;
	v60 =	vadd.s32 v3, v23;
	[tilespmem:v4+s13+$0x0] =	vst.idx.msk $0xffff, v14  }
0x2a3: {  	v61 =	vadd.s32 v3, v26;
	[tilespmem:v52+s13+$0x0] =	vst.idx.msk $0xffff, v5;
	v5 =	vmul.f32 $8.000000000e+00, v10  }
0x2a4: {  	[tilespmem:v50+s13+$0x0] =	vst.idx.msk $0xffff, v56;
	v63 =	vmul.f32 $8.000000000e+00, v59  }
0x2a5: {  	v4 =	vmul.f32 $8.000000000e+00, v55;
	[tilespmem:v57+s13+$0x0] =	vst.idx.msk $0xffff, v5  }
0x2a6: {  	v5 =	vmul.f32 $8.000000000e+00, v58;
	[tilespmem:v62+s13+$0x0] =	vst.idx.msk $0xffff, v63  }
0x2a7: {  	[tilespmem:v60+s13+$0x0] =	vst.idx.msk $0xffff, v4  }
0x2a8: {  	[tilespmem:v61+s13+$0x0] =	vst.idx.msk $0xffff, v5  }
0x2a9: {  	s11 =	simm.s32 @!p0 $0xC400;
	_ =	swait.ge [sflag:s14], $0x2000  }
0x2aa: {  	s19 =	sadd.s32 s4, s18;
	s6 =	sadd.s32 @!p0 $0x400, s20;
	[sflag:s14] =	ssyncset.done $0x0  }
0x2ab: {  	s20 =	sshll.u32 s19, $0x7;
	s10 =	simm.s32 @!p0 $0x80;
	[sflag:s14] =	ssyncadd.s32 $0xFFFFE000  }
0x2ac: {  	[tilespmem:s11], [sflag:$0x4] =	stream.indirect.gather @!p0 [hbm4b:s5+s10], $0x40, s6, s10, $0xb8;
	[tilespmem:$0x1AE00] =	vst v63  }
0x2ad: {  	s6 =	sshll.u32 s19, $0xA;
	s10 =	sand.u32 $0xF80, s20  }
0x2ae: {  	s6 =	sand.u32 $0xFFF8000, s6;
	s10 =	sadd.s32 s2, s10  }
0x2af: {  	s11 =	simm.s32 $0x18C00;
	s10 =	sadd.s32 s6, s10  }
0x2b0: {  	[hbm4b:s10+s3] =	stream.linear.scatter [tilespmem:s11], [sflag:$0xA], $0x80, $0x38;
	[tilespmem:$0x1AE00] =	vst v63  }
0x2b1: {  	s12 =	simm.s32 $0x18C88;
	s15 =	sadd.s32 $0x10, s10  }
0x2b2: {  	[hbm4b:s15+s3] =	stream.linear.scatter [tilespmem:s12], [sflag:$0xA], $0x80, $0x38;
	[tilespmem:$0x1AE00] =	vst v63  }
0x2b3: {  	s16 =	simm.s32 $0x18D10;
	s19 =	simm.s32 $0x18D98;
	s18 =	sadd.s32 $0x20, s10  }
0x2b4: {  	[hbm4b:s18+s3] =	stream.linear.scatter [tilespmem:s16], [sflag:$0xA], $0x80, $0x38;
	[tilespmem:$0x1AE00] =	vst v63  }
0x2b5: {  	s6 =	simm.s32 $0x440;
	s20 =	sadd.s32 $0x30, s10;
	s11 =	simm.s32 $0x2200  }
0x2b6: {  	[hbm4b:s20+s3] =	stream.linear.scatter [tilespmem:s19], [sflag:$0xA], $0x80, $0x38;
	[tilespmem:$0x1AE00] =	vst v63  }
0x2b7: {  	s12 =	simm.s32 $0x18E20;
	s15 =	sadd.s32 $0x40, s10;
	s16 =	simm.s32 $0x18EA8  }
0x2b8: {  	[hbm4b:s15+s3] =	stream.linear.scatter [tilespmem:s12], [sflag:$0xA], $0x80, $0x38;
	[tilespmem:$0x1AE00] =	vst v63  }
0x2b9: {  	s18 =	sadd.s32 $0x50, s10;
	s19 =	simm.s32 $0x18F30;
	s20 =	sadd.s32 $0x60, s10  }
0x2ba: {  	[hbm4b:s18+s3] =	stream.linear.scatter [tilespmem:s16], [sflag:$0xA], $0x80, $0x38;
	[tilespmem:$0x1AE00] =	vst v63  }
0x2bb: {  	s15 =	simm.s32 $0x18FB8;
	s12 =	sadd.s32 $0x70, s10;
	s10 =	sadd.s32 $0x1000, s10  }
0x2bc: {  	[hbm4b:s20+s3] =	stream.linear.scatter [tilespmem:s19], [sflag:$0xA], $0x80, $0x38;
	[tilespmem:$0x1AE00] =	vst v63  }
.LBB2_21:
0x2bd: {  	[hbm4b:s12+s3] =	stream.linear.scatter [tilespmem:s15], [sflag:$0xA], $0x80, $0x38;
	[tilespmem:$0x1AE00] =	vst v63  }
0x2be: {  	s12 =	smov.u32 s6;
	s6 =	smov.u32 s11  }
0x2bf: {  	s16 =	sadd.s32 $0x1100, s11;
	s6 =	sshra.s32 s6, $0x2;
	s15 =	sadd.s32 $0x18C00, s12  }
0x2c0: {  	[hbm4b:s10+s3] =	stream.linear.scatter [tilespmem:s15], [sflag:$0xA], $0x80, $0x38;
	[tilespmem:$0x1AE00] =	vst v63  }
0x2c1: {  	p0 =	sne.s32 s11, $0x7700;
	s11 =	sadd.s32 $0x18C88, s12;
	s15 =	sadd.s32 $0x10, s10  }
0x2c2: {  	[hbm4b:s15+s3] =	stream.linear.scatter [tilespmem:s11], [sflag:$0xA], $0x80, $0x38;
	[tilespmem:$0x1AE00] =	vst v63  }
0x2c3: {  	s11 =	sadd.s32 $0x18D10, s12;
	s15 =	sadd.s32 $0x20, s10  }
0x2c4: {  	[hbm4b:s15+s3] =	stream.linear.scatter [tilespmem:s11], [sflag:$0xA], $0x80, $0x38;
	[tilespmem:$0x1AE00] =	vst v63  }
0x2c5: {  	s11 =	sadd.s32 $0x18D98, s12;
	s15 =	sadd.s32 $0x30, s10  }
0x2c6: {  	[hbm4b:s15+s3] =	stream.linear.scatter [tilespmem:s11], [sflag:$0xA], $0x80, $0x38;
	[tilespmem:$0x1AE00] =	vst v63  }
0x2c7: {  	s11 =	sadd.s32 $0x18E20, s12;
	s15 =	sadd.s32 $0x40, s10  }
0x2c8: {  	[hbm4b:s15+s3] =	stream.linear.scatter [tilespmem:s11], [sflag:$0xA], $0x80, $0x38;
	[tilespmem:$0x1AE00] =	vst v63  }
0x2c9: {  	s11 =	sadd.s32 $0x18EA8, s12;
	s15 =	sadd.s32 $0x50, s10  }
0x2ca: {  	[hbm4b:s15+s3] =	stream.linear.scatter [tilespmem:s11], [sflag:$0xA], $0x80, $0x38;
	[tilespmem:$0x1AE00] =	vst v63  }
.Ltmp9:
0x2cb: {  	_ = 	snop;
	(pc) =	sbr.rel @p0 .LBB2_21-.Ltmp9, $4  }
0x2cc: {  	s11 =	sadd.s32 $0x18F30, s12;
	s15 =	sadd.s32 $0x60, s10  }
0x2cd: {  	[hbm4b:s15+s3] =	stream.linear.scatter [tilespmem:s11], [sflag:$0xA], $0x80, $0x38;
	[tilespmem:$0x1AE00] =	vst v63  }
0x2ce: {  	s15 =	sadd.s32 $0x18FB8, s12  }
0x2cf: {  	s12 =	sadd.s32 $0x70, s10;
	s10 =	sadd.s32 $0x1000, s10;
	s11 =	smov.u32 s16  }
0x2d0: {  	[hbm4b:s12+s3] =	stream.linear.scatter [tilespmem:s15], [sflag:$0xA], $0x80, $0x38;
	[tilespmem:$0x1AE00] =	vst v63  }
0x2d1: {  	s11 =	sadd.s32 $0x18C00, s6  }
0x2d2: {  	[hbm4b:s10+s3] =	stream.linear.scatter [tilespmem:s11], [sflag:$0xA], $0x80, $0x38;
	[tilespmem:$0x1AE00] =	vst v63  }
0x2d3: {  	s19 =	sadd.s32 $0x18C88, s6;
	s20 =	sadd.s32 $0x10, s10  }
0x2d4: {  	[hbm4b:s20+s3] =	stream.linear.scatter [tilespmem:s19], [sflag:$0xA], $0x80, $0x38;
	[tilespmem:$0x1AE00] =	vst v63  }
0x2d5: {  	s12 =	sadd.s32 $0x18D10, s6;
	s15 =	sadd.s32 $0x20, s10  }
0x2d6: {  	[hbm4b:s15+s3] =	stream.linear.scatter [tilespmem:s12], [sflag:$0xA], $0x80, $0x38;
	[tilespmem:$0x1AE00] =	vst v63  }
0x2d7: {  	s16 =	sadd.s32 $0x18D98, s6;
	s18 =	sadd.s32 $0x30, s10  }
0x2d8: {  	[hbm4b:s18+s3] =	stream.linear.scatter [tilespmem:s16], [sflag:$0xA], $0x80, $0x38;
	[tilespmem:$0x1AE00] =	vst v63  }
0x2d9: {  	s17 =	sadd.s32 $0x1, s17;
	s19 =	sadd.s32 $0x18E20, s6;
	s20 =	sadd.s32 $0x40, s10  }
0x2da: {  	[hbm4b:s20+s3] =	stream.linear.scatter [tilespmem:s19], [sflag:$0xA], $0x80, $0x38;
	[tilespmem:$0x1AE00] =	vst v63  }
0x2db: {  	p0 =	sne.s32 s17, $0x28;
	s12 =	sadd.s32 $0x18EA8, s6;
	s15 =	sadd.s32 $0x50, s10  }
0x2dc: {  	[hbm4b:s15+s3] =	stream.linear.scatter [tilespmem:s12], [sflag:$0xA], $0x80, $0x38;
	[tilespmem:$0x1AE00] =	vst v63  }
.Ltmp10:
0x2dd: {  	_ = 	snop;
	(pc) =	sbr.rel @p0 .LBB2_2-.Ltmp10, $4  }
0x2de: {  	s16 =	sadd.s32 $0x18F30, s6;
	s18 =	sadd.s32 $0x60, s10  }
0x2df: {  	[hbm4b:s18+s3] =	stream.linear.scatter [tilespmem:s16], [sflag:$0xA], $0x80, $0x38;
	[tilespmem:$0x1AE00] =	vst v63  }
0x2e0: {  	s19 =	sadd.s32 $0x18FB8, s6;
	s20 =	sadd.s32 $0x70, s10  }
0x2e1: {  	[hbm4b:s20+s3] =	stream.linear.scatter [tilespmem:s19], [sflag:$0xA], $0x80, $0x38;
	[tilespmem:$0x1AE00] =	vst v63  }
0x2e2: {  	s10 =	simm.s32 $0xA  }
0x2e3: {  	_ =	swait.ge [sflag:s10], $0x2000  }
0x2e4: {  	s11 =	rddreg [dreg:$0x5]  }
0x2e5: {  	s6 =	rddreg [dreg:$0x4];
	s11 =	sadd.s32 $0x1, s11  }
0x2e6: {  	p0 =	sne.s32 s11, s6  }
.Ltmp11:
0x2e7: {  	_ = 	snop;
	(pc) =	sbr.rel @p0 .LBB2_1-.Ltmp11, $3  }
0x2e8: {  	_ =	sdelay $0x1  }
0x2e9: {  	[sflag:s10] =	ssyncset.done $0x0  }
0x2ea: {  	[sflag:s10] =	ssyncadd.s32 $0xFFFFE000  }
0x2eb: {  	_ =	sfence.sel $0x180000  }
0x2ec: {  	[bflag:$0x0] =	sbarrier.arrive $0xFFFF  }
0x2ed: {  	_ =	strace $0x90000047  }
0x2ee: {  	s0 =	stileid.u32;
	[bflag:$0x2] =	sbarrier.arrive $0xFFFF  }
0x2ef: {  	p0 =	sne.s32 s0, $0x0;
	s0 =	rddreg [dreg:$0x2]  }
0x2f0: {  	s0 =	sadd.s32 @!p0 $0x100000, s0  }
0x2f1: {  	[sflag:s0] =	ssyncadd.tile.s32 @!p0 $0x1;
	_ =	shalt  }
.Lfunc_end2:
_tile_overlayer_lowered:
.L_overlay_start_2:
0x2f2: {  	(tag) =	ssettag $0x2  }
0x2f3: {  	s0 =	rddreg [dreg:$0x0];
	s2 =	stileid.u32  }
0x2f4: {  	s1 =	rddreg [dreg:$0x1];
	p0 =	sne.s32 s2, $0x0  }
0x2f5: {  	s3 =	rddreg [dreg:$0x2];
	[bflag:$0x3] =	sbarrier.arrive $0xFFFF;
	s2 =	simm.s32 @!p0 $0x1C0B  }
0x2f6: {  	[timem:s3], [sflag:s2] =	dma.local @!p0 [hbm:s0], s1  }
0x2f7: {  	s0 =	simm.s32 @!p0 $0xB  }
0x2f8: {  	_ =	swait.ge @!p0 [sflag:s0], s1  }
0x2f9: {  	s1 =	ssub.s32 @!p0 $0x0, s1;
	[sflag:s0] =	ssyncset.done @!p0 $0x0  }
0x2fa: {  	[sflag:s0] =	ssyncadd.s32 @!p0 s1  }
0x2fb: {  	[bflag:$0x3] =	sbarrier.arrive $0xFFFF  }
0x2fc: {  	_ =	shalt  }

</sc_bundles>
